<compile_context>
chip_gen: v7x
topology: tpu7x:2x2x1
jax: 0.10.2.dev20260603
libtpu: 0.0.44.dev20260713+nightly
codegen_flags: <defaults>
</compile_context>

<pallas_src>
import functools

import jax
import jax.numpy as jnp
from jax import lax
from jax.experimental import pallas as pl
from jax.experimental.pallas import tpu as pltpu
from jax.experimental.pallas import tpu_sc as plsc

N_NODES = 100000
D_FEAT = 128
N_EDGES = 1600000
N_JOBS = 400
N_ENVS = 16
JOBS_PER_ENV = 25
OPS_PER_JOB = 250
N_WORKERS = 50
DIM_EMBED = 16
NUM_DAG_FEATURES = 8

NC = 2
NS = 16
NW = NC * NS
CHUNK = 128
K_CH = 392
E_PAD = NW * K_CH * CHUNK
PAD_IDX = N_NODES

BLK = 2000
GRID = N_NODES // BLK
JOBS_BLK = BLK // OPS_PER_JOB
N_TAB = N_NODES + BLK

_mesh = plsc.VectorSubcoreMesh(
    core_axis_name="c", subcore_axis_name="s", num_cores=NC, num_subcores=NS)



def _sc_deg_body(col_hbm, zeros_hbm, deg_out, col_v, ones_v, deg_sh):
    cid = lax.axis_index("c")
    sid = lax.axis_index("s")
    wid = cid * NS + sid

    @pl.when(sid == 0)
    def _():
        pltpu.sync_copy(zeros_hbm, deg_sh)

    for i in range(CHUNK // 16):
        ones_v[pl.ds(i * 16, 16)] = jnp.ones((16,), jnp.float32)
    pltpu.sync_copy(col_hbm.at[wid], col_v)
    plsc.subcore_barrier()

    def body(j, carry):
        pltpu.sync_copy(ones_v, deg_sh.at[col_v.at[j]], add=True)
        return carry

    lax.fori_loop(0, K_CH, body, 0)
    plsc.subcore_barrier()

    @pl.when(sid == 0)
    def _():
        pltpu.sync_copy(deg_sh, deg_out.at[cid])


_sc_deg = functools.partial(
    pl.kernel,
    out_type=jax.ShapeDtypeStruct((NC, N_TAB), jnp.float32),
    mesh=_mesh,
    scratch_types=[
        pltpu.VMEM((K_CH, CHUNK), jnp.int32),
        pltpu.VMEM((CHUNK,), jnp.float32),
        pltpu.VMEM_SHARED((N_TAB,), jnp.float32),
    ],
)(_sc_deg_body)


IB = 56
NB = K_CH // IB


NP2 = IB // 2


def _sc_aggr_body(row_hbm, col_hbm, h2_hbm, zeros_hbm, s_out,
                  row_v, col_v, vals_a, vals_b, sem_a, sem_b, s_sh):
    cid = lax.axis_index("c")
    sid = lax.axis_index("s")
    wid = cid * NS + sid

    @pl.when(sid == 0)
    def _():
        pltpu.sync_copy(zeros_hbm, s_sh)

    plsc.subcore_barrier()

    def outer(b, carry):
        pltpu.sync_copy(row_hbm.at[wid].at[pl.ds(b * IB, IB)], row_v)
        pltpu.sync_copy(col_hbm.at[wid].at[pl.ds(b * IB, IB)], col_v)
        pltpu.async_copy(h2_hbm.at[col_v.at[0]], vals_a, sem_a)

        def body(j2, c):
            j = j2 * 2
            pltpu.async_copy(h2_hbm.at[col_v.at[j + 1]], vals_b, sem_b)
            pltpu.make_async_copy(h2_hbm.at[col_v.at[j]], vals_a, sem_a).wait()
            pltpu.sync_copy(vals_a, s_sh.at[row_v.at[j]], add=True)

            @pl.when(j2 < NP2 - 1)
            def _():
                pltpu.async_copy(h2_hbm.at[col_v.at[j + 2]], vals_a, sem_a)

            pltpu.make_async_copy(h2_hbm.at[col_v.at[j + 1]], vals_b,
                                  sem_b).wait()
            pltpu.sync_copy(vals_b, s_sh.at[row_v.at[j + 1]], add=True)
            return c

        return lax.fori_loop(0, NP2, body, carry)

    lax.fori_loop(0, NB, outer, 0)
    plsc.subcore_barrier()

    @pl.when(sid == 0)
    def _():
        pltpu.sync_copy(s_sh, s_out.at[cid])


_sc_aggr = functools.partial(
    pl.kernel,
    out_type=jax.ShapeDtypeStruct((NC, N_TAB, 8), jnp.float32),
    mesh=_mesh,
    compiler_params=pltpu.CompilerParams(use_tc_tiling_on_sc=False),
    scratch_types=[
        pltpu.VMEM((IB, CHUNK), jnp.int32),
        pltpu.VMEM((IB, CHUNK), jnp.int32),
        pltpu.VMEM((CHUNK, 8), jnp.float32),
        pltpu.VMEM((CHUNK, 8), jnp.float32),
        pltpu.SemaphoreType.DMA,
        pltpu.SemaphoreType.DMA,
        pltpu.VMEM_SHARED((N_TAB, 8), jnp.float32),
    ],
)(_sc_aggr_body)



def _relu(v):
    return jnp.maximum(v, 0.0)


def _dot(a, b):
    return jnp.dot(a, b, preferred_element_type=jnp.float32,
                   precision=lax.Precision.HIGHEST)


def _tc1_body(x_ref, w11, b11, w12, b12, w13, b13, wxn, wxs,
              h_o, xsn_o, xss_o):
    x = x_ref[...]
    t = _relu(_dot(x, w11[...]) + b11[...])
    t = _relu(_dot(t, w12[...]) + b12[...])
    h_o[...] = _dot(t, w13[...]) + b13[...]
    xsn_o[...] = _dot(x, wxn[...])
    xss_o[...] = _dot(x, wxs[...])


def _tc15_body(degp_ref, h_ref, h2_o, dis_o):
    i = pl.program_id(0)
    degp = degp_ref[...]
    deg = degp[0] + degp[1] + 1.0
    dis = lax.rsqrt(deg)
    rowid = lax.broadcasted_iota(jnp.int32, (BLK, 1), 0) + i * BLK
    mask = rowid < N_NODES
    h2_o[...] = jnp.where(mask, dis * h_ref[...], 0.0)
    dis_o[...] = dis


def _tc2_body(h_ref, xsn_ref, xss_ref, sp_ref, dis_ref,
              w21, b21, w22, b22, w23, b23,
              wn1e, bn1, wn2, bn2, wn3, bn3, ws1e,
              dag_o, pre1_o):
    sp = sp_ref[...]
    s = sp[0] + sp[1]
    dis = dis_ref[...]
    aggr = dis * (s + dis * h_ref[...])
    e = _relu(_dot(aggr, w21[...]) + b21[...])
    e = _relu(_dot(e, w22[...]) + b22[...])
    ne = _dot(e, w23[...]) + b23[...]
    t = _relu(xsn_ref[...] + _dot(ne, wn1e[...]) + bn1[...])
    t = _relu(_dot(t, wn2[...]) + bn2[...])
    nm = _dot(t, wn3[...]) + bn3[...]
    r = lax.broadcasted_iota(jnp.int32, (JOBS_BLK, BLK), 0)
    c = lax.broadcasted_iota(jnp.int32, (JOBS_BLK, BLK), 1) // OPS_PER_JOB
    oh = (r == c).astype(jnp.float32)
    dag_o[...] = _dot(oh, nm)
    pre1_o[...] = xss_ref[...] + _dot(ne, ws1e[...])


def _tc3_body(pre1_ref, add1_ref, ws2, bs2, ws3, bs3, o_ref):
    r = lax.broadcasted_iota(jnp.int32, (BLK, JOBS_BLK), 0) // OPS_PER_JOB
    c = lax.broadcasted_iota(jnp.int32, (BLK, JOBS_BLK), 1)
    oh = (r == c).astype(jnp.float32)
    a = _dot(oh, add1_ref[...])
    z = _relu(pre1_ref[...] + a)
    z = _relu(_dot(z, ws2[...]) + bs2[...])
    o_ref[...] = _dot(z, ws3[...]) + bs3[...]


def _tc_dag_body(de_ref, df_ref,
                 wd1, bd1, wd2, bd2, wd3, bd3,
                 ws1d, ws1g, bs1,
                 wq_df, wq_de, wq_g, wq_w, bq1, wq2, bq2, wq3, bq3,
                 add1_o, prlvl_o):
    de = de_ref[...]
    d = _relu(_dot(de, wd1[...]) + bd1[...])
    d = _relu(_dot(d, wd2[...]) + bd2[...])
    d2 = _dot(d, wd3[...]) + bd3[...]
    r = lax.broadcasted_iota(jnp.int32, (N_ENVS, N_JOBS), 0)
    c = lax.broadcasted_iota(jnp.int32, (N_ENVS, N_JOBS), 1) // JOBS_PER_ENV
    oh = (r == c).astype(jnp.float32)
    glob = _dot(oh, d2)
    globr = _dot(oh.T, glob)
    add1_o[...] = _dot(de, ws1d[...]) + _dot(globr, ws1g[...]) + bs1[...]
    base = (_dot(df_ref[...], wq_df[...]) + _dot(de, wq_de[...])
            + _dot(globr, wq_g[...]) + bq1[...])
    cols = []
    for w in range(N_WORKERS):
        z = _relu(base + float(w) * wq_w[...])
        z = _relu(_dot(z, wq2[...]) + bq2[...])
        cols.append(_dot(z, wq3[...]) + bq3[...])
    prlvl_o[...] = jnp.concatenate(cols, axis=1)


def _full(shape):
    return pl.BlockSpec(shape, lambda *_: tuple(0 for _ in shape))


def _tc1_call(x, mlp1, wxn, wxs):
    (w11, b11), (w12, b12), (w13, b13) = mlp1
    spec_w = [_full(w.shape) for w in
              (w11, b11, w12, b12, w13, b13, wxn, wxs)]
    return pl.pallas_call(
        _tc1_body,
        grid=(GRID,),
        in_specs=[pl.BlockSpec((BLK, D_FEAT), lambda i: (i, 0))] + spec_w,
        out_specs=[
            pl.BlockSpec((BLK, 8), lambda i: (i, 0)),
            pl.BlockSpec((BLK, 16), lambda i: (i, 0)),
            pl.BlockSpec((BLK, 16), lambda i: (i, 0)),
        ],
        out_shape=[
            jax.ShapeDtypeStruct((N_TAB, 8), jnp.float32),
            jax.ShapeDtypeStruct((N_NODES, 16), jnp.float32),
            jax.ShapeDtypeStruct((N_NODES, 16), jnp.float32),
        ],
    )(x, w11, b11, w12, b12, w13, b13, wxn, wxs)


def _tc15_call(deg_parts, h_pad):
    return pl.pallas_call(
        _tc15_body,
        grid=(N_TAB // BLK,),
        in_specs=[
            pl.BlockSpec((NC, BLK, 1), lambda i: (0, i, 0)),
            pl.BlockSpec((BLK, 8), lambda i: (i, 0)),
        ],
        out_specs=[
            pl.BlockSpec((BLK, 8), lambda i: (i, 0)),
            pl.BlockSpec((BLK, 1), lambda i: (i, 0)),
        ],
        out_shape=[
            jax.ShapeDtypeStruct((N_TAB, 8), jnp.float32),
            jax.ShapeDtypeStruct((N_TAB, 1), jnp.float32),
        ],
    )(deg_parts, h_pad)


def _tc2_call(h_pad, xsn, xss, s_parts, dis, mlp2, wn1e, bn1, wn2, bn2,
              wn3, bn3, ws1e):
    (w21, b21), (w22, b22), (w23, b23) = mlp2
    ws = (w21, b21, w22, b22, w23, b23, wn1e, bn1, wn2, bn2, wn3, bn3, ws1e)
    return pl.pallas_call(
        _tc2_body,
        grid=(GRID,),
        in_specs=[
            pl.BlockSpec((BLK, 8), lambda i: (i, 0)),
            pl.BlockSpec((BLK, 16), lambda i: (i, 0)),
            pl.BlockSpec((BLK, 16), lambda i: (i, 0)),
            pl.BlockSpec((NC, BLK, 8), lambda i: (0, i, 0)),
            pl.BlockSpec((BLK, 1), lambda i: (i, 0)),
        ] + [_full(w.shape) for w in ws],
        out_specs=[
            pl.BlockSpec((JOBS_BLK, 16), lambda i: (i, 0)),
            pl.BlockSpec((BLK, 16), lambda i: (i, 0)),
        ],
        out_shape=[
            jax.ShapeDtypeStruct((N_JOBS, 16), jnp.float32),
            jax.ShapeDtypeStruct((N_NODES, 16), jnp.float32),
        ],
    )(h_pad, xsn, xss, s_parts, dis, *ws)


def _tc3_call(pre1, add1, ws2, bs2, ws3, bs3):
    ws = (ws2, bs2, ws3, bs3)
    return pl.pallas_call(
        _tc3_body,
        grid=(GRID,),
        in_specs=[
            pl.BlockSpec((BLK, 16), lambda i: (i, 0)),
            pl.BlockSpec((JOBS_BLK, 16), lambda i: (i, 0)),
        ] + [_full(w.shape) for w in ws],
        out_specs=pl.BlockSpec((BLK, 1), lambda i: (i, 0)),
        out_shape=jax.ShapeDtypeStruct((N_NODES, 1), jnp.float32),
    )(pre1, add1, *ws)


def _tc_dag_call(dag_emb, dag_feat, wlist):
    return pl.pallas_call(
        _tc_dag_body,
        grid=(1,),
        in_specs=[_full(dag_emb.shape), _full(dag_feat.shape)]
        + [_full(w.shape) for w in wlist],
        out_specs=[
            _full((N_JOBS, 16)),
            _full((N_JOBS, N_WORKERS)),
        ],
        out_shape=[
            jax.ShapeDtypeStruct((N_JOBS, 16), jnp.float32),
            jax.ShapeDtypeStruct((N_JOBS, N_WORKERS), jnp.float32),
        ],
    )(dag_emb, dag_feat, *wlist)



def kernel(x, edge_index, batch, ptr, num_jobs_per_env, n_workers, params):
    f32 = jnp.float32
    n_jobs = ptr.shape[0] - 1
    n_envs = num_jobs_per_env.shape[0]

    num_ops_per_job = ptr[1:] - ptr[:-1]
    env_indptr = jnp.concatenate(
        [jnp.zeros((1,), num_jobs_per_env.dtype), jnp.cumsum(num_jobs_per_env)])
    num_ops_per_env = num_ops_per_job.reshape(n_envs, JOBS_PER_ENV).sum(axis=1)

    p = params

    def _t(layer):
        w, b = layer
        return w.T, b.reshape(1, -1)

    mlp1 = [_t(l) for l in p['mlp1']]
    wn1, bn1 = p['mlp_node'][0]
    bn1 = bn1.reshape(1, -1)
    wxn = wn1[:, :D_FEAT].T
    wn1e = wn1[:, D_FEAT:].T
    ws1, bs1 = p['mlp_node_score'][0]
    bs1 = bs1.reshape(1, -1)
    wxs = ws1[:, :D_FEAT].T
    ws1e = ws1[:, D_FEAT:D_FEAT + 16].T
    ws1d = ws1[:, D_FEAT + 16:D_FEAT + 32].T
    ws1g = ws1[:, D_FEAT + 32:].T
    mlp2 = [_t(l) for l in p['mlp2']]
    (wn2_, bn2), (wn3_, bn3) = [_t(l) for l in p['mlp_node'][1:]]
    (ws2, bs2), (ws3, bs3) = [_t(l) for l in p['mlp_node_score'][1:]]
    mlp_dag_t = [_t(l) for l in p['mlp_dag']]
    wq1, bq1 = p['mlp_dag_score'][0]
    bq1 = bq1.reshape(1, -1)
    wq_df = wq1[:, :NUM_DAG_FEATURES].T
    wq_de = wq1[:, NUM_DAG_FEATURES:NUM_DAG_FEATURES + 16].T
    wq_g = wq1[:, NUM_DAG_FEATURES + 16:NUM_DAG_FEATURES + 32].T
    wq_w = wq1[:, NUM_DAG_FEATURES + 32].reshape(1, -1)
    (wq2, bq2), (wq3, bq3) = [_t(l) for l in p['mlp_dag_score'][1:]]

    pad = jnp.full((2, E_PAD - N_EDGES), PAD_IDX, jnp.int32)
    ei_p = jnp.concatenate([edge_index, pad], axis=1).reshape(
        2, NW, K_CH, CHUNK)
    row_t, col_t = ei_p[0], ei_p[1]

    zeros1 = jnp.zeros((N_TAB,), f32)
    zeros2 = jnp.zeros((N_TAB, 8), f32)

    deg_parts = _sc_deg(col_t, zeros1)
    h_pad, xsn, xss = _tc1_call(x, mlp1, wxn, wxs)

    h2, dis = _tc15_call(deg_parts.reshape(NC, N_TAB, 1), h_pad)

    s_parts = _sc_aggr(row_t, col_t, h2, zeros2)

    dag_emb, pre1 = _tc2_call(h_pad, xsn, xss, s_parts, dis, mlp2,
                              wn1e, bn1, wn2_, bn2, wn3_, bn3, ws1e)

    dag_feat = x.reshape(N_JOBS, OPS_PER_JOB, D_FEAT)[:, 0, :NUM_DAG_FEATURES]
    (wd1, bd1), (wd2, bd2), (wd3, bd3) = mlp_dag_t
    wlist = (wd1, bd1, wd2, bd2, wd3, bd3, ws1d, ws1g, bs1,
             wq_df, wq_de, wq_g, wq_w, bq1, wq2, bq2, wq3, bq3)
    add1, prlvl_scores = _tc_dag_call(dag_emb, dag_feat, wlist)

    op_scores = _tc3_call(pre1, add1, ws2, bs2, ws3, bs3)[:, 0]

    return op_scores, prlvl_scores, num_ops_per_env, env_indptr

# --- scband reference (transcript-rebuilt; emitter-appended) ---
"""Pipeline reference for scband-actor-network-15384572854478 (READ-ONLY COPY).

The authoritative reference and input builder live on the scoring server;
editing this copy changes nothing except your own understanding.
"""

import jax, jax.numpy as jnp
import numpy as np

N_NODES = 100000
D_FEAT = 128
N_EDGES = 1600000
N_JOBS = 400
N_ENVS = 16
JOBS_PER_ENV = 25
OPS_PER_JOB = 250
N_WORKERS = 50
DIM_EMBED = 16
NUM_DAG_FEATURES = 8


def _lin(key, i, o):
    k1, k2 = jax.random.split(key)
    W = jax.random.normal(k1, (o, i), jnp.float32) * 0.1
    b = jax.random.normal(k2, (o,), jnp.float32) * 0.01
    return (W, b)


def _mlp_params(key, dims):
    keys = jax.random.split(key, len(dims) - 1)
    return [_lin(keys[i], dims[i], dims[i + 1]) for i in range(len(dims) - 1)]


def _mlp(x, layers):
    n = len(layers)
    for i, (W, b) in enumerate(layers):
        x = x @ W.T + b
        if i < n - 1:
            x = jax.nn.relu(x)
    return x


def setup_inputs(seed: int = 0):
    key = jax.random.key(seed)
    ks = jax.random.split(key, 10)
    x = jax.random.normal(ks[0], (N_NODES, D_FEAT), jnp.float32)
    edge_index = jax.random.randint(ks[1], (2, N_EDGES), 0, N_NODES, dtype=jnp.int32)
    batch = jnp.repeat(jnp.arange(N_JOBS, dtype=jnp.int32), OPS_PER_JOB)
    ptr = jnp.arange(N_JOBS + 1, dtype=jnp.int32) * OPS_PER_JOB
    num_jobs_per_env = jnp.full((N_ENVS,), JOBS_PER_ENV, dtype=jnp.int32)
    params = {
        'mlp1': _mlp_params(ks[2], [D_FEAT, 16, 8, 8]),
        'mlp2': _mlp_params(ks[3], [8, 16, 8, DIM_EMBED]),
        'mlp_node': _mlp_params(ks[4], [D_FEAT + DIM_EMBED, 16, 8, DIM_EMBED]),
        'mlp_dag': _mlp_params(ks[5], [DIM_EMBED, 16, 8, DIM_EMBED]),
        'mlp_node_score': _mlp_params(ks[6], [D_FEAT + 3 * DIM_EMBED, 16, 8, 1]),
        'mlp_dag_score': _mlp_params(ks[7], [NUM_DAG_FEATURES + 2 * DIM_EMBED + 1, 16, 8, 1]),
    }
    return {'x': x, 'edge_index': edge_index, 'batch': batch, 'ptr': ptr,
            'num_jobs_per_env': num_jobs_per_env, 'n_workers': N_WORKERS, 'params': params}


def _forward(x, params, edge_index, batch, ptr, num_jobs_per_env, n_workers):
    N = x.shape[0]
    n_jobs = ptr.shape[0] - 1
    n_envs = num_jobs_per_env.shape[0]
    # _bookkeep
    num_ops_per_job = ptr[1:] - ptr[:-1]
    env_indptr = jnp.concatenate([jnp.zeros((1,), dtype=num_jobs_per_env.dtype), jnp.cumsum(num_jobs_per_env)])
    env_ids = jnp.repeat(jnp.arange(n_envs), num_jobs_per_env, total_repeat_length=n_jobs)
    num_ops_per_env = jax.ops.segment_sum(num_ops_per_job, env_ids, num_segments=n_envs)
    # GCNConv with self loops, flow='target_to_source' (aggregate x[col] at row)
    loops = jnp.arange(N, dtype=edge_index.dtype)
    ei = jnp.concatenate([edge_index, jnp.stack([loops, loops])], axis=1)
    row, col = ei[0], ei[1]
    h = _mlp(x, params['mlp1'])
    deg = jax.ops.segment_sum(jnp.ones((ei.shape[1],), dtype=x.dtype), col, num_segments=N)
    dis = jnp.where(deg > 0, jax.lax.rsqrt(jnp.where(deg > 0, deg, 1.0)), 0.0)
    norm = dis[row] * dis[col]
    msgs = norm[:, None] * h[col]
    aggr = jax.ops.segment_sum(msgs, row, num_segments=N)
    node_emb = _mlp(aggr, params['mlp2'])
    # dag embeddings (global_add_pool over batch)
    nodes_merged = _mlp(jnp.concatenate([x, node_emb], axis=1), params['mlp_node'])
    dag_emb = jax.ops.segment_sum(nodes_merged, batch, num_segments=n_jobs)
    # global embeddings (mlp_dag then segment_add_csr over env_indptr)
    glob = jax.ops.segment_sum(_mlp(dag_emb, params['mlp_dag']), env_ids, num_segments=n_envs)
    # op scores
    dag_rep = jnp.repeat(dag_emb, num_ops_per_job, axis=0, total_repeat_length=N)
    glob_rep = jnp.repeat(glob, num_ops_per_env, axis=0, total_repeat_length=N)
    node_inputs = jnp.concatenate([x, node_emb, dag_rep, glob_rep], axis=1)
    op_scores = _mlp(node_inputs, params['mlp_node_score'])[:, 0]
    # prlvl scores
    dag_feat = x[ptr[:-1], :NUM_DAG_FEATURES]
    worker_actions = jnp.tile(jnp.arange(N_WORKERS, dtype=x.dtype), n_jobs)[:, None]
    merged = jnp.concatenate([dag_feat, dag_emb], axis=1)
    merged_rep = jnp.repeat(merged, n_workers, axis=0, total_repeat_length=n_jobs * N_WORKERS)
    glob_rep2 = jnp.repeat(glob, num_jobs_per_env * n_workers, axis=0, total_repeat_length=n_jobs * N_WORKERS)
    dag_inputs = jnp.concatenate([merged_rep, glob_rep2, worker_actions], axis=1)
    dag_inputs = dag_inputs.reshape(n_jobs, N_WORKERS, -1)
    prlvl_scores = _mlp(dag_inputs, params['mlp_dag_score'])[..., 0]
    return op_scores, prlvl_scores, num_ops_per_env, env_indptr


def reference(x, edge_index, batch, ptr, num_jobs_per_env, n_workers, params):
    return _forward(x, params, edge_index, batch, ptr, num_jobs_per_env, n_workers)

if __name__ == "__main__":
    import jax
    _d = setup_inputs()
    print(jax.jit(kernel)(*tuple(_d.values())))

</pallas_src>

<mosaic_0001>
#map = affine_map<(d0, d1) -> (0, 0, 0)>
#map1 = affine_map<(d0, d1) -> (0, 0)>
module attributes {stable_mosaic.version = 14 : i64} {
  func.func @_sc_aggr_body(%arg0: i32, %arg1: i32, %arg2: memref<32x392x128xi32, #tpu.memory_space<hbm>>, %arg3: memref<32x392x128xi32, #tpu.memory_space<hbm>>, %arg4: memref<102000x8xf32, #tpu.memory_space<hbm>>, %arg5: memref<102000x8xf32, #tpu.memory_space<hbm>>, %arg6: memref<2x102000x8xf32, #tpu.memory_space<hbm>>, %arg7: memref<56x128xi32, #tpu.memory_space<vmem>>, %arg8: memref<56x128xi32, #tpu.memory_space<vmem>>, %arg9: memref<128x8xf32, #tpu.memory_space<vmem>>, %arg10: memref<128x8xf32, #tpu.memory_space<vmem>>, %arg11: memref<!tpu.dma_semaphore, #tpu.memory_space<semaphore_mem>>, %arg12: memref<!tpu.dma_semaphore, #tpu.memory_space<semaphore_mem>>, %arg13: memref<102000x8xf32, #tpu.memory_space<vmem_shared>>) attributes {dimension_semantics = [#tpu.dimension_semantics<core_parallel>, #tpu.dimension_semantics<subcore_parallel>], iteration_bounds = array<i64: 2, 16>, scalar_prefetch = 0 : i64, scratch_operands = 7 : i64, tpu.core_type = #tpu.core_type<sc_vector_subcore>, window_params = [{transform_indices = #map}, {transform_indices = #map}, {transform_indices = #map1}, {transform_indices = #map1}, {transform_indices = #map}]} {
    %mul3A = arith.constant 16 : i32
    %mul3A_0 = arith.muli %arg0, %mul3A : i32
    %add3A = arith.addi %mul3A_0, %arg1 : i32
    %eq3A = arith.constant 0 : i32
    %eq3A_1 = arith.cmpi eq, %arg1, %eq3A : i32
    %convert_element_type3A = arith.extui %eq3A_1 : i1 to i32
    %cond3A = arith.constant 0 : i32
    %cond3A_2 = arith.cmpi ne, %convert_element_type3A, %cond3A : i32
    scf.if %cond3A_2 {
      "tpu.region"() ({
        %run_scoped3A = tpu.sem_alloc : memref<!tpu.dma_semaphore, #tpu.memory_space<semaphore_mem>>
        tpu.enqueue_dma source(%arg5 : memref<102000x8xf32, #tpu.memory_space<hbm>>) target(%arg13 : memref<102000x8xf32, #tpu.memory_space<vmem_shared>>) target_semaphore(%run_scoped3A : memref<!tpu.dma_semaphore, #tpu.memory_space<semaphore_mem>>)
        tpu.wait_dma2 semaphore(%run_scoped3A : memref<!tpu.dma_semaphore, #tpu.memory_space<semaphore_mem>>) src(%arg5 : memref<102000x8xf32, #tpu.memory_space<hbm>>) dst(%arg13 : memref<102000x8xf32, #tpu.memory_space<vmem_shared>>)
        tpu.yield
      }) : () -> ()
    } else {
    }
    %barrier3A = arith.constant 0 : index
    tpu.barrier barrier_id(%barrier3A)
    %scan3A = arith.constant 0 : i32
    %scan3A_3 = arith.constant 0 : i32
    %scan3A_4 = arith.constant 7 : i32
    %scan3A_5 = arith.addi %scan3A_3, %scan3A_4 : i32
    %scan3A_6 = arith.constant 1 : i32
    scf.for %scan3A_14 = %scan3A_3 to %scan3A_5 step %scan3A_6  : i32 {
      %mul3A_15 = arith.constant 56 : i32
      %mul3A_16 = arith.muli %scan3A_14, %mul3A_15 : i32
      "tpu.region"() ({
        %run_scoped3A = tpu.sem_alloc : memref<!tpu.dma_semaphore, #tpu.memory_space<semaphore_mem>>
        %dma_start3A_30 = arith.constant 0 : i32
        %dma_start3A_31 = arith.constant 0 : i32
        %dma_start3A_32 = tpu.memref_slice %arg2[%add3A, %dma_start3A_30, %dma_start3A_31] : memref<32x392x128xi32, #tpu.memory_space<hbm>> -> memref<1x392x128xi32, #tpu.memory_space<hbm>>
        %dma_start3A_33 = tpu.memref_squeeze %dma_start3A_32 : memref<1x392x128xi32, #tpu.memory_space<hbm>> -> memref<392x128xi32, #tpu.memory_space<hbm>>
        %dma_start3A_34 = arith.constant 0 : i32
        %dma_start3A_35 = tpu.memref_slice %dma_start3A_33[%mul3A_16, %dma_start3A_34] : memref<392x128xi32, #tpu.memory_space<hbm>> -> memref<56x128xi32, #tpu.memory_space<hbm>>
        %dma_start3A_36 = arith.constant 0 : i32
        %dma_start3A_37 = arith.constant 0 : i32
        %dma_start3A_38 = tpu.memref_slice %arg2[%add3A, %dma_start3A_36, %dma_start3A_37] : memref<32x392x128xi32, #tpu.memory_space<hbm>> -> memref<1x392x128xi32, #tpu.memory_space<hbm>>
        %dma_start3A_39 = tpu.memref_squeeze %dma_start3A_38 : memref<1x392x128xi32, #tpu.memory_space<hbm>> -> memref<392x128xi32, #tpu.memory_space<hbm>>
        %dma_start3A_40 = arith.constant 0 : i32
        %dma_start3A_41 = tpu.memref_slice %dma_start3A_39[%mul3A_16, %dma_start3A_40] : memref<392x128xi32, #tpu.memory_space<hbm>> -> memref<56x128xi32, #tpu.memory_space<hbm>>
        tpu.enqueue_dma source(%dma_start3A_41 : memref<56x128xi32, #tpu.memory_space<hbm>>) target(%arg7 : memref<56x128xi32, #tpu.memory_space<vmem>>) target_semaphore(%run_scoped3A : memref<!tpu.dma_semaphore, #tpu.memory_space<semaphore_mem>>)
        %dma_wait3A = arith.constant 0 : i32
        %dma_wait3A_42 = arith.constant 0 : i32
        %dma_wait3A_43 = tpu.memref_slice %arg2[%add3A, %dma_wait3A, %dma_wait3A_42] : memref<32x392x128xi32, #tpu.memory_space<hbm>> -> memref<1x392x128xi32, #tpu.memory_space<hbm>>
        %dma_wait3A_44 = tpu.memref_squeeze %dma_wait3A_43 : memref<1x392x128xi32, #tpu.memory_space<hbm>> -> memref<392x128xi32, #tpu.memory_space<hbm>>
        %dma_wait3A_45 = arith.constant 0 : i32
        %dma_wait3A_46 = tpu.memref_slice %dma_wait3A_44[%mul3A_16, %dma_wait3A_45] : memref<392x128xi32, #tpu.memory_space<hbm>> -> memref<56x128xi32, #tpu.memory_space<hbm>>
        %dma_wait3A_47 = arith.constant 0 : i32
        %dma_wait3A_48 = arith.constant 0 : i32
        %dma_wait3A_49 = tpu.memref_slice %arg2[%add3A, %dma_wait3A_47, %dma_wait3A_48] : memref<32x392x128xi32, #tpu.memory_space<hbm>> -> memref<1x392x128xi32, #tpu.memory_space<hbm>>
        %dma_wait3A_50 = tpu.memref_squeeze %dma_wait3A_49 : memref<1x392x128xi32, #tpu.memory_space<hbm>> -> memref<392x128xi32, #tpu.memory_space<hbm>>
        %dma_wait3A_51 = arith.constant 0 : i32
        %dma_wait3A_52 = tpu.memref_slice %dma_wait3A_50[%mul3A_16, %dma_wait3A_51] : memref<392x128xi32, #tpu.memory_space<hbm>> -> memref<56x128xi32, #tpu.memory_space<hbm>>
        tpu.wait_dma2 semaphore(%run_scoped3A : memref<!tpu.dma_semaphore, #tpu.memory_space<semaphore_mem>>) src(%dma_wait3A_52 : memref<56x128xi32, #tpu.memory_space<hbm>>) dst(%arg7 : memref<56x128xi32, #tpu.memory_space<vmem>>)
        tpu.yield
      }) : () -> ()
      %mul3A_17 = arith.constant 56 : i32
      %mul3A_18 = arith.muli %scan3A_14, %mul3A_17 : i32
      "tpu.region"() ({
        %run_scoped3A = tpu.sem_alloc : memref<!tpu.dma_semaphore, #tpu.memory_space<semaphore_mem>>
        %dma_start3A_30 = arith.constant 0 : i32
        %dma_start3A_31 = arith.constant 0 : i32
        %dma_start3A_32 = tpu.memref_slice %arg3[%add3A, %dma_start3A_30, %dma_start3A_31] : memref<32x392x128xi32, #tpu.memory_space<hbm>> -> memref<1x392x128xi32, #tpu.memory_space<hbm>>
        %dma_start3A_33 = tpu.memref_squeeze %dma_start3A_32 : memref<1x392x128xi32, #tpu.memory_space<hbm>> -> memref<392x128xi32, #tpu.memory_space<hbm>>
        %dma_start3A_34 = arith.constant 0 : i32
        %dma_start3A_35 = tpu.memref_slice %dma_start3A_33[%mul3A_18, %dma_start3A_34] : memref<392x128xi32, #tpu.memory_space<hbm>> -> memref<56x128xi32, #tpu.memory_space<hbm>>
        %dma_start3A_36 = arith.constant 0 : i32
        %dma_start3A_37 = arith.constant 0 : i32
        %dma_start3A_38 = tpu.memref_slice %arg3[%add3A, %dma_start3A_36, %dma_start3A_37] : memref<32x392x128xi32, #tpu.memory_space<hbm>> -> memref<1x392x128xi32, #tpu.memory_space<hbm>>
        %dma_start3A_39 = tpu.memref_squeeze %dma_start3A_38 : memref<1x392x128xi32, #tpu.memory_space<hbm>> -> memref<392x128xi32, #tpu.memory_space<hbm>>
        %dma_start3A_40 = arith.constant 0 : i32
        %dma_start3A_41 = tpu.memref_slice %dma_start3A_39[%mul3A_18, %dma_start3A_40] : memref<392x128xi32, #tpu.memory_space<hbm>> -> memref<56x128xi32, #tpu.memory_space<hbm>>
        tpu.enqueue_dma source(%dma_start3A_41 : memref<56x128xi32, #tpu.memory_space<hbm>>) target(%arg8 : memref<56x128xi32, #tpu.memory_space<vmem>>) target_semaphore(%run_scoped3A : memref<!tpu.dma_semaphore, #tpu.memory_space<semaphore_mem>>)
        %dma_wait3A = arith.constant 0 : i32
        %dma_wait3A_42 = arith.constant 0 : i32
        %dma_wait3A_43 = tpu.memref_slice %arg3[%add3A, %dma_wait3A, %dma_wait3A_42] : memref<32x392x128xi32, #tpu.memory_space<hbm>> -> memref<1x392x128xi32, #tpu.memory_space<hbm>>
        %dma_wait3A_44 = tpu.memref_squeeze %dma_wait3A_43 : memref<1x392x128xi32, #tpu.memory_space<hbm>> -> memref<392x128xi32, #tpu.memory_space<hbm>>
        %dma_wait3A_45 = arith.constant 0 : i32
        %dma_wait3A_46 = tpu.memref_slice %dma_wait3A_44[%mul3A_18, %dma_wait3A_45] : memref<392x128xi32, #tpu.memory_space<hbm>> -> memref<56x128xi32, #tpu.memory_space<hbm>>
        %dma_wait3A_47 = arith.constant 0 : i32
        %dma_wait3A_48 = arith.constant 0 : i32
        %dma_wait3A_49 = tpu.memref_slice %arg3[%add3A, %dma_wait3A_47, %dma_wait3A_48] : memref<32x392x128xi32, #tpu.memory_space<hbm>> -> memref<1x392x128xi32, #tpu.memory_space<hbm>>
        %dma_wait3A_50 = tpu.memref_squeeze %dma_wait3A_49 : memref<1x392x128xi32, #tpu.memory_space<hbm>> -> memref<392x128xi32, #tpu.memory_space<hbm>>
        %dma_wait3A_51 = arith.constant 0 : i32
        %dma_wait3A_52 = tpu.memref_slice %dma_wait3A_50[%mul3A_18, %dma_wait3A_51] : memref<392x128xi32, #tpu.memory_space<hbm>> -> memref<56x128xi32, #tpu.memory_space<hbm>>
        tpu.wait_dma2 semaphore(%run_scoped3A : memref<!tpu.dma_semaphore, #tpu.memory_space<semaphore_mem>>) src(%dma_wait3A_52 : memref<56x128xi32, #tpu.memory_space<hbm>>) dst(%arg8 : memref<56x128xi32, #tpu.memory_space<vmem>>)
        tpu.yield
      }) : () -> ()
      %dma_start3A = arith.constant 0 : i32
      %dma_start3A_19 = arith.constant 0 : i32
      %dma_start3A_20 = tpu.memref_slice %arg8[%dma_start3A, %dma_start3A_19] : memref<56x128xi32, #tpu.memory_space<vmem>> -> memref<1x128xi32, #tpu.memory_space<vmem>>
      %dma_start3A_21 = tpu.memref_squeeze %dma_start3A_20 : memref<1x128xi32, #tpu.memory_space<vmem>> -> memref<128xi32, #tpu.memory_space<vmem>>
      %dma_start3A_22 = arith.constant 0 : i32
      %dma_start3A_23 = arith.constant 0 : i32
      %dma_start3A_24 = tpu.memref_slice %arg4[%dma_start3A_22, %dma_start3A_23] : memref<102000x8xf32, #tpu.memory_space<hbm>> -> memref<102000x8xf32, #tpu.memory_space<hbm>>
      tpu.enqueue_indirect_dma source(%dma_start3A_24 : memref<102000x8xf32, #tpu.memory_space<hbm>>) target(%arg9 : memref<128x8xf32, #tpu.memory_space<vmem>>) offsets(%dma_start3A_21 : memref<128xi32, #tpu.memory_space<vmem>>) semaphore(%arg11 : memref<!tpu.dma_semaphore, #tpu.memory_space<semaphore_mem>>)
      %scan3A_25 = arith.constant 0 : i32
      %scan3A_26 = arith.constant 28 : i32
      %scan3A_27 = arith.addi %scan3A_25, %scan3A_26 : i32
      %scan3A_28 = arith.constant 1 : i32
      scf.for %scan3A_30 = %scan3A_25 to %scan3A_27 step %scan3A_28  : i32 {
        %mul3A_31 = arith.constant 2 : i32
        %mul3A_32 = arith.muli %scan3A_30, %mul3A_31 : i32
        %add3A_33 = arith.constant 1 : i32
        %add3A_34 = arith.addi %mul3A_32, %add3A_33 : i32
        %dma_start3A_35 = arith.constant 0 : i32
        %dma_start3A_36 = tpu.memref_slice %arg8[%add3A_34, %dma_start3A_35] : memref<56x128xi32, #tpu.memory_space<vmem>> -> memref<1x128xi32, #tpu.memory_space<vmem>>
        %dma_start3A_37 = tpu.memref_squeeze %dma_start3A_36 : memref<1x128xi32, #tpu.memory_space<vmem>> -> memref<128xi32, #tpu.memory_space<vmem>>
        %dma_start3A_38 = arith.constant 0 : i32
        %dma_start3A_39 = arith.constant 0 : i32
        %dma_start3A_40 = tpu.memref_slice %arg4[%dma_start3A_38, %dma_start3A_39] : memref<102000x8xf32, #tpu.memory_space<hbm>> -> memref<102000x8xf32, #tpu.memory_space<hbm>>
        tpu.enqueue_indirect_dma source(%dma_start3A_40 : memref<102000x8xf32, #tpu.memory_space<hbm>>) target(%arg10 : memref<128x8xf32, #tpu.memory_space<vmem>>) offsets(%dma_start3A_37 : memref<128xi32, #tpu.memory_space<vmem>>) semaphore(%arg12 : memref<!tpu.dma_semaphore, #tpu.memory_space<semaphore_mem>>)
        %dma_wait3A = arith.constant 0 : i32
        %dma_wait3A_41 = tpu.memref_slice %arg8[%mul3A_32, %dma_wait3A] : memref<56x128xi32, #tpu.memory_space<vmem>> -> memref<1x128xi32, #tpu.memory_space<vmem>>
        %dma_wait3A_42 = tpu.memref_squeeze %dma_wait3A_41 : memref<1x128xi32, #tpu.memory_space<vmem>> -> memref<128xi32, #tpu.memory_space<vmem>>
        %dma_wait3A_43 = arith.constant 0 : i32
        %dma_wait3A_44 = arith.constant 0 : i32
        %dma_wait3A_45 = tpu.memref_slice %arg4[%dma_wait3A_43, %dma_wait3A_44] : memref<102000x8xf32, #tpu.memory_space<hbm>> -> memref<102000x8xf32, #tpu.memory_space<hbm>>
        tpu.wait_indirect_dma semaphore(%arg11 : memref<!tpu.dma_semaphore, #tpu.memory_space<semaphore_mem>>) src(%dma_wait3A_45 : memref<102000x8xf32, #tpu.memory_space<hbm>>) dst(%arg9 : memref<128x8xf32, #tpu.memory_space<vmem>>)
        "tpu.region"() ({
          %run_scoped3A = tpu.sem_alloc : memref<!tpu.dma_semaphore, #tpu.memory_space<semaphore_mem>>
          %dma_start3A_60 = arith.constant 0 : i32
          %dma_start3A_61 = tpu.memref_slice %arg7[%mul3A_32, %dma_start3A_60] : memref<56x128xi32, #tpu.memory_space<vmem>> -> memref<1x128xi32, #tpu.memory_space<vmem>>
          %dma_start3A_62 = tpu.memref_squeeze %dma_start3A_61 : memref<1x128xi32, #tpu.memory_space<vmem>> -> memref<128xi32, #tpu.memory_space<vmem>>
          %dma_start3A_63 = arith.constant 0 : i32
          %dma_start3A_64 = arith.constant 0 : i32
          %dma_start3A_65 = tpu.memref_slice %arg13[%dma_start3A_63, %dma_start3A_64] : memref<102000x8xf32, #tpu.memory_space<vmem_shared>> -> memref<102000x8xf32, #tpu.memory_space<vmem_shared>>
          tpu.enqueue_indirect_dma source(%arg9 : memref<128x8xf32, #tpu.memory_space<vmem>>) target(%dma_start3A_65 : memref<102000x8xf32, #tpu.memory_space<vmem_shared>>) offsets(%dma_start3A_62 : memref<128xi32, #tpu.memory_space<vmem>>) semaphore(%run_scoped3A : memref<!tpu.dma_semaphore, #tpu.memory_space<semaphore_mem>>) {add = true}
          %dma_wait3A_66 = arith.constant 0 : i32
          %dma_wait3A_67 = tpu.memref_slice %arg7[%mul3A_32, %dma_wait3A_66] : memref<56x128xi32, #tpu.memory_space<vmem>> -> memref<1x128xi32, #tpu.memory_space<vmem>>
          %dma_wait3A_68 = tpu.memref_squeeze %dma_wait3A_67 : memref<1x128xi32, #tpu.memory_space<vmem>> -> memref<128xi32, #tpu.memory_space<vmem>>
          %dma_wait3A_69 = arith.constant 0 : i32
          %dma_wait3A_70 = arith.constant 0 : i32
          %dma_wait3A_71 = tpu.memref_slice %arg13[%dma_wait3A_69, %dma_wait3A_70] : memref<102000x8xf32, #tpu.memory_space<vmem_shared>> -> memref<102000x8xf32, #tpu.memory_space<vmem_shared>>
          tpu.wait_indirect_dma semaphore(%run_scoped3A : memref<!tpu.dma_semaphore, #tpu.memory_space<semaphore_mem>>) src(%arg9 : memref<128x8xf32, #tpu.memory_space<vmem>>) dst(%dma_wait3A_71 : memref<102000x8xf32, #tpu.memory_space<vmem_shared>>)
          tpu.yield
        }) : () -> ()
        %lt3A = arith.constant 27 : i32
        %lt3A_46 = arith.cmpi slt, %scan3A_30, %lt3A : i32
        %convert_element_type3A_47 = arith.extui %lt3A_46 : i1 to i32
        %cond3A_48 = arith.constant 0 : i32
        %cond3A_49 = arith.cmpi ne, %convert_element_type3A_47, %cond3A_48 : i32
        scf.if %cond3A_49 {
          %add3A_60 = arith.constant 2 : i32
          %add3A_61 = arith.addi %mul3A_32, %add3A_60 : i32
          %dma_start3A_62 = arith.constant 0 : i32
          %dma_start3A_63 = tpu.memref_slice %arg8[%add3A_61, %dma_start3A_62] : memref<56x128xi32, #tpu.memory_space<vmem>> -> memref<1x128xi32, #tpu.memory_space<vmem>>
          %dma_start3A_64 = tpu.memref_squeeze %dma_start3A_63 : memref<1x128xi32, #tpu.memory_space<vmem>> -> memref<128xi32, #tpu.memory_space<vmem>>
          %dma_start3A_65 = arith.constant 0 : i32
          %dma_start3A_66 = arith.constant 0 : i32
          %dma_start3A_67 = tpu.memref_slice %arg4[%dma_start3A_65, %dma_start3A_66] : memref<102000x8xf32, #tpu.memory_space<hbm>> -> memref<102000x8xf32, #tpu.memory_space<hbm>>
          tpu.enqueue_indirect_dma source(%dma_start3A_67 : memref<102000x8xf32, #tpu.memory_space<hbm>>) target(%arg9 : memref<128x8xf32, #tpu.memory_space<vmem>>) offsets(%dma_start3A_64 : memref<128xi32, #tpu.memory_space<vmem>>) semaphore(%arg11 : memref<!tpu.dma_semaphore, #tpu.memory_space<semaphore_mem>>)
        } else {
        }
        %add3A_50 = arith.constant 1 : i32
        %add3A_51 = arith.addi %mul3A_32, %add3A_50 : i32
        %dma_wait3A_52 = arith.constant 0 : i32
        %dma_wait3A_53 = tpu.memref_slice %arg8[%add3A_51, %dma_wait3A_52] : memref<56x128xi32, #tpu.memory_space<vmem>> -> memref<1x128xi32, #tpu.memory_space<vmem>>
        %dma_wait3A_54 = tpu.memref_squeeze %dma_wait3A_53 : memref<1x128xi32, #tpu.memory_space<vmem>> -> memref<128xi32, #tpu.memory_space<vmem>>
        %dma_wait3A_55 = arith.constant 0 : i32
        %dma_wait3A_56 = arith.constant 0 : i32
        %dma_wait3A_57 = tpu.memref_slice %arg4[%dma_wait3A_55, %dma_wait3A_56] : memref<102000x8xf32, #tpu.memory_space<hbm>> -> memref<102000x8xf32, #tpu.memory_space<hbm>>
        tpu.wait_indirect_dma semaphore(%arg12 : memref<!tpu.dma_semaphore, #tpu.memory_space<semaphore_mem>>) src(%dma_wait3A_57 : memref<102000x8xf32, #tpu.memory_space<hbm>>) dst(%arg10 : memref<128x8xf32, #tpu.memory_space<vmem>>)
        %add3A_58 = arith.constant 1 : i32
        %add3A_59 = arith.addi %mul3A_32, %add3A_58 : i32
        "tpu.region"() ({
          %run_scoped3A = tpu.sem_alloc : memref<!tpu.dma_semaphore, #tpu.memory_space<semaphore_mem>>
          %dma_start3A_60 = arith.constant 0 : i32
          %dma_start3A_61 = tpu.memref_slice %arg7[%add3A_59, %dma_start3A_60] : memref<56x128xi32, #tpu.memory_space<vmem>> -> memref<1x128xi32, #tpu.memory_space<vmem>>
          %dma_start3A_62 = tpu.memref_squeeze %dma_start3A_61 : memref<1x128xi32, #tpu.memory_space<vmem>> -> memref<128xi32, #tpu.memory_space<vmem>>
          %dma_start3A_63 = arith.constant 0 : i32
          %dma_start3A_64 = arith.constant 0 : i32
          %dma_start3A_65 = tpu.memref_slice %arg13[%dma_start3A_63, %dma_start3A_64] : memref<102000x8xf32, #tpu.memory_space<vmem_shared>> -> memref<102000x8xf32, #tpu.memory_space<vmem_shared>>
          tpu.enqueue_indirect_dma source(%arg10 : memref<128x8xf32, #tpu.memory_space<vmem>>) target(%dma_start3A_65 : memref<102000x8xf32, #tpu.memory_space<vmem_shared>>) offsets(%dma_start3A_62 : memref<128xi32, #tpu.memory_space<vmem>>) semaphore(%run_scoped3A : memref<!tpu.dma_semaphore, #tpu.memory_space<semaphore_mem>>) {add = true}
          %dma_wait3A_66 = arith.constant 0 : i32
          %dma_wait3A_67 = tpu.memref_slice %arg7[%add3A_59, %dma_wait3A_66] : memref<56x128xi32, #tpu.memory_space<vmem>> -> memref<1x128xi32, #tpu.memory_space<vmem>>
          %dma_wait3A_68 = tpu.memref_squeeze %dma_wait3A_67 : memref<1x128xi32, #tpu.memory_space<vmem>> -> memref<128xi32, #tpu.memory_space<vmem>>
          %dma_wait3A_69 = arith.constant 0 : i32
          %dma_wait3A_70 = arith.constant 0 : i32
          %dma_wait3A_71 = tpu.memref_slice %arg13[%dma_wait3A_69, %dma_wait3A_70] : memref<102000x8xf32, #tpu.memory_space<vmem_shared>> -> memref<102000x8xf32, #tpu.memory_space<vmem_shared>>
          tpu.wait_indirect_dma semaphore(%run_scoped3A : memref<!tpu.dma_semaphore, #tpu.memory_space<semaphore_mem>>) src(%arg10 : memref<128x8xf32, #tpu.memory_space<vmem>>) dst(%dma_wait3A_71 : memref<102000x8xf32, #tpu.memory_space<vmem_shared>>)
          tpu.yield
        }) : () -> ()
      }
      %scan3A_29 = arith.constant 28 : i32
    }
    %scan3A_7 = arith.constant 7 : i32
    %barrier3A_8 = arith.constant 0 : index
    tpu.barrier barrier_id(%barrier3A_8)
    %eq3A_9 = arith.constant 0 : i32
    %eq3A_10 = arith.cmpi eq, %arg1, %eq3A_9 : i32
    %convert_element_type3A_11 = arith.extui %eq3A_10 : i1 to i32
    %cond3A_12 = arith.constant 0 : i32
    %cond3A_13 = arith.cmpi ne, %convert_element_type3A_11, %cond3A_12 : i32
    scf.if %cond3A_13 {
      "tpu.region"() ({
        %run_scoped3A = tpu.sem_alloc : memref<!tpu.dma_semaphore, #tpu.memory_space<semaphore_mem>>
        %dma_start3A = arith.constant 0 : i32
        %dma_start3A_14 = arith.constant 0 : i32
        %dma_start3A_15 = tpu.memref_slice %arg6[%arg0, %dma_start3A, %dma_start3A_14] : memref<2x102000x8xf32, #tpu.memory_space<hbm>> -> memref<1x102000x8xf32, #tpu.memory_space<hbm>>
        %dma_start3A_16 = tpu.memref_squeeze %dma_start3A_15 : memref<1x102000x8xf32, #tpu.memory_space<hbm>> -> memref<102000x8xf32, #tpu.memory_space<hbm>>
        tpu.enqueue_dma source(%arg13 : memref<102000x8xf32, #tpu.memory_space<vmem_shared>>) target(%dma_start3A_16 : memref<102000x8xf32, #tpu.memory_space<hbm>>) target_semaphore(%run_scoped3A : memref<!tpu.dma_semaphore, #tpu.memory_space<semaphore_mem>>)
        %dma_wait3A = arith.constant 0 : i32
        %dma_wait3A_17 = arith.constant 0 : i32
        %dma_wait3A_18 = tpu.memref_slice %arg6[%arg0, %dma_wait3A, %dma_wait3A_17] : memref<2x102000x8xf32, #tpu.memory_space<hbm>> -> memref<1x102000x8xf32, #tpu.memory_space<hbm>>
        %dma_wait3A_19 = tpu.memref_squeeze %dma_wait3A_18 : memref<1x102000x8xf32, #tpu.memory_space<hbm>> -> memref<102000x8xf32, #tpu.memory_space<hbm>>
        tpu.wait_dma2 semaphore(%run_scoped3A : memref<!tpu.dma_semaphore, #tpu.memory_space<semaphore_mem>>) src(%arg13 : memref<102000x8xf32, #tpu.memory_space<vmem_shared>>) dst(%dma_wait3A_19 : memref<102000x8xf32, #tpu.memory_space<hbm>>)
        tpu.yield
      }) : () -> ()
    } else {
    }
    return
  }
}

#map = affine_map<(d0, d1) -> (0, 0, 0)>
#map1 = affine_map<(d0, d1) -> (0)>
#map2 = affine_map<(d0, d1) -> (0, 0)>
module attributes {stable_mosaic.version = 14 : i64} {
  func.func @_sc_deg_body(%arg0: i32, %arg1: i32, %arg2: memref<32x392x128xi32, #tpu.memory_space<hbm>>, %arg3: memref<102000xf32, #tpu.memory_space<hbm>>, %arg4: memref<2x102000xf32, #tpu.memory_space<hbm>>, %arg5: memref<392x128xi32, #tpu.memory_space<vmem>>, %arg6: memref<128xf32, #tpu.memory_space<vmem>>, %arg7: memref<102000xf32, #tpu.memory_space<vmem_shared>>) attributes {dimension_semantics = [#tpu.dimension_semantics<core_parallel>, #tpu.dimension_semantics<subcore_parallel>], iteration_bounds = array<i64: 2, 16>, scalar_prefetch = 0 : i64, scratch_operands = 3 : i64, tpu.core_type = #tpu.core_type<sc_vector_subcore>, window_params = [{transform_indices = #map}, {transform_indices = #map1}, {transform_indices = #map2}]} {
    %mul3A = arith.constant 16 : i32
    %mul3A_0 = arith.muli %arg0, %mul3A : i32
    %add3A = arith.addi %mul3A_0, %arg1 : i32
    %eq3A = arith.constant 0 : i32
    %eq3A_1 = arith.cmpi eq, %arg1, %eq3A : i32
    %convert_element_type3A = arith.extui %eq3A_1 : i1 to i32
    %cond3A = arith.constant 0 : i32
    %cond3A_2 = arith.cmpi ne, %convert_element_type3A, %cond3A : i32
    scf.if %cond3A_2 {
      "tpu.region"() ({
        %run_scoped3A = tpu.sem_alloc : memref<!tpu.dma_semaphore, #tpu.memory_space<semaphore_mem>>
        tpu.enqueue_dma source(%arg3 : memref<102000xf32, #tpu.memory_space<hbm>>) target(%arg7 : memref<102000xf32, #tpu.memory_space<vmem_shared>>) target_semaphore(%run_scoped3A : memref<!tpu.dma_semaphore, #tpu.memory_space<semaphore_mem>>)
        tpu.wait_dma2 semaphore(%run_scoped3A : memref<!tpu.dma_semaphore, #tpu.memory_space<semaphore_mem>>) src(%arg3 : memref<102000xf32, #tpu.memory_space<hbm>>) dst(%arg7 : memref<102000xf32, #tpu.memory_space<vmem_shared>>)
        tpu.yield
      }) : () -> ()
    } else {
    }
    %broadcast_in_dim3A = arith.constant 1.000000e+00 : f32
    %broadcast_in_dim3A_3 = vector.broadcast %broadcast_in_dim3A : f32 to vector<16xf32>
    %swap3A = arith.constant 0 : index
    %swap3A_4 = tpu.vector_load %arg6[%swap3A] {strides = array<i32>} : memref<128xf32, #tpu.memory_space<vmem>>, vector<16xf32>,
    %swap3A_5 = vector.shape_cast %swap3A_4 : vector<16xf32> to vector<16xf32>
    %swap3A_6 = vector.shape_cast %broadcast_in_dim3A_3 : vector<16xf32> to vector<16xf32>
    tpu.vector_store %arg6[%swap3A], %swap3A_6 {strides = array<i32>} : memref<128xf32, #tpu.memory_space<vmem>>, vector<16xf32>,
    %broadcast_in_dim3A_7 = arith.constant 1.000000e+00 : f32
    %broadcast_in_dim3A_8 = vector.broadcast %broadcast_in_dim3A_7 : f32 to vector<16xf32>
    %swap3A_9 = arith.constant 16 : index
    %swap3A_10 = tpu.vector_load %arg6[%swap3A_9] {strides = array<i32>} : memref<128xf32, #tpu.memory_space<vmem>>, vector<16xf32>,
    %swap3A_11 = vector.shape_cast %swap3A_10 : vector<16xf32> to vector<16xf32>
    %swap3A_12 = vector.shape_cast %broadcast_in_dim3A_8 : vector<16xf32> to vector<16xf32>
    tpu.vector_store %arg6[%swap3A_9], %swap3A_12 {strides = array<i32>} : memref<128xf32, #tpu.memory_space<vmem>>, vector<16xf32>,
    %broadcast_in_dim3A_13 = arith.constant 1.000000e+00 : f32
    %broadcast_in_dim3A_14 = vector.broadcast %broadcast_in_dim3A_13 : f32 to vector<16xf32>
    %swap3A_15 = arith.constant 32 : index
    %swap3A_16 = tpu.vector_load %arg6[%swap3A_15] {strides = array<i32>} : memref<128xf32, #tpu.memory_space<vmem>>, vector<16xf32>,
    %swap3A_17 = vector.shape_cast %swap3A_16 : vector<16xf32> to vector<16xf32>
    %swap3A_18 = vector.shape_cast %broadcast_in_dim3A_14 : vector<16xf32> to vector<16xf32>
    tpu.vector_store %arg6[%swap3A_15], %swap3A_18 {strides = array<i32>} : memref<128xf32, #tpu.memory_space<vmem>>, vector<16xf32>,
    %broadcast_in_dim3A_19 = arith.constant 1.000000e+00 : f32
    %broadcast_in_dim3A_20 = vector.broadcast %broadcast_in_dim3A_19 : f32 to vector<16xf32>
    %swap3A_21 = arith.constant 48 : index
    %swap3A_22 = tpu.vector_load %arg6[%swap3A_21] {strides = array<i32>} : memref<128xf32, #tpu.memory_space<vmem>>, vector<16xf32>,
    %swap3A_23 = vector.shape_cast %swap3A_22 : vector<16xf32> to vector<16xf32>
    %swap3A_24 = vector.shape_cast %broadcast_in_dim3A_20 : vector<16xf32> to vector<16xf32>
    tpu.vector_store %arg6[%swap3A_21], %swap3A_24 {strides = array<i32>} : memref<128xf32, #tpu.memory_space<vmem>>, vector<16xf32>,
    %broadcast_in_dim3A_25 = arith.constant 1.000000e+00 : f32
    %broadcast_in_dim3A_26 = vector.broadcast %broadcast_in_dim3A_25 : f32 to vector<16xf32>
    %swap3A_27 = arith.constant 64 : index
    %swap3A_28 = tpu.vector_load %arg6[%swap3A_27] {strides = array<i32>} : memref<128xf32, #tpu.memory_space<vmem>>, vector<16xf32>,
    %swap3A_29 = vector.shape_cast %swap3A_28 : vector<16xf32> to vector<16xf32>
    %swap3A_30 = vector.shape_cast %broadcast_in_dim3A_26 : vector<16xf32> to vector<16xf32>
    tpu.vector_store %arg6[%swap3A_27], %swap3A_30 {strides = array<i32>} : memref<128xf32, #tpu.memory_space<vmem>>, vector<16xf32>,
    %broadcast_in_dim3A_31 = arith.constant 1.000000e+00 : f32
    %broadcast_in_dim3A_32 = vector.broadcast %broadcast_in_dim3A_31 : f32 to vector<16xf32>
    %swap3A_33 = arith.constant 80 : index
    %swap3A_34 = tpu.vector_load %arg6[%swap3A_33] {strides = array<i32>} : memref<128xf32, #tpu.memory_space<vmem>>, vector<16xf32>,
    %swap3A_35 = vector.shape_cast %swap3A_34 : vector<16xf32> to vector<16xf32>
    %swap3A_36 = vector.shape_cast %broadcast_in_dim3A_32 : vector<16xf32> to vector<16xf32>
    tpu.vector_store %arg6[%swap3A_33], %swap3A_36 {strides = array<i32>} : memref<128xf32, #tpu.memory_space<vmem>>, vector<16xf32>,
    %broadcast_in_dim3A_37 = arith.constant 1.000000e+00 : f32
    %broadcast_in_dim3A_38 = vector.broadcast %broadcast_in_dim3A_37 : f32 to vector<16xf32>
    %swap3A_39 = arith.constant 96 : index
    %swap3A_40 = tpu.vector_load %arg6[%swap3A_39] {strides = array<i32>} : memref<128xf32, #tpu.memory_space<vmem>>, vector<16xf32>,
    %swap3A_41 = vector.shape_cast %swap3A_40 : vector<16xf32> to vector<16xf32>
    %swap3A_42 = vector.shape_cast %broadcast_in_dim3A_38 : vector<16xf32> to vector<16xf32>
    tpu.vector_store %arg6[%swap3A_39], %swap3A_42 {strides = array<i32>} : memref<128xf32, #tpu.memory_space<vmem>>, vector<16xf32>,
    %broadcast_in_dim3A_43 = arith.constant 1.000000e+00 : f32
    %broadcast_in_dim3A_44 = vector.broadcast %broadcast_in_dim3A_43 : f32 to vector<16xf32>
    %swap3A_45 = arith.constant 112 : index
    %swap3A_46 = tpu.vector_load %arg6[%swap3A_45] {strides = array<i32>} : memref<128xf32, #tpu.memory_space<vmem>>, vector<16xf32>,
    %swap3A_47 = vector.shape_cast %swap3A_46 : vector<16xf32> to vector<16xf32>
    %swap3A_48 = vector.shape_cast %broadcast_in_dim3A_44 : vector<16xf32> to vector<16xf32>
    tpu.vector_store %arg6[%swap3A_45], %swap3A_48 {strides = array<i32>} : memref<128xf32, #tpu.memory_space<vmem>>, vector<16xf32>,
    "tpu.region"() ({
      %run_scoped3A = tpu.sem_alloc : memref<!tpu.dma_semaphore, #tpu.memory_space<semaphore_mem>>
      %dma_start3A = arith.constant 0 : i32
      %dma_start3A_60 = arith.constant 0 : i32
      %dma_start3A_61 = tpu.memref_slice %arg2[%add3A, %dma_start3A, %dma_start3A_60] : memref<32x392x128xi32, #tpu.memory_space<hbm>> -> memref<1x392x128xi32, #tpu.memory_space<hbm>>
      %dma_start3A_62 = tpu.memref_squeeze %dma_start3A_61 : memref<1x392x128xi32, #tpu.memory_space<hbm>> -> memref<392x128xi32, #tpu.memory_space<hbm>>
      %dma_start3A_63 = arith.constant 0 : i32
      %dma_start3A_64 = arith.constant 0 : i32
      %dma_start3A_65 = tpu.memref_slice %arg2[%add3A, %dma_start3A_63, %dma_start3A_64] : memref<32x392x128xi32, #tpu.memory_space<hbm>> -> memref<1x392x128xi32, #tpu.memory_space<hbm>>
      %dma_start3A_66 = tpu.memref_squeeze %dma_start3A_65 : memref<1x392x128xi32, #tpu.memory_space<hbm>> -> memref<392x128xi32, #tpu.memory_space<hbm>>
      tpu.enqueue_dma source(%dma_start3A_66 : memref<392x128xi32, #tpu.memory_space<hbm>>) target(%arg5 : memref<392x128xi32, #tpu.memory_space<vmem>>) target_semaphore(%run_scoped3A : memref<!tpu.dma_semaphore, #tpu.memory_space<semaphore_mem>>)
      %dma_wait3A = arith.constant 0 : i32
      %dma_wait3A_67 = arith.constant 0 : i32
      %dma_wait3A_68 = tpu.memref_slice %arg2[%add3A, %dma_wait3A, %dma_wait3A_67] : memref<32x392x128xi32, #tpu.memory_space<hbm>> -> memref<1x392x128xi32, #tpu.memory_space<hbm>>
      %dma_wait3A_69 = tpu.memref_squeeze %dma_wait3A_68 : memref<1x392x128xi32, #tpu.memory_space<hbm>> -> memref<392x128xi32, #tpu.memory_space<hbm>>
      %dma_wait3A_70 = arith.constant 0 : i32
      %dma_wait3A_71 = arith.constant 0 : i32
      %dma_wait3A_72 = tpu.memref_slice %arg2[%add3A, %dma_wait3A_70, %dma_wait3A_71] : memref<32x392x128xi32, #tpu.memory_space<hbm>> -> memref<1x392x128xi32, #tpu.memory_space<hbm>>
      %dma_wait3A_73 = tpu.memref_squeeze %dma_wait3A_72 : memref<1x392x128xi32, #tpu.memory_space<hbm>> -> memref<392x128xi32, #tpu.memory_space<hbm>>
      tpu.wait_dma2 semaphore(%run_scoped3A : memref<!tpu.dma_semaphore, #tpu.memory_space<semaphore_mem>>) src(%dma_wait3A_73 : memref<392x128xi32, #tpu.memory_space<hbm>>) dst(%arg5 : memref<392x128xi32, #tpu.memory_space<vmem>>)
      tpu.yield
    }) : () -> ()
    %barrier3A = arith.constant 0 : index
    tpu.barrier barrier_id(%barrier3A)
    %scan3A = arith.constant 0 : i32
    %scan3A_49 = arith.constant 0 : i32
    %scan3A_50 = arith.constant 392 : i32
    %scan3A_51 = arith.addi %scan3A_49, %scan3A_50 : i32
    %scan3A_52 = arith.constant 1 : i32
    scf.for %scan3A_60 = %scan3A_49 to %scan3A_51 step %scan3A_52  : i32 {
      "tpu.region"() ({
        %run_scoped3A = tpu.sem_alloc : memref<!tpu.dma_semaphore, #tpu.memory_space<semaphore_mem>>
        %dma_start3A = arith.constant 0 : i32
        %dma_start3A_61 = tpu.memref_slice %arg5[%scan3A_60, %dma_start3A] : memref<392x128xi32, #tpu.memory_space<vmem>> -> memref<1x128xi32, #tpu.memory_space<vmem>>
        %dma_start3A_62 = tpu.memref_squeeze %dma_start3A_61 : memref<1x128xi32, #tpu.memory_space<vmem>> -> memref<128xi32, #tpu.memory_space<vmem>>
        %dma_start3A_63 = arith.constant 0 : i32
        %dma_start3A_64 = tpu.memref_slice %arg7[%dma_start3A_63] : memref<102000xf32, #tpu.memory_space<vmem_shared>> -> memref<102000xf32, #tpu.memory_space<vmem_shared>>
        tpu.enqueue_indirect_dma source(%arg6 : memref<128xf32, #tpu.memory_space<vmem>>) target(%dma_start3A_64 : memref<102000xf32, #tpu.memory_space<vmem_shared>>) offsets(%dma_start3A_62 : memref<128xi32, #tpu.memory_space<vmem>>) semaphore(%run_scoped3A : memref<!tpu.dma_semaphore, #tpu.memory_space<semaphore_mem>>) {add = true}
        %dma_wait3A = arith.constant 0 : i32
        %dma_wait3A_65 = tpu.memref_slice %arg5[%scan3A_60, %dma_wait3A] : memref<392x128xi32, #tpu.memory_space<vmem>> -> memref<1x128xi32, #tpu.memory_space<vmem>>
        %dma_wait3A_66 = tpu.memref_squeeze %dma_wait3A_65 : memref<1x128xi32, #tpu.memory_space<vmem>> -> memref<128xi32, #tpu.memory_space<vmem>>
        %dma_wait3A_67 = arith.constant 0 : i32
        %dma_wait3A_68 = tpu.memref_slice %arg7[%dma_wait3A_67] : memref<102000xf32, #tpu.memory_space<vmem_shared>> -> memref<102000xf32, #tpu.memory_space<vmem_shared>>
        tpu.wait_indirect_dma semaphore(%run_scoped3A : memref<!tpu.dma_semaphore, #tpu.memory_space<semaphore_mem>>) src(%arg6 : memref<128xf32, #tpu.memory_space<vmem>>) dst(%dma_wait3A_68 : memref<102000xf32, #tpu.memory_space<vmem_shared>>)
        tpu.yield
      }) : () -> ()
    }
    %scan3A_53 = arith.constant 392 : i32
    %barrier3A_54 = arith.constant 0 : index
    tpu.barrier barrier_id(%barrier3A_54)
    %eq3A_55 = arith.constant 0 : i32
    %eq3A_56 = arith.cmpi eq, %arg1, %eq3A_55 : i32
    %convert_element_type3A_57 = arith.extui %eq3A_56 : i1 to i32
    %cond3A_58 = arith.constant 0 : i32
    %cond3A_59 = arith.cmpi ne, %convert_element_type3A_57, %cond3A_58 : i32
    scf.if %cond3A_59 {
      "tpu.region"() ({
        %run_scoped3A = tpu.sem_alloc : memref<!tpu.dma_semaphore, #tpu.memory_space<semaphore_mem>>
        %dma_start3A = arith.constant 0 : i32
        %dma_start3A_60 = tpu.memref_slice %arg4[%arg0, %dma_start3A] : memref<2x102000xf32, #tpu.memory_space<hbm>> -> memref<1x102000xf32, #tpu.memory_space<hbm>>
        %dma_start3A_61 = tpu.memref_squeeze %dma_start3A_60 : memref<1x102000xf32, #tpu.memory_space<hbm>> -> memref<102000xf32, #tpu.memory_space<hbm>>
        tpu.enqueue_dma source(%arg7 : memref<102000xf32, #tpu.memory_space<vmem_shared>>) target(%dma_start3A_61 : memref<102000xf32, #tpu.memory_space<hbm>>) target_semaphore(%run_scoped3A : memref<!tpu.dma_semaphore, #tpu.memory_space<semaphore_mem>>)
        %dma_wait3A = arith.constant 0 : i32
        %dma_wait3A_62 = tpu.memref_slice %arg4[%arg0, %dma_wait3A] : memref<2x102000xf32, #tpu.memory_space<hbm>> -> memref<1x102000xf32, #tpu.memory_space<hbm>>
        %dma_wait3A_63 = tpu.memref_squeeze %dma_wait3A_62 : memref<1x102000xf32, #tpu.memory_space<hbm>> -> memref<102000xf32, #tpu.memory_space<hbm>>
        tpu.wait_dma2 semaphore(%run_scoped3A : memref<!tpu.dma_semaphore, #tpu.memory_space<semaphore_mem>>) src(%arg7 : memref<102000xf32, #tpu.memory_space<vmem_shared>>) dst(%dma_wait3A_63 : memref<102000xf32, #tpu.memory_space<hbm>>)
        tpu.yield
      }) : () -> ()
    } else {
    }
    return
  }
}

module attributes {stable_mosaic.version = 14 : i64} {
  func.func @_tc1_body(%arg0: i32, %arg1: memref<2000x128xf32, #tpu.memory_space<vmem>>, %arg2: memref<128x16xf32, #tpu.memory_space<vmem>>, %arg3: memref<1x16xf32, #tpu.memory_space<vmem>>, %arg4: memref<16x8xf32, #tpu.memory_space<vmem>>, %arg5: memref<1x8xf32, #tpu.memory_space<vmem>>, %arg6: memref<8x8xf32, #tpu.memory_space<vmem>>, %arg7: memref<1x8xf32, #tpu.memory_space<vmem>>, %arg8: memref<128x16xf32, #tpu.memory_space<vmem>>, %arg9: memref<128x16xf32, #tpu.memory_space<vmem>>, %arg10: memref<2000x8xf32, #tpu.memory_space<vmem>>, %arg11: memref<2000x16xf32, #tpu.memory_space<vmem>>, %arg12: memref<2000x16xf32, #tpu.memory_space<vmem>>) attributes {dimension_semantics = [#tpu.dimension_semantics<arbitrary>], iteration_bounds = array<i64: 50>, scalar_prefetch = 0 : i64, scratch_operands = 0 : i64, tpu.core_type = #tpu.core_type<tc>, window_params = [{transform_indices = @transform_0, window_bounds = array<i64: 2000, 128>}, {pipeline_mode = #tpu.pipeline_mode<synchronous>, transform_indices = @transform_1, window_bounds = array<i64: 128, 16>}, {pipeline_mode = #tpu.pipeline_mode<synchronous>, transform_indices = @transform_2, window_bounds = array<i64: 1, 16>}, {pipeline_mode = #tpu.pipeline_mode<synchronous>, transform_indices = @transform_3, window_bounds = array<i64: 16, 8>}, {pipeline_mode = #tpu.pipeline_mode<synchronous>, transform_indices = @transform_4, window_bounds = array<i64: 1, 8>}, {pipeline_mode = #tpu.pipeline_mode<synchronous>, transform_indices = @transform_5, window_bounds = array<i64: 8, 8>}, {pipeline_mode = #tpu.pipeline_mode<synchronous>, transform_indices = @transform_6, window_bounds = array<i64: 1, 8>}, {pipeline_mode = #tpu.pipeline_mode<synchronous>, transform_indices = @transform_7, window_bounds = array<i64: 128, 16>}, {pipeline_mode = #tpu.pipeline_mode<synchronous>, transform_indices = @transform_8, window_bounds = array<i64: 128, 16>}, {transform_indices = @transform_9, window_bounds = array<i64: 2000, 8>}, {transform_indices = @transform_10, window_bounds = array<i64: 2000, 16>}, {transform_indices = @transform_11, window_bounds = array<i64: 2000, 16>}]} {
    %get3A = arith.constant 0 : index
    %get3A_0 = arith.constant 0 : index
    %get3A_1 = vector.load %arg1[%get3A, %get3A_0] : memref<2000x128xf32, #tpu.memory_space<vmem>>, vector<2000x128xf32>
    %get3A_2 = arith.constant 0 : index
    %get3A_3 = arith.constant 0 : index
    %get3A_4 = vector.load %arg2[%get3A_2, %get3A_3] : memref<128x16xf32, #tpu.memory_space<vmem>>, vector<128x16xf32>
    %dot_general3A = arith.constant dense<0.000000e+00> : vector<2000x16xf32>
    %dot_general3A_5 = tpu.matmul %get3A_1, %get3A_4, %dot_general3A {dimension_numbers = #tpu.dot_dimension_numbers<[1], [0], [0], [1], [0, 0, 1, 1], [], []>, precision = #tpu.contract_precision<fp32>, transpose_lhs_hint = false} : vector<2000x128xf32>, vector<128x16xf32>, vector<2000x16xf32> -> vector<2000x16xf32>
    %get3A_6 = arith.constant 0 : index
    %get3A_7 = arith.constant 0 : index
    %get3A_8 = vector.load %arg3[%get3A_6, %get3A_7] : memref<1x16xf32, #tpu.memory_space<vmem>>, vector<1x16xf32>
    %add3A = vector.broadcast %get3A_8 : vector<1x16xf32> to vector<2000x16xf32>
    %add3A_9 = arith.addf %dot_general3A_5, %add3A : vector<2000x16xf32>
    %max3A = arith.constant 0.000000e+00 : f32
    %max3A_10 = vector.broadcast %max3A : f32 to vector<2000x16xf32>
    %max3A_11 = arith.maximumf %add3A_9, %max3A_10 : vector<2000x16xf32>
    %get3A_12 = arith.constant 0 : index
    %get3A_13 = arith.constant 0 : index
    %get3A_14 = vector.load %arg4[%get3A_12, %get3A_13] : memref<16x8xf32, #tpu.memory_space<vmem>>, vector<16x8xf32>
    %dot_general3A_15 = arith.constant dense<0.000000e+00> : vector<2000x8xf32>
    %dot_general3A_16 = tpu.matmul %max3A_11, %get3A_14, %dot_general3A_15 {dimension_numbers = #tpu.dot_dimension_numbers<[1], [0], [0], [1], [0, 0, 1, 1], [], []>, precision = #tpu.contract_precision<fp32>, transpose_lhs_hint = false} : vector<2000x16xf32>, vector<16x8xf32>, vector<2000x8xf32> -> vector<2000x8xf32>
    %get3A_17 = arith.constant 0 : index
    %get3A_18 = arith.constant 0 : index
    %get3A_19 = vector.load %arg5[%get3A_17, %get3A_18] : memref<1x8xf32, #tpu.memory_space<vmem>>, vector<1x8xf32>
    %add3A_20 = vector.broadcast %get3A_19 : vector<1x8xf32> to vector<2000x8xf32>
    %add3A_21 = arith.addf %dot_general3A_16, %add3A_20 : vector<2000x8xf32>
    %max3A_22 = arith.constant 0.000000e+00 : f32
    %max3A_23 = vector.broadcast %max3A_22 : f32 to vector<2000x8xf32>
    %max3A_24 = arith.maximumf %add3A_21, %max3A_23 : vector<2000x8xf32>
    %get3A_25 = arith.constant 0 : index
    %get3A_26 = arith.constant 0 : index
    %get3A_27 = vector.load %arg6[%get3A_25, %get3A_26] : memref<8x8xf32, #tpu.memory_space<vmem>>, vector<8x8xf32>
    %dot_general3A_28 = arith.constant dense<0.000000e+00> : vector<2000x8xf32>
    %dot_general3A_29 = tpu.matmul %max3A_24, %get3A_27, %dot_general3A_28 {dimension_numbers = #tpu.dot_dimension_numbers<[1], [0], [0], [1], [0, 0, 1, 1], [], []>, precision = #tpu.contract_precision<fp32>, transpose_lhs_hint = false} : vector<2000x8xf32>, vector<8x8xf32>, vector<2000x8xf32> -> vector<2000x8xf32>
    %get3A_30 = arith.constant 0 : index
    %get3A_31 = arith.constant 0 : index
    %get3A_32 = vector.load %arg7[%get3A_30, %get3A_31] : memref<1x8xf32, #tpu.memory_space<vmem>>, vector<1x8xf32>
    %add3A_33 = vector.broadcast %get3A_32 : vector<1x8xf32> to vector<2000x8xf32>
    %add3A_34 = arith.addf %dot_general3A_29, %add3A_33 : vector<2000x8xf32>
    %swap3A = arith.constant 0 : index
    %swap3A_35 = arith.constant 0 : index
    %swap3A_36 = vector.load %arg10[%swap3A, %swap3A_35] : memref<2000x8xf32, #tpu.memory_space<vmem>>, vector<2000x8xf32>
    tpu.vector_store %arg10[%swap3A, %swap3A_35], %add3A_34 {strides = array<i32>} : memref<2000x8xf32, #tpu.memory_space<vmem>>, vector<2000x8xf32>,
    %get3A_37 = arith.constant 0 : index
    %get3A_38 = arith.constant 0 : index
    %get3A_39 = vector.load %arg8[%get3A_37, %get3A_38] : memref<128x16xf32, #tpu.memory_space<vmem>>, vector<128x16xf32>
    %dot_general3A_40 = arith.constant dense<0.000000e+00> : vector<2000x16xf32>
    %dot_general3A_41 = tpu.matmul %get3A_1, %get3A_39, %dot_general3A_40 {dimension_numbers = #tpu.dot_dimension_numbers<[1], [0], [0], [1], [0, 0, 1, 1], [], []>, precision = #tpu.contract_precision<fp32>, transpose_lhs_hint = false} : vector<2000x128xf32>, vector<128x16xf32>, vector<2000x16xf32> -> vector<2000x16xf32>
    %swap3A_42 = arith.constant 0 : index
    %swap3A_43 = arith.constant 0 : index
    %swap3A_44 = vector.load %arg11[%swap3A_42, %swap3A_43] : memref<2000x16xf32, #tpu.memory_space<vmem>>, vector<2000x16xf32>
    tpu.vector_store %arg11[%swap3A_42, %swap3A_43], %dot_general3A_41 {strides = array<i32>} : memref<2000x16xf32, #tpu.memory_space<vmem>>, vector<2000x16xf32>,
    %get3A_45 = arith.constant 0 : index
    %get3A_46 = arith.constant 0 : index
    %get3A_47 = vector.load %arg9[%get3A_45, %get3A_46] : memref<128x16xf32, #tpu.memory_space<vmem>>, vector<128x16xf32>
    %dot_general3A_48 = arith.constant dense<0.000000e+00> : vector<2000x16xf32>
    %dot_general3A_49 = tpu.matmul %get3A_1, %get3A_47, %dot_general3A_48 {dimension_numbers = #tpu.dot_dimension_numbers<[1], [0], [0], [1], [0, 0, 1, 1], [], []>, precision = #tpu.contract_precision<fp32>, transpose_lhs_hint = false} : vector<2000x128xf32>, vector<128x16xf32>, vector<2000x16xf32> -> vector<2000x16xf32>
    %swap3A_50 = arith.constant 0 : index
    %swap3A_51 = arith.constant 0 : index
    %swap3A_52 = vector.load %arg12[%swap3A_50, %swap3A_51] : memref<2000x16xf32, #tpu.memory_space<vmem>>, vector<2000x16xf32>
    tpu.vector_store %arg12[%swap3A_50, %swap3A_51], %dot_general3A_49 {strides = array<i32>} : memref<2000x16xf32, #tpu.memory_space<vmem>>, vector<2000x16xf32>,
    return
  }
  func.func @transform_0(%arg0: i32) -> (i32, i32) {
    %c0_i32 = arith.constant 0 : i32
    %c0_i32_0 = arith.constant 0 : i32
    return %arg0, %c0_i32 : i32, i32
  }
  func.func @transform_1(%arg0: i32) -> (i32, i32) {
    %c0_i32 = arith.constant 0 : i32
    %c0_i32_0 = arith.constant 0 : i32
    %c0_i32_1 = arith.constant 0 : i32
    return %c0_i32, %c0_i32_0 : i32, i32
  }
  func.func @transform_2(%arg0: i32) -> (i32, i32) {
    %c0_i32 = arith.constant 0 : i32
    %c0_i32_0 = arith.constant 0 : i32
    %c0_i32_1 = arith.constant 0 : i32
    return %c0_i32, %c0_i32_0 : i32, i32
  }
  func.func @transform_3(%arg0: i32) -> (i32, i32) {
    %c0_i32 = arith.constant 0 : i32
    %c0_i32_0 = arith.constant 0 : i32
    %c0_i32_1 = arith.constant 0 : i32
    return %c0_i32, %c0_i32_0 : i32, i32
  }
  func.func @transform_4(%arg0: i32) -> (i32, i32) {
    %c0_i32 = arith.constant 0 : i32
    %c0_i32_0 = arith.constant 0 : i32
    %c0_i32_1 = arith.constant 0 : i32
    return %c0_i32, %c0_i32_0 : i32, i32
  }
  func.func @transform_5(%arg0: i32) -> (i32, i32) {
    %c0_i32 = arith.constant 0 : i32
    %c0_i32_0 = arith.constant 0 : i32
    %c0_i32_1 = arith.constant 0 : i32
    return %c0_i32, %c0_i32_0 : i32, i32
  }
  func.func @transform_6(%arg0: i32) -> (i32, i32) {
    %c0_i32 = arith.constant 0 : i32
    %c0_i32_0 = arith.constant 0 : i32
    %c0_i32_1 = arith.constant 0 : i32
    return %c0_i32, %c0_i32_0 : i32, i32
  }
  func.func @transform_7(%arg0: i32) -> (i32, i32) {
    %c0_i32 = arith.constant 0 : i32
    %c0_i32_0 = arith.constant 0 : i32
    %c0_i32_1 = arith.constant 0 : i32
    return %c0_i32, %c0_i32_0 : i32, i32
  }
  func.func @transform_8(%arg0: i32) -> (i32, i32) {
    %c0_i32 = arith.constant 0 : i32
    %c0_i32_0 = arith.constant 0 : i32
    %c0_i32_1 = arith.constant 0 : i32
    return %c0_i32, %c0_i32_0 : i32, i32
  }
  func.func @transform_9(%arg0: i32) -> (i32, i32) {
    %c0_i32 = arith.constant 0 : i32
    %c0_i32_0 = arith.constant 0 : i32
    return %arg0, %c0_i32 : i32, i32
  }
  func.func @transform_10(%arg0: i32) -> (i32, i32) {
    %c0_i32 = arith.constant 0 : i32
    %c0_i32_0 = arith.constant 0 : i32
    return %arg0, %c0_i32 : i32, i32
  }
  func.func @transform_11(%arg0: i32) -> (i32, i32) {
    %c0_i32 = arith.constant 0 : i32
    %c0_i32_0 = arith.constant 0 : i32
    return %arg0, %c0_i32 : i32, i32
  }
}

module attributes {stable_mosaic.version = 14 : i64} {
  func.func @_tc15_body(%arg0: i32, %arg1: memref<2x2000x1xf32, #tpu.memory_space<vmem>>, %arg2: memref<2000x8xf32, #tpu.memory_space<vmem>>, %arg3: memref<2000x8xf32, #tpu.memory_space<vmem>>, %arg4: memref<2000x1xf32, #tpu.memory_space<vmem>>) attributes {dimension_semantics = [#tpu.dimension_semantics<arbitrary>], iteration_bounds = array<i64: 51>, scalar_prefetch = 0 : i64, scratch_operands = 0 : i64, tpu.core_type = #tpu.core_type<tc>, window_params = [{transform_indices = @transform_0, window_bounds = array<i64: 2, 2000, 1>}, {transform_indices = @transform_1, window_bounds = array<i64: 2000, 8>}, {transform_indices = @transform_2, window_bounds = array<i64: 2000, 8>}, {transform_indices = @transform_3, window_bounds = array<i64: 2000, 1>}]} {
    %get3A = arith.constant 0 : index
    %get3A_0 = arith.constant 0 : index
    %get3A_1 = arith.constant 0 : index
    %get3A_2 = vector.load %arg1[%get3A, %get3A_0, %get3A_1] : memref<2x2000x1xf32, #tpu.memory_space<vmem>>, vector<2x2000x1xf32>
    %slice3A = vector.extract_strided_slice %get3A_2 {offsets = [0, 0, 0], sizes = [1, 2000, 1], strides = [1, 1, 1]} : vector<2x2000x1xf32> to vector<1x2000x1xf32>
    %squeeze3A = vector.shape_cast %slice3A : vector<1x2000x1xf32> to vector<2000x1xf32>
    %slice3A_3 = vector.extract_strided_slice %get3A_2 {offsets = [1, 0, 0], sizes = [1, 2000, 1], strides = [1, 1, 1]} : vector<2x2000x1xf32> to vector<1x2000x1xf32>
    %squeeze3A_4 = vector.shape_cast %slice3A_3 : vector<1x2000x1xf32> to vector<2000x1xf32>
    %add3A = arith.addf %squeeze3A, %squeeze3A_4 : vector<2000x1xf32>
    %add3A_5 = arith.constant 1.000000e+00 : f32
    %add3A_6 = vector.broadcast %add3A_5 : f32 to vector<2000x1xf32>
    %add3A_7 = arith.addf %add3A, %add3A_6 : vector<2000x1xf32>
    %rsqrt3A = math.rsqrt %add3A_7 : vector<2000x1xf32>
    %iota3A = tpu.iota {dimensions = array<i32: 0>} : vector<2000x1xi32>
    %mul3A = arith.constant 2000 : i32
    %mul3A_8 = arith.muli %arg0, %mul3A : i32
    %add3A_9 = vector.broadcast %mul3A_8 : i32 to vector<2000x1xi32>
    %add3A_10 = arith.addi %iota3A, %add3A_9 : vector<2000x1xi32>
    %lt3A = arith.constant 100000 : i32
    %lt3A_11 = vector.broadcast %lt3A : i32 to vector<2000x1xi32>
    %lt3A_12 = arith.cmpi slt, %add3A_10, %lt3A_11 : vector<2000x1xi32>
    %get3A_13 = arith.constant 0 : index
    %get3A_14 = arith.constant 0 : index
    %get3A_15 = vector.load %arg2[%get3A_13, %get3A_14] : memref<2000x8xf32, #tpu.memory_space<vmem>>, vector<2000x8xf32>
    %mul3A_16 = vector.broadcast %rsqrt3A : vector<2000x1xf32> to vector<2000x8xf32>
    %mul3A_17 = arith.mulf %mul3A_16, %get3A_15 : vector<2000x8xf32>
    %jit3A = arith.constant 0.000000e+00 : f32
    %broadcast_in_dim3A = vector.shape_cast %lt3A_12 : vector<2000x1xi1> to vector<2000x1xi1>
    %broadcast_in_dim3A_18 = vector.broadcast %broadcast_in_dim3A : vector<2000x1xi1> to vector<2000x8xi1>
    %broadcast_in_dim3A_19 = vector.broadcast %jit3A : f32 to vector<2000x8xf32>
    %select_n3A = arith.select %broadcast_in_dim3A_18, %mul3A_17, %broadcast_in_dim3A_19 : vector<2000x8xi1>, vector<2000x8xf32>
    %swap3A = arith.constant 0 : index
    %swap3A_20 = arith.constant 0 : index
    %swap3A_21 = vector.load %arg3[%swap3A, %swap3A_20] : memref<2000x8xf32, #tpu.memory_space<vmem>>, vector<2000x8xf32>
    tpu.vector_store %arg3[%swap3A, %swap3A_20], %select_n3A {strides = array<i32>} : memref<2000x8xf32, #tpu.memory_space<vmem>>, vector<2000x8xf32>,
    %swap3A_22 = arith.constant 0 : index
    %swap3A_23 = arith.constant 0 : index
    %swap3A_24 = vector.load %arg4[%swap3A_22, %swap3A_23] : memref<2000x1xf32, #tpu.memory_space<vmem>>, vector<2000x1xf32>
    tpu.vector_store %arg4[%swap3A_22, %swap3A_23], %rsqrt3A {strides = array<i32>} : memref<2000x1xf32, #tpu.memory_space<vmem>>, vector<2000x1xf32>,
    return
  }
  func.func @transform_0(%arg0: i32) -> (i32, i32, i32) {
    %c0_i32 = arith.constant 0 : i32
    %c0_i32_0 = arith.constant 0 : i32
    %c0_i32_1 = arith.constant 0 : i32
    return %c0_i32, %arg0, %c0_i32_0 : i32, i32, i32
  }
  func.func @transform_1(%arg0: i32) -> (i32, i32) {
    %c0_i32 = arith.constant 0 : i32
    %c0_i32_0 = arith.constant 0 : i32
    return %arg0, %c0_i32 : i32, i32
  }
  func.func @transform_2(%arg0: i32) -> (i32, i32) {
    %c0_i32 = arith.constant 0 : i32
    %c0_i32_0 = arith.constant 0 : i32
    return %arg0, %c0_i32 : i32, i32
  }
  func.func @transform_3(%arg0: i32) -> (i32, i32) {
    %c0_i32 = arith.constant 0 : i32
    %c0_i32_0 = arith.constant 0 : i32
    return %arg0, %c0_i32 : i32, i32
  }
}

module attributes {stable_mosaic.version = 14 : i64} {
  func.func @_tc2_body(%arg0: i32, %arg1: memref<2000x8xf32, #tpu.memory_space<vmem>>, %arg2: memref<2000x16xf32, #tpu.memory_space<vmem>>, %arg3: memref<2000x16xf32, #tpu.memory_space<vmem>>, %arg4: memref<2x2000x8xf32, #tpu.memory_space<vmem>>, %arg5: memref<2000x1xf32, #tpu.memory_space<vmem>>, %arg6: memref<8x16xf32, #tpu.memory_space<vmem>>, %arg7: memref<1x16xf32, #tpu.memory_space<vmem>>, %arg8: memref<16x8xf32, #tpu.memory_space<vmem>>, %arg9: memref<1x8xf32, #tpu.memory_space<vmem>>, %arg10: memref<8x16xf32, #tpu.memory_space<vmem>>, %arg11: memref<1x16xf32, #tpu.memory_space<vmem>>, %arg12: memref<16x16xf32, #tpu.memory_space<vmem>>, %arg13: memref<1x16xf32, #tpu.memory_space<vmem>>, %arg14: memref<16x8xf32, #tpu.memory_space<vmem>>, %arg15: memref<1x8xf32, #tpu.memory_space<vmem>>, %arg16: memref<8x16xf32, #tpu.memory_space<vmem>>, %arg17: memref<1x16xf32, #tpu.memory_space<vmem>>, %arg18: memref<16x16xf32, #tpu.memory_space<vmem>>, %arg19: memref<8x16xf32, #tpu.memory_space<vmem>>, %arg20: memref<2000x16xf32, #tpu.memory_space<vmem>>) attributes {dimension_semantics = [#tpu.dimension_semantics<arbitrary>], iteration_bounds = array<i64: 50>, scalar_prefetch = 0 : i64, scratch_operands = 0 : i64, tpu.core_type = #tpu.core_type<tc>, window_params = [{transform_indices = @transform_0, window_bounds = array<i64: 2000, 8>}, {transform_indices = @transform_1, window_bounds = array<i64: 2000, 16>}, {transform_indices = @transform_2, window_bounds = array<i64: 2000, 16>}, {transform_indices = @transform_3, window_bounds = array<i64: 2, 2000, 8>}, {transform_indices = @transform_4, window_bounds = array<i64: 2000, 1>}, {pipeline_mode = #tpu.pipeline_mode<synchronous>, transform_indices = @transform_5, window_bounds = array<i64: 8, 16>}, {pipeline_mode = #tpu.pipeline_mode<synchronous>, transform_indices = @transform_6, window_bounds = array<i64: 1, 16>}, {pipeline_mode = #tpu.pipeline_mode<synchronous>, transform_indices = @transform_7, window_bounds = array<i64: 16, 8>}, {pipeline_mode = #tpu.pipeline_mode<synchronous>, transform_indices = @transform_8, window_bounds = array<i64: 1, 8>}, {pipeline_mode = #tpu.pipeline_mode<synchronous>, transform_indices = @transform_9, window_bounds = array<i64: 8, 16>}, {pipeline_mode = #tpu.pipeline_mode<synchronous>, transform_indices = @transform_10, window_bounds = array<i64: 1, 16>}, {pipeline_mode = #tpu.pipeline_mode<synchronous>, transform_indices = @transform_11, window_bounds = array<i64: 16, 16>}, {pipeline_mode = #tpu.pipeline_mode<synchronous>, transform_indices = @transform_12, window_bounds = array<i64: 1, 16>}, {pipeline_mode = #tpu.pipeline_mode<synchronous>, transform_indices = @transform_13, window_bounds = array<i64: 16, 8>}, {pipeline_mode = #tpu.pipeline_mode<synchronous>, transform_indices = @transform_14, window_bounds = array<i64: 1, 8>}, {pipeline_mode = #tpu.pipeline_mode<synchronous>, transform_indices = @transform_15, window_bounds = array<i64: 8, 16>}, {pipeline_mode = #tpu.pipeline_mode<synchronous>, transform_indices = @transform_16, window_bounds = array<i64: 1, 16>}, {pipeline_mode = #tpu.pipeline_mode<synchronous>, transform_indices = @transform_17, window_bounds = array<i64: 16, 16>}, {transform_indices = @transform_18, window_bounds = array<i64: 8, 16>}, {transform_indices = @transform_19, window_bounds = array<i64: 2000, 16>}]} {
    %get3A = arith.constant 0 : index
    %get3A_0 = arith.constant 0 : index
    %get3A_1 = arith.constant 0 : index
    %get3A_2 = vector.load %arg4[%get3A, %get3A_0, %get3A_1] : memref<2x2000x8xf32, #tpu.memory_space<vmem>>, vector<2x2000x8xf32>
    %slice3A = vector.extract_strided_slice %get3A_2 {offsets = [0, 0, 0], sizes = [1, 2000, 8], strides = [1, 1, 1]} : vector<2x2000x8xf32> to vector<1x2000x8xf32>
    %squeeze3A = vector.shape_cast %slice3A : vector<1x2000x8xf32> to vector<2000x8xf32>
    %slice3A_3 = vector.extract_strided_slice %get3A_2 {offsets = [1, 0, 0], sizes = [1, 2000, 8], strides = [1, 1, 1]} : vector<2x2000x8xf32> to vector<1x2000x8xf32>
    %squeeze3A_4 = vector.shape_cast %slice3A_3 : vector<1x2000x8xf32> to vector<2000x8xf32>
    %add3A = arith.addf %squeeze3A, %squeeze3A_4 : vector<2000x8xf32>
    %get3A_5 = arith.constant 0 : index
    %get3A_6 = arith.constant 0 : index
    %get3A_7 = vector.load %arg5[%get3A_5, %get3A_6] : memref<2000x1xf32, #tpu.memory_space<vmem>>, vector<2000x1xf32>
    %get3A_8 = arith.constant 0 : index
    %get3A_9 = arith.constant 0 : index
    %get3A_10 = vector.load %arg1[%get3A_8, %get3A_9] : memref<2000x8xf32, #tpu.memory_space<vmem>>, vector<2000x8xf32>
    %mul3A = vector.broadcast %get3A_7 : vector<2000x1xf32> to vector<2000x8xf32>
    %mul3A_11 = arith.mulf %mul3A, %get3A_10 : vector<2000x8xf32>
    %add3A_12 = arith.addf %add3A, %mul3A_11 : vector<2000x8xf32>
    %mul3A_13 = vector.broadcast %get3A_7 : vector<2000x1xf32> to vector<2000x8xf32>
    %mul3A_14 = arith.mulf %mul3A_13, %add3A_12 : vector<2000x8xf32>
    %get3A_15 = arith.constant 0 : index
    %get3A_16 = arith.constant 0 : index
    %get3A_17 = vector.load %arg6[%get3A_15, %get3A_16] : memref<8x16xf32, #tpu.memory_space<vmem>>, vector<8x16xf32>
    %dot_general3A = arith.constant dense<0.000000e+00> : vector<2000x16xf32>
    %dot_general3A_18 = tpu.matmul %mul3A_14, %get3A_17, %dot_general3A {dimension_numbers = #tpu.dot_dimension_numbers<[1], [0], [0], [1], [0, 0, 1, 1], [], []>, precision = #tpu.contract_precision<fp32>, transpose_lhs_hint = false} : vector<2000x8xf32>, vector<8x16xf32>, vector<2000x16xf32> -> vector<2000x16xf32>
    %get3A_19 = arith.constant 0 : index
    %get3A_20 = arith.constant 0 : index
    %get3A_21 = vector.load %arg7[%get3A_19, %get3A_20] : memref<1x16xf32, #tpu.memory_space<vmem>>, vector<1x16xf32>
    %add3A_22 = vector.broadcast %get3A_21 : vector<1x16xf32> to vector<2000x16xf32>
    %add3A_23 = arith.addf %dot_general3A_18, %add3A_22 : vector<2000x16xf32>
    %max3A = arith.constant 0.000000e+00 : f32
    %max3A_24 = vector.broadcast %max3A : f32 to vector<2000x16xf32>
    %max3A_25 = arith.maximumf %add3A_23, %max3A_24 : vector<2000x16xf32>
    %get3A_26 = arith.constant 0 : index
    %get3A_27 = arith.constant 0 : index
    %get3A_28 = vector.load %arg8[%get3A_26, %get3A_27] : memref<16x8xf32, #tpu.memory_space<vmem>>, vector<16x8xf32>
    %dot_general3A_29 = arith.constant dense<0.000000e+00> : vector<2000x8xf32>
    %dot_general3A_30 = tpu.matmul %max3A_25, %get3A_28, %dot_general3A_29 {dimension_numbers = #tpu.dot_dimension_numbers<[1], [0], [0], [1], [0, 0, 1, 1], [], []>, precision = #tpu.contract_precision<fp32>, transpose_lhs_hint = false} : vector<2000x16xf32>, vector<16x8xf32>, vector<2000x8xf32> -> vector<2000x8xf32>
    %get3A_31 = arith.constant 0 : index
    %get3A_32 = arith.constant 0 : index
    %get3A_33 = vector.load %arg9[%get3A_31, %get3A_32] : memref<1x8xf32, #tpu.memory_space<vmem>>, vector<1x8xf32>
    %add3A_34 = vector.broadcast %get3A_33 : vector<1x8xf32> to vector<2000x8xf32>
    %add3A_35 = arith.addf %dot_general3A_30, %add3A_34 : vector<2000x8xf32>
    %max3A_36 = arith.constant 0.000000e+00 : f32
    %max3A_37 = vector.broadcast %max3A_36 : f32 to vector<2000x8xf32>
    %max3A_38 = arith.maximumf %add3A_35, %max3A_37 : vector<2000x8xf32>
    %get3A_39 = arith.constant 0 : index
    %get3A_40 = arith.constant 0 : index
    %get3A_41 = vector.load %arg10[%get3A_39, %get3A_40] : memref<8x16xf32, #tpu.memory_space<vmem>>, vector<8x16xf32>
    %dot_general3A_42 = arith.constant dense<0.000000e+00> : vector<2000x16xf32>
    %dot_general3A_43 = tpu.matmul %max3A_38, %get3A_41, %dot_general3A_42 {dimension_numbers = #tpu.dot_dimension_numbers<[1], [0], [0], [1], [0, 0, 1, 1], [], []>, precision = #tpu.contract_precision<fp32>, transpose_lhs_hint = false} : vector<2000x8xf32>, vector<8x16xf32>, vector<2000x16xf32> -> vector<2000x16xf32>
    %get3A_44 = arith.constant 0 : index
    %get3A_45 = arith.constant 0 : index
    %get3A_46 = vector.load %arg11[%get3A_44, %get3A_45] : memref<1x16xf32, #tpu.memory_space<vmem>>, vector<1x16xf32>
    %add3A_47 = vector.broadcast %get3A_46 : vector<1x16xf32> to vector<2000x16xf32>
    %add3A_48 = arith.addf %dot_general3A_43, %add3A_47 : vector<2000x16xf32>
    %get3A_49 = arith.constant 0 : index
    %get3A_50 = arith.constant 0 : index
    %get3A_51 = vector.load %arg2[%get3A_49, %get3A_50] : memref<2000x16xf32, #tpu.memory_space<vmem>>, vector<2000x16xf32>
    %get3A_52 = arith.constant 0 : index
    %get3A_53 = arith.constant 0 : index
    %get3A_54 = vector.load %arg12[%get3A_52, %get3A_53] : memref<16x16xf32, #tpu.memory_space<vmem>>, vector<16x16xf32>
    %dot_general3A_55 = arith.constant dense<0.000000e+00> : vector<2000x16xf32>
    %dot_general3A_56 = tpu.matmul %add3A_48, %get3A_54, %dot_general3A_55 {dimension_numbers = #tpu.dot_dimension_numbers<[1], [0], [0], [1], [0, 0, 1, 1], [], []>, precision = #tpu.contract_precision<fp32>, transpose_lhs_hint = false} : vector<2000x16xf32>, vector<16x16xf32>, vector<2000x16xf32> -> vector<2000x16xf32>
    %add3A_57 = arith.addf %get3A_51, %dot_general3A_56 : vector<2000x16xf32>
    %get3A_58 = arith.constant 0 : index
    %get3A_59 = arith.constant 0 : index
    %get3A_60 = vector.load %arg13[%get3A_58, %get3A_59] : memref<1x16xf32, #tpu.memory_space<vmem>>, vector<1x16xf32>
    %add3A_61 = vector.broadcast %get3A_60 : vector<1x16xf32> to vector<2000x16xf32>
    %add3A_62 = arith.addf %add3A_57, %add3A_61 : vector<2000x16xf32>
    %max3A_63 = arith.constant 0.000000e+00 : f32
    %max3A_64 = vector.broadcast %max3A_63 : f32 to vector<2000x16xf32>
    %max3A_65 = arith.maximumf %add3A_62, %max3A_64 : vector<2000x16xf32>
    %get3A_66 = arith.constant 0 : index
    %get3A_67 = arith.constant 0 : index
    %get3A_68 = vector.load %arg14[%get3A_66, %get3A_67] : memref<16x8xf32, #tpu.memory_space<vmem>>, vector<16x8xf32>
    %dot_general3A_69 = arith.constant dense<0.000000e+00> : vector<2000x8xf32>
    %dot_general3A_70 = tpu.matmul %max3A_65, %get3A_68, %dot_general3A_69 {dimension_numbers = #tpu.dot_dimension_numbers<[1], [0], [0], [1], [0, 0, 1, 1], [], []>, precision = #tpu.contract_precision<fp32>, transpose_lhs_hint = false} : vector<2000x16xf32>, vector<16x8xf32>, vector<2000x8xf32> -> vector<2000x8xf32>
    %get3A_71 = arith.constant 0 : index
    %get3A_72 = arith.constant 0 : index
    %get3A_73 = vector.load %arg15[%get3A_71, %get3A_72] : memref<1x8xf32, #tpu.memory_space<vmem>>, vector<1x8xf32>
    %add3A_74 = vector.broadcast %get3A_73 : vector<1x8xf32> to vector<2000x8xf32>
    %add3A_75 = arith.addf %dot_general3A_70, %add3A_74 : vector<2000x8xf32>
    %max3A_76 = arith.constant 0.000000e+00 : f32
    %max3A_77 = vector.broadcast %max3A_76 : f32 to vector<2000x8xf32>
    %max3A_78 = arith.maximumf %add3A_75, %max3A_77 : vector<2000x8xf32>
    %get3A_79 = arith.constant 0 : index
    %get3A_80 = arith.constant 0 : index
    %get3A_81 = vector.load %arg16[%get3A_79, %get3A_80] : memref<8x16xf32, #tpu.memory_space<vmem>>, vector<8x16xf32>
    %dot_general3A_82 = arith.constant dense<0.000000e+00> : vector<2000x16xf32>
    %dot_general3A_83 = tpu.matmul %max3A_78, %get3A_81, %dot_general3A_82 {dimension_numbers = #tpu.dot_dimension_numbers<[1], [0], [0], [1], [0, 0, 1, 1], [], []>, precision = #tpu.contract_precision<fp32>, transpose_lhs_hint = false} : vector<2000x8xf32>, vector<8x16xf32>, vector<2000x16xf32> -> vector<2000x16xf32>
    %get3A_84 = arith.constant 0 : index
    %get3A_85 = arith.constant 0 : index
    %get3A_86 = vector.load %arg17[%get3A_84, %get3A_85] : memref<1x16xf32, #tpu.memory_space<vmem>>, vector<1x16xf32>
    %add3A_87 = vector.broadcast %get3A_86 : vector<1x16xf32> to vector<2000x16xf32>
    %add3A_88 = arith.addf %dot_general3A_83, %add3A_87 : vector<2000x16xf32>
    %iota3A = tpu.iota {dimensions = array<i32: 0>} : vector<8x2000xi32>
    %iota3A_89 = tpu.iota {dimensions = array<i32: 1>} : vector<8x2000xi32>
    %jit3A = arith.constant 250 : i32
    %div3A = vector.broadcast %jit3A : i32 to vector<8x2000xi32>
    %div3A_90 = arith.divsi %iota3A_89, %div3A : vector<8x2000xi32>
    %sign3A = arith.constant 0 : i32
    %sign3A_91 = vector.broadcast %sign3A : i32 to vector<8x2000xi32>
    %sign3A_92 = arith.cmpi sgt, %iota3A_89, %sign3A_91 : vector<8x2000xi32>
    %sign3A_93 = arith.extui %sign3A_92 : vector<8x2000xi1> to vector<8x2000xi32>
    %sign3A_94 = arith.constant 0 : i32
    %sign3A_95 = vector.broadcast %sign3A_94 : i32 to vector<8x2000xi32>
    %sign3A_96 = arith.cmpi slt, %iota3A_89, %sign3A_95 : vector<8x2000xi32>
    %sign3A_97 = arith.extui %sign3A_96 : vector<8x2000xi1> to vector<8x2000xi32>
    %sign3A_98 = arith.subi %sign3A_93, %sign3A_97 : vector<8x2000xi32>
    %sign3A_99 = arith.constant 0 : i32
    %sign3A_100 = arith.cmpi sgt, %jit3A, %sign3A_99 : i32
    %sign3A_101 = arith.extui %sign3A_100 : i1 to i32
    %sign3A_102 = arith.constant 0 : i32
    %sign3A_103 = arith.cmpi slt, %jit3A, %sign3A_102 : i32
    %sign3A_104 = arith.extui %sign3A_103 : i1 to i32
    %sign3A_105 = arith.subi %sign3A_101, %sign3A_104 : i32
    %ne3A = vector.broadcast %sign3A_105 : i32 to vector<8x2000xi32>
    %ne3A_106 = arith.cmpi ne, %sign3A_98, %ne3A : vector<8x2000xi32>
    %rem3A = vector.broadcast %jit3A : i32 to vector<8x2000xi32>
    %rem3A_107 = arith.remsi %iota3A_89, %rem3A : vector<8x2000xi32>
    %ne3A_108 = arith.constant 0 : i32
    %ne3A_109 = vector.broadcast %ne3A_108 : i32 to vector<8x2000xi32>
    %ne3A_110 = arith.cmpi ne, %rem3A_107, %ne3A_109 : vector<8x2000xi32>
    %and3A = arith.andi %ne3A_106, %ne3A_110 : vector<8x2000xi1>
    %sub3A = arith.constant 1 : i32
    %sub3A_111 = vector.broadcast %sub3A : i32 to vector<8x2000xi32>
    %sub3A_112 = arith.subi %div3A_90, %sub3A_111 : vector<8x2000xi32>
    %select_n3A = arith.select %and3A, %sub3A_112, %div3A_90 : vector<8x2000xi1>, vector<8x2000xi32>
    %eq3A = arith.cmpi eq, %iota3A, %select_n3A : vector<8x2000xi32>
    %convert_element_type3A = arith.extui %eq3A : vector<8x2000xi1> to vector<8x2000xi32>
    %convert_element_type3A_113 = arith.sitofp %convert_element_type3A : vector<8x2000xi32> to vector<8x2000xf32>
    %dot_general3A_114 = arith.constant dense<0.000000e+00> : vector<8x16xf32>
    %dot_general3A_115 = tpu.matmul %convert_element_type3A_113, %add3A_88, %dot_general3A_114 {dimension_numbers = #tpu.dot_dimension_numbers<[1], [0], [0], [1], [0, 0, 1, 1], [], []>, precision = #tpu.contract_precision<fp32>, transpose_lhs_hint = false} : vector<8x2000xf32>, vector<2000x16xf32>, vector<8x16xf32> -> vector<8x16xf32>
    %swap3A = arith.constant 0 : index
    %swap3A_116 = arith.constant 0 : index
    %swap3A_117 = vector.load %arg19[%swap3A, %swap3A_116] : memref<8x16xf32, #tpu.memory_space<vmem>>, vector<8x16xf32>
    tpu.vector_store %arg19[%swap3A, %swap3A_116], %dot_general3A_115 {strides = array<i32>} : memref<8x16xf32, #tpu.memory_space<vmem>>, vector<8x16xf32>,
    %get3A_118 = arith.constant 0 : index
    %get3A_119 = arith.constant 0 : index
    %get3A_120 = vector.load %arg3[%get3A_118, %get3A_119] : memref<2000x16xf32, #tpu.memory_space<vmem>>, vector<2000x16xf32>
    %get3A_121 = arith.constant 0 : index
    %get3A_122 = arith.constant 0 : index
    %get3A_123 = vector.load %arg18[%get3A_121, %get3A_122] : memref<16x16xf32, #tpu.memory_space<vmem>>, vector<16x16xf32>
    %dot_general3A_124 = arith.constant dense<0.000000e+00> : vector<2000x16xf32>
    %dot_general3A_125 = tpu.matmul %add3A_48, %get3A_123, %dot_general3A_124 {dimension_numbers = #tpu.dot_dimension_numbers<[1], [0], [0], [1], [0, 0, 1, 1], [], []>, precision = #tpu.contract_precision<fp32>, transpose_lhs_hint = false} : vector<2000x16xf32>, vector<16x16xf32>, vector<2000x16xf32> -> vector<2000x16xf32>
    %add3A_126 = arith.addf %get3A_120, %dot_general3A_125 : vector<2000x16xf32>
    %swap3A_127 = arith.constant 0 : index
    %swap3A_128 = arith.constant 0 : index
    %swap3A_129 = vector.load %arg20[%swap3A_127, %swap3A_128] : memref<2000x16xf32, #tpu.memory_space<vmem>>, vector<2000x16xf32>
    tpu.vector_store %arg20[%swap3A_127, %swap3A_128], %add3A_126 {strides = array<i32>} : memref<2000x16xf32, #tpu.memory_space<vmem>>, vector<2000x16xf32>,
    return
  }
  func.func @transform_0(%arg0: i32) -> (i32, i32) {
    %c0_i32 = arith.constant 0 : i32
    %c0_i32_0 = arith.constant 0 : i32
    return %arg0, %c0_i32 : i32, i32
  }
  func.func @transform_1(%arg0: i32) -> (i32, i32) {
    %c0_i32 = arith.constant 0 : i32
    %c0_i32_0 = arith.constant 0 : i32
    return %arg0, %c0_i32 : i32, i32
  }
  func.func @transform_2(%arg0: i32) -> (i32, i32) {
    %c0_i32 = arith.constant 0 : i32
    %c0_i32_0 = arith.constant 0 : i32
    return %arg0, %c0_i32 : i32, i32
  }
  func.func @transform_3(%arg0: i32) -> (i32, i32, i32) {
    %c0_i32 = arith.constant 0 : i32
    %c0_i32_0 = arith.constant 0 : i32
    %c0_i32_1 = arith.constant 0 : i32
    return %c0_i32, %arg0, %c0_i32_0 : i32, i32, i32
  }
  func.func @transform_4(%arg0: i32) -> (i32, i32) {
    %c0_i32 = arith.constant 0 : i32
    %c0_i32_0 = arith.constant 0 : i32
    return %arg0, %c0_i32 : i32, i32
  }
  func.func @transform_5(%arg0: i32) -> (i32, i32) {
    %c0_i32 = arith.constant 0 : i32
    %c0_i32_0 = arith.constant 0 : i32
    %c0_i32_1 = arith.constant 0 : i32
    return %c0_i32, %c0_i32_0 : i32, i32
  }
  func.func @transform_6(%arg0: i32) -> (i32, i32) {
    %c0_i32 = arith.constant 0 : i32
    %c0_i32_0 = arith.constant 0 : i32
    %c0_i32_1 = arith.constant 0 : i32
    return %c0_i32, %c0_i32_0 : i32, i32
  }
  func.func @transform_7(%arg0: i32) -> (i32, i32) {
    %c0_i32 = arith.constant 0 : i32
    %c0_i32_0 = arith.constant 0 : i32
    %c0_i32_1 = arith.constant 0 : i32
    return %c0_i32, %c0_i32_0 : i32, i32
  }
  func.func @transform_8(%arg0: i32) -> (i32, i32) {
    %c0_i32 = arith.constant 0 : i32
    %c0_i32_0 = arith.constant 0 : i32
    %c0_i32_1 = arith.constant 0 : i32
    return %c0_i32, %c0_i32_0 : i32, i32
  }
  func.func @transform_9(%arg0: i32) -> (i32, i32) {
    %c0_i32 = arith.constant 0 : i32
    %c0_i32_0 = arith.constant 0 : i32
    %c0_i32_1 = arith.constant 0 : i32
    return %c0_i32, %c0_i32_0 : i32, i32
  }
  func.func @transform_10(%arg0: i32) -> (i32, i32) {
    %c0_i32 = arith.constant 0 : i32
    %c0_i32_0 = arith.constant 0 : i32
    %c0_i32_1 = arith.constant 0 : i32
    return %c0_i32, %c0_i32_0 : i32, i32
  }
  func.func @transform_11(%arg0: i32) -> (i32, i32) {
    %c0_i32 = arith.constant 0 : i32
    %c0_i32_0 = arith.constant 0 : i32
    %c0_i32_1 = arith.constant 0 : i32
    return %c0_i32, %c0_i32_0 : i32, i32
  }
  func.func @transform_12(%arg0: i32) -> (i32, i32) {
    %c0_i32 = arith.constant 0 : i32
    %c0_i32_0 = arith.constant 0 : i32
    %c0_i32_1 = arith.constant 0 : i32
    return %c0_i32, %c0_i32_0 : i32, i32
  }
  func.func @transform_13(%arg0: i32) -> (i32, i32) {
    %c0_i32 = arith.constant 0 : i32
    %c0_i32_0 = arith.constant 0 : i32
    %c0_i32_1 = arith.constant 0 : i32
    return %c0_i32, %c0_i32_0 : i32, i32
  }
  func.func @transform_14(%arg0: i32) -> (i32, i32) {
    %c0_i32 = arith.constant 0 : i32
    %c0_i32_0 = arith.constant 0 : i32
    %c0_i32_1 = arith.constant 0 : i32
    return %c0_i32, %c0_i32_0 : i32, i32
  }
  func.func @transform_15(%arg0: i32) -> (i32, i32) {
    %c0_i32 = arith.constant 0 : i32
    %c0_i32_0 = arith.constant 0 : i32
    %c0_i32_1 = arith.constant 0 : i32
    return %c0_i32, %c0_i32_0 : i32, i32
  }
  func.func @transform_16(%arg0: i32) -> (i32, i32) {
    %c0_i32 = arith.constant 0 : i32
    %c0_i32_0 = arith.constant 0 : i32
    %c0_i32_1 = arith.constant 0 : i32
    return %c0_i32, %c0_i32_0 : i32, i32
  }
  func.func @transform_17(%arg0: i32) -> (i32, i32) {
    %c0_i32 = arith.constant 0 : i32
    %c0_i32_0 = arith.constant 0 : i32
    %c0_i32_1 = arith.constant 0 : i32
    return %c0_i32, %c0_i32_0 : i32, i32
  }
  func.func @transform_18(%arg0: i32) -> (i32, i32) {
    %c0_i32 = arith.constant 0 : i32
    %c0_i32_0 = arith.constant 0 : i32
    return %arg0, %c0_i32 : i32, i32
  }
  func.func @transform_19(%arg0: i32) -> (i32, i32) {
    %c0_i32 = arith.constant 0 : i32
    %c0_i32_0 = arith.constant 0 : i32
    return %arg0, %c0_i32 : i32, i32
  }
}

module attributes {stable_mosaic.version = 14 : i64} {
  func.func @_tc_dag_body(%arg0: i32, %arg1: memref<400x16xf32, #tpu.memory_space<vmem>>, %arg2: memref<400x8xf32, #tpu.memory_space<vmem>>, %arg3: memref<16x16xf32, #tpu.memory_space<vmem>>, %arg4: memref<1x16xf32, #tpu.memory_space<vmem>>, %arg5: memref<16x8xf32, #tpu.memory_space<vmem>>, %arg6: memref<1x8xf32, #tpu.memory_space<vmem>>, %arg7: memref<8x16xf32, #tpu.memory_space<vmem>>, %arg8: memref<1x16xf32, #tpu.memory_space<vmem>>, %arg9: memref<16x16xf32, #tpu.memory_space<vmem>>, %arg10: memref<16x16xf32, #tpu.memory_space<vmem>>, %arg11: memref<1x16xf32, #tpu.memory_space<vmem>>, %arg12: memref<8x16xf32, #tpu.memory_space<vmem>>, %arg13: memref<16x16xf32, #tpu.memory_space<vmem>>, %arg14: memref<16x16xf32, #tpu.memory_space<vmem>>, %arg15: memref<1x16xf32, #tpu.memory_space<vmem>>, %arg16: memref<1x16xf32, #tpu.memory_space<vmem>>, %arg17: memref<16x8xf32, #tpu.memory_space<vmem>>, %arg18: memref<1x8xf32, #tpu.memory_space<vmem>>, %arg19: memref<8x1xf32, #tpu.memory_space<vmem>>, %arg20: memref<1x1xf32, #tpu.memory_space<vmem>>, %arg21: memref<400x16xf32, #tpu.memory_space<vmem>>, %arg22: memref<400x50xf32, #tpu.memory_space<vmem>>) attributes {dimension_semantics = [#tpu.dimension_semantics<arbitrary>], iteration_bounds = array<i64: 1>, scalar_prefetch = 0 : i64, scratch_operands = 0 : i64, tpu.core_type = #tpu.core_type<tc>, window_params = [{pipeline_mode = #tpu.pipeline_mode<synchronous>, transform_indices = @transform_0, window_bounds = array<i64: 400, 16>}, {pipeline_mode = #tpu.pipeline_mode<synchronous>, transform_indices = @transform_1, window_bounds = array<i64: 400, 8>}, {pipeline_mode = #tpu.pipeline_mode<synchronous>, transform_indices = @transform_2, window_bounds = array<i64: 16, 16>}, {pipeline_mode = #tpu.pipeline_mode<synchronous>, transform_indices = @transform_3, window_bounds = array<i64: 1, 16>}, {pipeline_mode = #tpu.pipeline_mode<synchronous>, transform_indices = @transform_4, window_bounds = array<i64: 16, 8>}, {pipeline_mode = #tpu.pipeline_mode<synchronous>, transform_indices = @transform_5, window_bounds = array<i64: 1, 8>}, {pipeline_mode = #tpu.pipeline_mode<synchronous>, transform_indices = @transform_6, window_bounds = array<i64: 8, 16>}, {pipeline_mode = #tpu.pipeline_mode<synchronous>, transform_indices = @transform_7, window_bounds = array<i64: 1, 16>}, {pipeline_mode = #tpu.pipeline_mode<synchronous>, transform_indices = @transform_8, window_bounds = array<i64: 16, 16>}, {pipeline_mode = #tpu.pipeline_mode<synchronous>, transform_indices = @transform_9, window_bounds = array<i64: 16, 16>}, {pipeline_mode = #tpu.pipeline_mode<synchronous>, transform_indices = @transform_10, window_bounds = array<i64: 1, 16>}, {pipeline_mode = #tpu.pipeline_mode<synchronous>, transform_indices = @transform_11, window_bounds = array<i64: 8, 16>}, {pipeline_mode = #tpu.pipeline_mode<synchronous>, transform_indices = @transform_12, window_bounds = array<i64: 16, 16>}, {pipeline_mode = #tpu.pipeline_mode<synchronous>, transform_indices = @transform_13, window_bounds = array<i64: 16, 16>}, {pipeline_mode = #tpu.pipeline_mode<synchronous>, transform_indices = @transform_14, window_bounds = array<i64: 1, 16>}, {pipeline_mode = #tpu.pipeline_mode<synchronous>, transform_indices = @transform_15, window_bounds = array<i64: 1, 16>}, {pipeline_mode = #tpu.pipeline_mode<synchronous>, transform_indices = @transform_16, window_bounds = array<i64: 16, 8>}, {pipeline_mode = #tpu.pipeline_mode<synchronous>, transform_indices = @transform_17, window_bounds = array<i64: 1, 8>}, {pipeline_mode = #tpu.pipeline_mode<synchronous>, transform_indices = @transform_18, window_bounds = array<i64: 8, 1>}, {pipeline_mode = #tpu.pipeline_mode<synchronous>, transform_indices = @transform_19, window_bounds = array<i64: 1, 1>}, {pipeline_mode = #tpu.pipeline_mode<synchronous>, transform_indices = @transform_20, window_bounds = array<i64: 400, 16>}, {pipeline_mode = #tpu.pipeline_mode<synchronous>, transform_indices = @transform_21, window_bounds = array<i64: 400, 50>}]} {
    %get3A = arith.constant 0 : index
    %get3A_0 = arith.constant 0 : index
    %get3A_1 = vector.load %arg1[%get3A, %get3A_0] : memref<400x16xf32, #tpu.memory_space<vmem>>, vector<400x16xf32>
    %get3A_2 = arith.constant 0 : index
    %get3A_3 = arith.constant 0 : index
    %get3A_4 = vector.load %arg3[%get3A_2, %get3A_3] : memref<16x16xf32, #tpu.memory_space<vmem>>, vector<16x16xf32>
    %dot_general3A = arith.constant dense<0.000000e+00> : vector<400x16xf32>
    %dot_general3A_5 = tpu.matmul %get3A_1, %get3A_4, %dot_general3A {dimension_numbers = #tpu.dot_dimension_numbers<[1], [0], [0], [1], [0, 0, 1, 1], [], []>, precision = #tpu.contract_precision<fp32>, transpose_lhs_hint = false} : vector<400x16xf32>, vector<16x16xf32>, vector<400x16xf32> -> vector<400x16xf32>
    %get3A_6 = arith.constant 0 : index
    %get3A_7 = arith.constant 0 : index
    %get3A_8 = vector.load %arg4[%get3A_6, %get3A_7] : memref<1x16xf32, #tpu.memory_space<vmem>>, vector<1x16xf32>
    %add3A = vector.broadcast %get3A_8 : vector<1x16xf32> to vector<400x16xf32>
    %add3A_9 = arith.addf %dot_general3A_5, %add3A : vector<400x16xf32>
    %max3A = arith.constant 0.000000e+00 : f32
    %max3A_10 = vector.broadcast %max3A : f32 to vector<400x16xf32>
    %max3A_11 = arith.maximumf %add3A_9, %max3A_10 : vector<400x16xf32>
    %get3A_12 = arith.constant 0 : index
    %get3A_13 = arith.constant 0 : index
    %get3A_14 = vector.load %arg5[%get3A_12, %get3A_13] : memref<16x8xf32, #tpu.memory_space<vmem>>, vector<16x8xf32>
    %dot_general3A_15 = arith.constant dense<0.000000e+00> : vector<400x8xf32>
    %dot_general3A_16 = tpu.matmul %max3A_11, %get3A_14, %dot_general3A_15 {dimension_numbers = #tpu.dot_dimension_numbers<[1], [0], [0], [1], [0, 0, 1, 1], [], []>, precision = #tpu.contract_precision<fp32>, transpose_lhs_hint = false} : vector<400x16xf32>, vector<16x8xf32>, vector<400x8xf32> -> vector<400x8xf32>
    %get3A_17 = arith.constant 0 : index
    %get3A_18 = arith.constant 0 : index
    %get3A_19 = vector.load %arg6[%get3A_17, %get3A_18] : memref<1x8xf32, #tpu.memory_space<vmem>>, vector<1x8xf32>
    %add3A_20 = vector.broadcast %get3A_19 : vector<1x8xf32> to vector<400x8xf32>
    %add3A_21 = arith.addf %dot_general3A_16, %add3A_20 : vector<400x8xf32>
    %max3A_22 = arith.constant 0.000000e+00 : f32
    %max3A_23 = vector.broadcast %max3A_22 : f32 to vector<400x8xf32>
    %max3A_24 = arith.maximumf %add3A_21, %max3A_23 : vector<400x8xf32>
    %get3A_25 = arith.constant 0 : index
    %get3A_26 = arith.constant 0 : index
    %get3A_27 = vector.load %arg7[%get3A_25, %get3A_26] : memref<8x16xf32, #tpu.memory_space<vmem>>, vector<8x16xf32>
    %dot_general3A_28 = arith.constant dense<0.000000e+00> : vector<400x16xf32>
    %dot_general3A_29 = tpu.matmul %max3A_24, %get3A_27, %dot_general3A_28 {dimension_numbers = #tpu.dot_dimension_numbers<[1], [0], [0], [1], [0, 0, 1, 1], [], []>, precision = #tpu.contract_precision<fp32>, transpose_lhs_hint = false} : vector<400x8xf32>, vector<8x16xf32>, vector<400x16xf32> -> vector<400x16xf32>
    %get3A_30 = arith.constant 0 : index
    %get3A_31 = arith.constant 0 : index
    %get3A_32 = vector.load %arg8[%get3A_30, %get3A_31] : memref<1x16xf32, #tpu.memory_space<vmem>>, vector<1x16xf32>
    %add3A_33 = vector.broadcast %get3A_32 : vector<1x16xf32> to vector<400x16xf32>
    %add3A_34 = arith.addf %dot_general3A_29, %add3A_33 : vector<400x16xf32>
    %iota3A = tpu.iota {dimensions = array<i32: 0>} : vector<16x400xi32>
    %iota3A_35 = tpu.iota {dimensions = array<i32: 1>} : vector<16x400xi32>
    %jit3A = arith.constant 25 : i32
    %div3A = vector.broadcast %jit3A : i32 to vector<16x400xi32>
    %div3A_36 = arith.divsi %iota3A_35, %div3A : vector<16x400xi32>
    %sign3A = arith.constant 0 : i32
    %sign3A_37 = vector.broadcast %sign3A : i32 to vector<16x400xi32>
    %sign3A_38 = arith.cmpi sgt, %iota3A_35, %sign3A_37 : vector<16x400xi32>
    %sign3A_39 = arith.extui %sign3A_38 : vector<16x400xi1> to vector<16x400xi32>
    %sign3A_40 = arith.constant 0 : i32
    %sign3A_41 = vector.broadcast %sign3A_40 : i32 to vector<16x400xi32>
    %sign3A_42 = arith.cmpi slt, %iota3A_35, %sign3A_41 : vector<16x400xi32>
    %sign3A_43 = arith.extui %sign3A_42 : vector<16x400xi1> to vector<16x400xi32>
    %sign3A_44 = arith.subi %sign3A_39, %sign3A_43 : vector<16x400xi32>
    %sign3A_45 = arith.constant 0 : i32
    %sign3A_46 = arith.cmpi sgt, %jit3A, %sign3A_45 : i32
    %sign3A_47 = arith.extui %sign3A_46 : i1 to i32
    %sign3A_48 = arith.constant 0 : i32
    %sign3A_49 = arith.cmpi slt, %jit3A, %sign3A_48 : i32
    %sign3A_50 = arith.extui %sign3A_49 : i1 to i32
    %sign3A_51 = arith.subi %sign3A_47, %sign3A_50 : i32
    %ne3A = vector.broadcast %sign3A_51 : i32 to vector<16x400xi32>
    %ne3A_52 = arith.cmpi ne, %sign3A_44, %ne3A : vector<16x400xi32>
    %rem3A = vector.broadcast %jit3A : i32 to vector<16x400xi32>
    %rem3A_53 = arith.remsi %iota3A_35, %rem3A : vector<16x400xi32>
    %ne3A_54 = arith.constant 0 : i32
    %ne3A_55 = vector.broadcast %ne3A_54 : i32 to vector<16x400xi32>
    %ne3A_56 = arith.cmpi ne, %rem3A_53, %ne3A_55 : vector<16x400xi32>
    %and3A = arith.andi %ne3A_52, %ne3A_56 : vector<16x400xi1>
    %sub3A = arith.constant 1 : i32
    %sub3A_57 = vector.broadcast %sub3A : i32 to vector<16x400xi32>
    %sub3A_58 = arith.subi %div3A_36, %sub3A_57 : vector<16x400xi32>
    %select_n3A = arith.select %and3A, %sub3A_58, %div3A_36 : vector<16x400xi1>, vector<16x400xi32>
    %eq3A = arith.cmpi eq, %iota3A, %select_n3A : vector<16x400xi32>
    %convert_element_type3A = arith.extui %eq3A : vector<16x400xi1> to vector<16x400xi32>
    %convert_element_type3A_59 = arith.sitofp %convert_element_type3A : vector<16x400xi32> to vector<16x400xf32>
    %dot_general3A_60 = arith.constant dense<0.000000e+00> : vector<16x16xf32>
    %dot_general3A_61 = tpu.matmul %convert_element_type3A_59, %add3A_34, %dot_general3A_60 {dimension_numbers = #tpu.dot_dimension_numbers<[1], [0], [0], [1], [0, 0, 1, 1], [], []>, precision = #tpu.contract_precision<fp32>, transpose_lhs_hint = false} : vector<16x400xf32>, vector<400x16xf32>, vector<16x16xf32> -> vector<16x16xf32>
    %transpose3A = tpu.transpose %convert_element_type3A_59, [1, 0] : vector<16x400xf32> -> vector<400x16xf32>
    %dot_general3A_62 = arith.constant dense<0.000000e+00> : vector<400x16xf32>
    %dot_general3A_63 = tpu.matmul %transpose3A, %dot_general3A_61, %dot_general3A_62 {dimension_numbers = #tpu.dot_dimension_numbers<[1], [0], [0], [1], [0, 0, 1, 1], [], []>, precision = #tpu.contract_precision<fp32>, transpose_lhs_hint = false} : vector<400x16xf32>, vector<16x16xf32>, vector<400x16xf32> -> vector<400x16xf32>
    %get3A_64 = arith.constant 0 : index
    %get3A_65 = arith.constant 0 : index
    %get3A_66 = vector.load %arg9[%get3A_64, %get3A_65] : memref<16x16xf32, #tpu.memory_space<vmem>>, vector<16x16xf32>
    %dot_general3A_67 = arith.constant dense<0.000000e+00> : vector<400x16xf32>
    %dot_general3A_68 = tpu.matmul %get3A_1, %get3A_66, %dot_general3A_67 {dimension_numbers = #tpu.dot_dimension_numbers<[1], [0], [0], [1], [0, 0, 1, 1], [], []>, precision = #tpu.contract_precision<fp32>, transpose_lhs_hint = false} : vector<400x16xf32>, vector<16x16xf32>, vector<400x16xf32> -> vector<400x16xf32>
    %get3A_69 = arith.constant 0 : index
    %get3A_70 = arith.constant 0 : index
    %get3A_71 = vector.load %arg10[%get3A_69, %get3A_70] : memref<16x16xf32, #tpu.memory_space<vmem>>, vector<16x16xf32>
    %dot_general3A_72 = arith.constant dense<0.000000e+00> : vector<400x16xf32>
    %dot_general3A_73 = tpu.matmul %dot_general3A_63, %get3A_71, %dot_general3A_72 {dimension_numbers = #tpu.dot_dimension_numbers<[1], [0], [0], [1], [0, 0, 1, 1], [], []>, precision = #tpu.contract_precision<fp32>, transpose_lhs_hint = false} : vector<400x16xf32>, vector<16x16xf32>, vector<400x16xf32> -> vector<400x16xf32>
    %add3A_74 = arith.addf %dot_general3A_68, %dot_general3A_73 : vector<400x16xf32>
    %get3A_75 = arith.constant 0 : index
    %get3A_76 = arith.constant 0 : index
    %get3A_77 = vector.load %arg11[%get3A_75, %get3A_76] : memref<1x16xf32, #tpu.memory_space<vmem>>, vector<1x16xf32>
    %add3A_78 = vector.broadcast %get3A_77 : vector<1x16xf32> to vector<400x16xf32>
    %add3A_79 = arith.addf %add3A_74, %add3A_78 : vector<400x16xf32>
    %swap3A = arith.constant 0 : index
    %swap3A_80 = arith.constant 0 : index
    %swap3A_81 = vector.load %arg21[%swap3A, %swap3A_80] : memref<400x16xf32, #tpu.memory_space<vmem>>, vector<400x16xf32>
    tpu.vector_store %arg21[%swap3A, %swap3A_80], %add3A_79 {strides = array<i32>} : memref<400x16xf32, #tpu.memory_space<vmem>>, vector<400x16xf32>,
    %get3A_82 = arith.constant 0 : index
    %get3A_83 = arith.constant 0 : index
    %get3A_84 = vector.load %arg2[%get3A_82, %get3A_83] : memref<400x8xf32, #tpu.memory_space<vmem>>, vector<400x8xf32>
    %get3A_85 = arith.constant 0 : index
    %get3A_86 = arith.constant 0 : index
    %get3A_87 = vector.load %arg12[%get3A_85, %get3A_86] : memref<8x16xf32, #tpu.memory_space<vmem>>, vector<8x16xf32>
    %dot_general3A_88 = arith.constant dense<0.000000e+00> : vector<400x16xf32>
    %dot_general3A_89 = tpu.matmul %get3A_84, %get3A_87, %dot_general3A_88 {dimension_numbers = #tpu.dot_dimension_numbers<[1], [0], [0], [1], [0, 0, 1, 1], [], []>, precision = #tpu.contract_precision<fp32>, transpose_lhs_hint = false} : vector<400x8xf32>, vector<8x16xf32>, vector<400x16xf32> -> vector<400x16xf32>
    %get3A_90 = arith.constant 0 : index
    %get3A_91 = arith.constant 0 : index
    %get3A_92 = vector.load %arg13[%get3A_90, %get3A_91] : memref<16x16xf32, #tpu.memory_space<vmem>>, vector<16x16xf32>
    %dot_general3A_93 = arith.constant dense<0.000000e+00> : vector<400x16xf32>
    %dot_general3A_94 = tpu.matmul %get3A_1, %get3A_92, %dot_general3A_93 {dimension_numbers = #tpu.dot_dimension_numbers<[1], [0], [0], [1], [0, 0, 1, 1], [], []>, precision = #tpu.contract_precision<fp32>, transpose_lhs_hint = false} : vector<400x16xf32>, vector<16x16xf32>, vector<400x16xf32> -> vector<400x16xf32>
    %add3A_95 = arith.addf %dot_general3A_89, %dot_general3A_94 : vector<400x16xf32>
    %get3A_96 = arith.constant 0 : index
    %get3A_97 = arith.constant 0 : index
    %get3A_98 = vector.load %arg14[%get3A_96, %get3A_97] : memref<16x16xf32, #tpu.memory_space<vmem>>, vector<16x16xf32>
    %dot_general3A_99 = arith.constant dense<0.000000e+00> : vector<400x16xf32>
    %dot_general3A_100 = tpu.matmul %dot_general3A_63, %get3A_98, %dot_general3A_99 {dimension_numbers = #tpu.dot_dimension_numbers<[1], [0], [0], [1], [0, 0, 1, 1], [], []>, precision = #tpu.contract_precision<fp32>, transpose_lhs_hint = false} : vector<400x16xf32>, vector<16x16xf32>, vector<400x16xf32> -> vector<400x16xf32>
    %add3A_101 = arith.addf %add3A_95, %dot_general3A_100 : vector<400x16xf32>
    %get3A_102 = arith.constant 0 : index
    %get3A_103 = arith.constant 0 : index
    %get3A_104 = vector.load %arg16[%get3A_102, %get3A_103] : memref<1x16xf32, #tpu.memory_space<vmem>>, vector<1x16xf32>
    %add3A_105 = vector.broadcast %get3A_104 : vector<1x16xf32> to vector<400x16xf32>
    %add3A_106 = arith.addf %add3A_101, %add3A_105 : vector<400x16xf32>
    %get3A_107 = arith.constant 0 : index
    %get3A_108 = arith.constant 0 : index
    %get3A_109 = vector.load %arg15[%get3A_107, %get3A_108] : memref<1x16xf32, #tpu.memory_space<vmem>>, vector<1x16xf32>
    %mul3A = arith.constant 0.000000e+00 : f32
    %mul3A_110 = vector.broadcast %mul3A : f32 to vector<1x16xf32>
    %mul3A_111 = arith.mulf %mul3A_110, %get3A_109 : vector<1x16xf32>
    %add3A_112 = vector.broadcast %mul3A_111 : vector<1x16xf32> to vector<400x16xf32>
    %add3A_113 = arith.addf %add3A_106, %add3A_112 : vector<400x16xf32>
    %max3A_114 = arith.constant 0.000000e+00 : f32
    %max3A_115 = vector.broadcast %max3A_114 : f32 to vector<400x16xf32>
    %max3A_116 = arith.maximumf %add3A_113, %max3A_115 : vector<400x16xf32>
    %get3A_117 = arith.constant 0 : index
    %get3A_118 = arith.constant 0 : index
    %get3A_119 = vector.load %arg17[%get3A_117, %get3A_118] : memref<16x8xf32, #tpu.memory_space<vmem>>, vector<16x8xf32>
    %dot_general3A_120 = arith.constant dense<0.000000e+00> : vector<400x8xf32>
    %dot_general3A_121 = tpu.matmul %max3A_116, %get3A_119, %dot_general3A_120 {dimension_numbers = #tpu.dot_dimension_numbers<[1], [0], [0], [1], [0, 0, 1, 1], [], []>, precision = #tpu.contract_precision<fp32>, transpose_lhs_hint = false} : vector<400x16xf32>, vector<16x8xf32>, vector<400x8xf32> -> vector<400x8xf32>
    %get3A_122 = arith.constant 0 : index
    %get3A_123 = arith.constant 0 : index
    %get3A_124 = vector.load %arg18[%get3A_122, %get3A_123] : memref<1x8xf32, #tpu.memory_space<vmem>>, vector<1x8xf32>
    %add3A_125 = vector.broadcast %get3A_124 : vector<1x8xf32> to vector<400x8xf32>
    %add3A_126 = arith.addf %dot_general3A_121, %add3A_125 : vector<400x8xf32>
    %max3A_127 = arith.constant 0.000000e+00 : f32
    %max3A_128 = vector.broadcast %max3A_127 : f32 to vector<400x8xf32>
    %max3A_129 = arith.maximumf %add3A_126, %max3A_128 : vector<400x8xf32>
    %get3A_130 = arith.constant 0 : index
    %get3A_131 = arith.constant 0 : index
    %get3A_132 = vector.load %arg19[%get3A_130, %get3A_131] : memref<8x1xf32, #tpu.memory_space<vmem>>, vector<8x1xf32>
    %dot_general3A_133 = arith.constant dense<0.000000e+00> : vector<400x1xf32>
    %dot_general3A_134 = tpu.matmul %max3A_129, %get3A_132, %dot_general3A_133 {dimension_numbers = #tpu.dot_dimension_numbers<[1], [0], [0], [1], [0, 0, 1, 1], [], []>, precision = #tpu.contract_precision<fp32>, transpose_lhs_hint = false} : vector<400x8xf32>, vector<8x1xf32>, vector<400x1xf32> -> vector<400x1xf32>
    %get3A_135 = arith.constant 0 : index
    %get3A_136 = arith.constant 0 : index
    %get3A_137 = vector.load %arg20[%get3A_135, %get3A_136] : memref<1x1xf32, #tpu.memory_space<vmem>>, vector<1x1xf32>
    %add3A_138 = vector.broadcast %get3A_137 : vector<1x1xf32> to vector<400x1xf32>
    %add3A_139 = arith.addf %dot_general3A_134, %add3A_138 : vector<400x1xf32>
    %get3A_140 = arith.constant 0 : index
    %get3A_141 = arith.constant 0 : index
    %get3A_142 = vector.load %arg15[%get3A_140, %get3A_141] : memref<1x16xf32, #tpu.memory_space<vmem>>, vector<1x16xf32>
    %mul3A_143 = arith.constant 1.000000e+00 : f32
    %mul3A_144 = vector.broadcast %mul3A_143 : f32 to vector<1x16xf32>
    %mul3A_145 = arith.mulf %mul3A_144, %get3A_142 : vector<1x16xf32>
    %add3A_146 = vector.broadcast %mul3A_145 : vector<1x16xf32> to vector<400x16xf32>
    %add3A_147 = arith.addf %add3A_106, %add3A_146 : vector<400x16xf32>
    %max3A_148 = arith.constant 0.000000e+00 : f32
    %max3A_149 = vector.broadcast %max3A_148 : f32 to vector<400x16xf32>
    %max3A_150 = arith.maximumf %add3A_147, %max3A_149 : vector<400x16xf32>
    %get3A_151 = arith.constant 0 : index
    %get3A_152 = arith.constant 0 : index
    %get3A_153 = vector.load %arg17[%get3A_151, %get3A_152] : memref<16x8xf32, #tpu.memory_space<vmem>>, vector<16x8xf32>
    %dot_general3A_154 = arith.constant dense<0.000000e+00> : vector<400x8xf32>
    %dot_general3A_155 = tpu.matmul %max3A_150, %get3A_153, %dot_general3A_154 {dimension_numbers = #tpu.dot_dimension_numbers<[1], [0], [0], [1], [0, 0, 1, 1], [], []>, precision = #tpu.contract_precision<fp32>, transpose_lhs_hint = false} : vector<400x16xf32>, vector<16x8xf32>, vector<400x8xf32> -> vector<400x8xf32>
    %get3A_156 = arith.constant 0 : index
    %get3A_157 = arith.constant 0 : index
    %get3A_158 = vector.load %arg18[%get3A_156, %get3A_157] : memref<1x8xf32, #tpu.memory_space<vmem>>, vector<1x8xf32>
    %add3A_159 = vector.broadcast %get3A_158 : vector<1x8xf32> to vector<400x8xf32>
    %add3A_160 = arith.addf %dot_general3A_155, %add3A_159 : vector<400x8xf32>
    %max3A_161 = arith.constant 0.000000e+00 : f32
    %max3A_162 = vector.broadcast %max3A_161 : f32 to vector<400x8xf32>
    %max3A_163 = arith.maximumf %add3A_160, %max3A_162 : vector<400x8xf32>
    %get3A_164 = arith.constant 0 : index
    %get3A_165 = arith.constant 0 : index
    %get3A_166 = vector.load %arg19[%get3A_164, %get3A_165] : memref<8x1xf32, #tpu.memory_space<vmem>>, vector<8x1xf32>
    %dot_general3A_167 = arith.constant dense<0.000000e+00> : vector<400x1xf32>
    %dot_general3A_168 = tpu.matmul %max3A_163, %get3A_166, %dot_general3A_167 {dimension_numbers = #tpu.dot_dimension_numbers<[1], [0], [0], [1], [0, 0, 1, 1], [], []>, precision = #tpu.contract_precision<fp32>, transpose_lhs_hint = false} : vector<400x8xf32>, vector<8x1xf32>, vector<400x1xf32> -> vector<400x1xf32>
    %get3A_169 = arith.constant 0 : index
    %get3A_170 = arith.constant 0 : index
    %get3A_171 = vector.load %arg20[%get3A_169, %get3A_170] : memref<1x1xf32, #tpu.memory_space<vmem>>, vector<1x1xf32>
    %add3A_172 = vector.broadcast %get3A_171 : vector<1x1xf32> to vector<400x1xf32>
    %add3A_173 = arith.addf %dot_general3A_168, %add3A_172 : vector<400x1xf32>
    %get3A_174 = arith.constant 0 : index
    %get3A_175 = arith.constant 0 : index
    %get3A_176 = vector.load %arg15[%get3A_174, %get3A_175] : memref<1x16xf32, #tpu.memory_space<vmem>>, vector<1x16xf32>
    %mul3A_177 = arith.constant 2.000000e+00 : f32
    %mul3A_178 = vector.broadcast %mul3A_177 : f32 to vector<1x16xf32>
    %mul3A_179 = arith.mulf %mul3A_178, %get3A_176 : vector<1x16xf32>
    %add3A_180 = vector.broadcast %mul3A_179 : vector<1x16xf32> to vector<400x16xf32>
    %add3A_181 = arith.addf %add3A_106, %add3A_180 : vector<400x16xf32>
    %max3A_182 = arith.constant 0.000000e+00 : f32
    %max3A_183 = vector.broadcast %max3A_182 : f32 to vector<400x16xf32>
    %max3A_184 = arith.maximumf %add3A_181, %max3A_183 : vector<400x16xf32>
    %get3A_185 = arith.constant 0 : index
    %get3A_186 = arith.constant 0 : index
    %get3A_187 = vector.load %arg17[%get3A_185, %get3A_186] : memref<16x8xf32, #tpu.memory_space<vmem>>, vector<16x8xf32>
    %dot_general3A_188 = arith.constant dense<0.000000e+00> : vector<400x8xf32>
    %dot_general3A_189 = tpu.matmul %max3A_184, %get3A_187, %dot_general3A_188 {dimension_numbers = #tpu.dot_dimension_numbers<[1], [0], [0], [1], [0, 0, 1, 1], [], []>, precision = #tpu.contract_precision<fp32>, transpose_lhs_hint = false} : vector<400x16xf32>, vector<16x8xf32>, vector<400x8xf32> -> vector<400x8xf32>
    %get3A_190 = arith.constant 0 : index
    %get3A_191 = arith.constant 0 : index
    %get3A_192 = vector.load %arg18[%get3A_190, %get3A_191] : memref<1x8xf32, #tpu.memory_space<vmem>>, vector<1x8xf32>
    %add3A_193 = vector.broadcast %get3A_192 : vector<1x8xf32> to vector<400x8xf32>
    %add3A_194 = arith.addf %dot_general3A_189, %add3A_193 : vector<400x8xf32>
    %max3A_195 = arith.constant 0.000000e+00 : f32
    %max3A_196 = vector.broadcast %max3A_195 : f32 to vector<400x8xf32>
    %max3A_197 = arith.maximumf %add3A_194, %max3A_196 : vector<400x8xf32>
    %get3A_198 = arith.constant 0 : index
    %get3A_199 = arith.constant 0 : index
    %get3A_200 = vector.load %arg19[%get3A_198, %get3A_199] : memref<8x1xf32, #tpu.memory_space<vmem>>, vector<8x1xf32>
    %dot_general3A_201 = arith.constant dense<0.000000e+00> : vector<400x1xf32>
    %dot_general3A_202 = tpu.matmul %max3A_197, %get3A_200, %dot_general3A_201 {dimension_numbers = #tpu.dot_dimension_numbers<[1], [0], [0], [1], [0, 0, 1, 1], [], []>, precision = #tpu.contract_precision<fp32>, transpose_lhs_hint = false} : vector<400x8xf32>, vector<8x1xf32>, vector<400x1xf32> -> vector<400x1xf32>
    %get3A_203 = arith.constant 0 : index
    %get3A_204 = arith.constant 0 : index
    %get3A_205 = vector.load %arg20[%get3A_203, %get3A_204] : memref<1x1xf32, #tpu.memory_space<vmem>>, vector<1x1xf32>
    %add3A_206 = vector.broadcast %get3A_205 : vector<1x1xf32> to vector<400x1xf32>
    %add3A_207 = arith.addf %dot_general3A_202, %add3A_206 : vector<400x1xf32>
    %get3A_208 = arith.constant 0 : index
    %get3A_209 = arith.constant 0 : index
    %get3A_210 = vector.load %arg15[%get3A_208, %get3A_209] : memref<1x16xf32, #tpu.memory_space<vmem>>, vector<1x16xf32>
    %mul3A_211 = arith.constant 3.000000e+00 : f32
    %mul3A_212 = vector.broadcast %mul3A_211 : f32 to vector<1x16xf32>
    %mul3A_213 = arith.mulf %mul3A_212, %get3A_210 : vector<1x16xf32>
    %add3A_214 = vector.broadcast %mul3A_213 : vector<1x16xf32> to vector<400x16xf32>
    %add3A_215 = arith.addf %add3A_106, %add3A_214 : vector<400x16xf32>
    %max3A_216 = arith.constant 0.000000e+00 : f32
    %max3A_217 = vector.broadcast %max3A_216 : f32 to vector<400x16xf32>
    %max3A_218 = arith.maximumf %add3A_215, %max3A_217 : vector<400x16xf32>
    %get3A_219 = arith.constant 0 : index
    %get3A_220 = arith.constant 0 : index
    %get3A_221 = vector.load %arg17[%get3A_219, %get3A_220] : memref<16x8xf32, #tpu.memory_space<vmem>>, vector<16x8xf32>
    %dot_general3A_222 = arith.constant dense<0.000000e+00> : vector<400x8xf32>
    %dot_general3A_223 = tpu.matmul %max3A_218, %get3A_221, %dot_general3A_222 {dimension_numbers = #tpu.dot_dimension_numbers<[1], [0], [0], [1], [0, 0, 1, 1], [], []>, precision = #tpu.contract_precision<fp32>, transpose_lhs_hint = false} : vector<400x16xf32>, vector<16x8xf32>, vector<400x8xf32> -> vector<400x8xf32>
    %get3A_224 = arith.constant 0 : index
    %get3A_225 = arith.constant 0 : index
    %get3A_226 = vector.load %arg18[%get3A_224, %get3A_225] : memref<1x8xf32, #tpu.memory_space<vmem>>, vector<1x8xf32>
    %add3A_227 = vector.broadcast %get3A_226 : vector<1x8xf32> to vector<400x8xf32>
    %add3A_228 = arith.addf %dot_general3A_223, %add3A_227 : vector<400x8xf32>
    %max3A_229 = arith.constant 0.000000e+00 : f32
    %max3A_230 = vector.broadcast %max3A_229 : f32 to vector<400x8xf32>
    %max3A_231 = arith.maximumf %add3A_228, %max3A_230 : vector<400x8xf32>
    %get3A_232 = arith.constant 0 : index
    %get3A_233 = arith.constant 0 : index
    %get3A_234 = vector.load %arg19[%get3A_232, %get3A_233] : memref<8x1xf32, #tpu.memory_space<vmem>>, vector<8x1xf32>
    %dot_general3A_235 = arith.constant dense<0.000000e+00> : vector<400x1xf32>
    %dot_general3A_236 = tpu.matmul %max3A_231, %get3A_234, %dot_general3A_235 {dimension_numbers = #tpu.dot_dimension_numbers<[1], [0], [0], [1], [0, 0, 1, 1], [], []>, precision = #tpu.contract_precision<fp32>, transpose_lhs_hint = false} : vector<400x8xf32>, vector<8x1xf32>, vector<400x1xf32> -> vector<400x1xf32>
    %get3A_237 = arith.constant 0 : index
    %get3A_238 = arith.constant 0 : index
    %get3A_239 = vector.load %arg20[%get3A_237, %get3A_238] : memref<1x1xf32, #tpu.memory_space<vmem>>, vector<1x1xf32>
    %add3A_240 = vector.broadcast %get3A_239 : vector<1x1xf32> to vector<400x1xf32>
    %add3A_241 = arith.addf %dot_general3A_236, %add3A_240 : vector<400x1xf32>
    %get3A_242 = arith.constant 0 : index
    %get3A_243 = arith.constant 0 : index
    %get3A_244 = vector.load %arg15[%get3A_242, %get3A_243] : memref<1x16xf32, #tpu.memory_space<vmem>>, vector<1x16xf32>
    %mul3A_245 = arith.constant 4.000000e+00 : f32
    %mul3A_246 = vector.broadcast %mul3A_245 : f32 to vector<1x16xf32>
    %mul3A_247 = arith.mulf %mul3A_246, %get3A_244 : vector<1x16xf32>
    %add3A_248 = vector.broadcast %mul3A_247 : vector<1x16xf32> to vector<400x16xf32>
    %add3A_249 = arith.addf %add3A_106, %add3A_248 : vector<400x16xf32>
    %max3A_250 = arith.constant 0.000000e+00 : f32
    %max3A_251 = vector.broadcast %max3A_250 : f32 to vector<400x16xf32>
    %max3A_252 = arith.maximumf %add3A_249, %max3A_251 : vector<400x16xf32>
    %get3A_253 = arith.constant 0 : index
    %get3A_254 = arith.constant 0 : index
    %get3A_255 = vector.load %arg17[%get3A_253, %get3A_254] : memref<16x8xf32, #tpu.memory_space<vmem>>, vector<16x8xf32>
    %dot_general3A_256 = arith.constant dense<0.000000e+00> : vector<400x8xf32>
    %dot_general3A_257 = tpu.matmul %max3A_252, %get3A_255, %dot_general3A_256 {dimension_numbers = #tpu.dot_dimension_numbers<[1], [0], [0], [1], [0, 0, 1, 1], [], []>, precision = #tpu.contract_precision<fp32>, transpose_lhs_hint = false} : vector<400x16xf32>, vector<16x8xf32>, vector<400x8xf32> -> vector<400x8xf32>
    %get3A_258 = arith.constant 0 : index
    %get3A_259 = arith.constant 0 : index
    %get3A_260 = vector.load %arg18[%get3A_258, %get3A_259] : memref<1x8xf32, #tpu.memory_space<vmem>>, vector<1x8xf32>
    %add3A_261 = vector.broadcast %get3A_260 : vector<1x8xf32> to vector<400x8xf32>
    %add3A_262 = arith.addf %dot_general3A_257, %add3A_261 : vector<400x8xf32>
    %max3A_263 = arith.constant 0.000000e+00 : f32
    %max3A_264 = vector.broadcast %max3A_263 : f32 to vector<400x8xf32>
    %max3A_265 = arith.maximumf %add3A_262, %max3A_264 : vector<400x8xf32>
    %get3A_266 = arith.constant 0 : index
    %get3A_267 = arith.constant 0 : index
    %get3A_268 = vector.load %arg19[%get3A_266, %get3A_267] : memref<8x1xf32, #tpu.memory_space<vmem>>, vector<8x1xf32>
    %dot_general3A_269 = arith.constant dense<0.000000e+00> : vector<400x1xf32>
    %dot_general3A_270 = tpu.matmul %max3A_265, %get3A_268, %dot_general3A_269 {dimension_numbers = #tpu.dot_dimension_numbers<[1], [0], [0], [1], [0, 0, 1, 1], [], []>, precision = #tpu.contract_precision<fp32>, transpose_lhs_hint = false} : vector<400x8xf32>, vector<8x1xf32>, vector<400x1xf32> -> vector<400x1xf32>
    %get3A_271 = arith.constant 0 : index
    %get3A_272 = arith.constant 0 : index
    %get3A_273 = vector.load %arg20[%get3A_271, %get3A_272] : memref<1x1xf32, #tpu.memory_space<vmem>>, vector<1x1xf32>
    %add3A_274 = vector.broadcast %get3A_273 : vector<1x1xf32> to vector<400x1xf32>
    %add3A_275 = arith.addf %dot_general3A_270, %add3A_274 : vector<400x1xf32>
    %get3A_276 = arith.constant 0 : index
    %get3A_277 = arith.constant 0 : index
    %get3A_278 = vector.load %arg15[%get3A_276, %get3A_277] : memref<1x16xf32, #tpu.memory_space<vmem>>, vector<1x16xf32>
    %mul3A_279 = arith.constant 5.000000e+00 : f32
    %mul3A_280 = vector.broadcast %mul3A_279 : f32 to vector<1x16xf32>
    %mul3A_281 = arith.mulf %mul3A_280, %get3A_278 : vector<1x16xf32>
    %add3A_282 = vector.broadcast %mul3A_281 : vector<1x16xf32> to vector<400x16xf32>
    %add3A_283 = arith.addf %add3A_106, %add3A_282 : vector<400x16xf32>
    %max3A_284 = arith.constant 0.000000e+00 : f32
    %max3A_285 = vector.broadcast %max3A_284 : f32 to vector<400x16xf32>
    %max3A_286 = arith.maximumf %add3A_283, %max3A_285 : vector<400x16xf32>
    %get3A_287 = arith.constant 0 : index
    %get3A_288 = arith.constant 0 : index
    %get3A_289 = vector.load %arg17[%get3A_287, %get3A_288] : memref<16x8xf32, #tpu.memory_space<vmem>>, vector<16x8xf32>
    %dot_general3A_290 = arith.constant dense<0.000000e+00> : vector<400x8xf32>
    %dot_general3A_291 = tpu.matmul %max3A_286, %get3A_289, %dot_general3A_290 {dimension_numbers = #tpu.dot_dimension_numbers<[1], [0], [0], [1], [0, 0, 1, 1], [], []>, precision = #tpu.contract_precision<fp32>, transpose_lhs_hint = false} : vector<400x16xf32>, vector<16x8xf32>, vector<400x8xf32> -> vector<400x8xf32>
    %get3A_292 = arith.constant 0 : index
    %get3A_293 = arith.constant 0 : index
    %get3A_294 = vector.load %arg18[%get3A_292, %get3A_293] : memref<1x8xf32, #tpu.memory_space<vmem>>, vector<1x8xf32>
    %add3A_295 = vector.broadcast %get3A_294 : vector<1x8xf32> to vector<400x8xf32>
    %add3A_296 = arith.addf %dot_general3A_291, %add3A_295 : vector<400x8xf32>
    %max3A_297 = arith.constant 0.000000e+00 : f32
    %max3A_298 = vector.broadcast %max3A_297 : f32 to vector<400x8xf32>
    %max3A_299 = arith.maximumf %add3A_296, %max3A_298 : vector<400x8xf32>
    %get3A_300 = arith.constant 0 : index
    %get3A_301 = arith.constant 0 : index
    %get3A_302 = vector.load %arg19[%get3A_300, %get3A_301] : memref<8x1xf32, #tpu.memory_space<vmem>>, vector<8x1xf32>
    %dot_general3A_303 = arith.constant dense<0.000000e+00> : vector<400x1xf32>
    %dot_general3A_304 = tpu.matmul %max3A_299, %get3A_302, %dot_general3A_303 {dimension_numbers = #tpu.dot_dimension_numbers<[1], [0], [0], [1], [0, 0, 1, 1], [], []>, precision = #tpu.contract_precision<fp32>, transpose_lhs_hint = false} : vector<400x8xf32>, vector<8x1xf32>, vector<400x1xf32> -> vector<400x1xf32>
    %get3A_305 = arith.constant 0 : index
    %get3A_306 = arith.constant 0 : index
    %get3A_307 = vector.load %arg20[%get3A_305, %get3A_306] : memref<1x1xf32, #tpu.memory_space<vmem>>, vector<1x1xf32>
    %add3A_308 = vector.broadcast %get3A_307 : vector<1x1xf32> to vector<400x1xf32>
    %add3A_309 = arith.addf %dot_general3A_304, %add3A_308 : vector<400x1xf32>
    %get3A_310 = arith.constant 0 : index
    %get3A_311 = arith.constant 0 : index
    %get3A_312 = vector.load %arg15[%get3A_310, %get3A_311] : memref<1x16xf32, #tpu.memory_space<vmem>>, vector<1x16xf32>
    %mul3A_313 = arith.constant 6.000000e+00 : f32
    %mul3A_314 = vector.broadcast %mul3A_313 : f32 to vector<1x16xf32>
    %mul3A_315 = arith.mulf %mul3A_314, %get3A_312 : vector<1x16xf32>
    %add3A_316 = vector.broadcast %mul3A_315 : vector<1x16xf32> to vector<400x16xf32>
    %add3A_317 = arith.addf %add3A_106, %add3A_316 : vector<400x16xf32>
    %max3A_318 = arith.constant 0.000000e+00 : f32
    %max3A_319 = vector.broadcast %max3A_318 : f32 to vector<400x16xf32>
    %max3A_320 = arith.maximumf %add3A_317, %max3A_319 : vector<400x16xf32>
    %get3A_321 = arith.constant 0 : index
    %get3A_322 = arith.constant 0 : index
    %get3A_323 = vector.load %arg17[%get3A_321, %get3A_322] : memref<16x8xf32, #tpu.memory_space<vmem>>, vector<16x8xf32>
    %dot_general3A_324 = arith.constant dense<0.000000e+00> : vector<400x8xf32>
    %dot_general3A_325 = tpu.matmul %max3A_320, %get3A_323, %dot_general3A_324 {dimension_numbers = #tpu.dot_dimension_numbers<[1], [0], [0], [1], [0, 0, 1, 1], [], []>, precision = #tpu.contract_precision<fp32>, transpose_lhs_hint = false} : vector<400x16xf32>, vector<16x8xf32>, vector<400x8xf32> -> vector<400x8xf32>
    %get3A_326 = arith.constant 0 : index
    %get3A_327 = arith.constant 0 : index
    %get3A_328 = vector.load %arg18[%get3A_326, %get3A_327] : memref<1x8xf32, #tpu.memory_space<vmem>>, vector<1x8xf32>
    %add3A_329 = vector.broadcast %get3A_328 : vector<1x8xf32> to vector<400x8xf32>
    %add3A_330 = arith.addf %dot_general3A_325, %add3A_329 : vector<400x8xf32>
    %max3A_331 = arith.constant 0.000000e+00 : f32
    %max3A_332 = vector.broadcast %max3A_331 : f32 to vector<400x8xf32>
    %max3A_333 = arith.maximumf %add3A_330, %max3A_332 : vector<400x8xf32>
    %get3A_334 = arith.constant 0 : index
    %get3A_335 = arith.constant 0 : index
    %get3A_336 = vector.load %arg19[%get3A_334, %get3A_335] : memref<8x1xf32, #tpu.memory_space<vmem>>, vector<8x1xf32>
    %dot_general3A_337 = arith.constant dense<0.000000e+00> : vector<400x1xf32>
    %dot_general3A_338 = tpu.matmul %max3A_333, %get3A_336, %dot_general3A_337 {dimension_numbers = #tpu.dot_dimension_numbers<[1], [0], [0], [1], [0, 0, 1, 1], [], []>, precision = #tpu.contract_precision<fp32>, transpose_lhs_hint = false} : vector<400x8xf32>, vector<8x1xf32>, vector<400x1xf32> -> vector<400x1xf32>
    %get3A_339 = arith.constant 0 : index
    %get3A_340 = arith.constant 0 : index
    %get3A_341 = vector.load %arg20[%get3A_339, %get3A_340] : memref<1x1xf32, #tpu.memory_space<vmem>>, vector<1x1xf32>
    %add3A_342 = vector.broadcast %get3A_341 : vector<1x1xf32> to vector<400x1xf32>
    %add3A_343 = arith.addf %dot_general3A_338, %add3A_342 : vector<400x1xf32>
    %get3A_344 = arith.constant 0 : index
    %get3A_345 = arith.constant 0 : index
    %get3A_346 = vector.load %arg15[%get3A_344, %get3A_345] : memref<1x16xf32, #tpu.memory_space<vmem>>, vector<1x16xf32>
    %mul3A_347 = arith.constant 7.000000e+00 : f32
    %mul3A_348 = vector.broadcast %mul3A_347 : f32 to vector<1x16xf32>
    %mul3A_349 = arith.mulf %mul3A_348, %get3A_346 : vector<1x16xf32>
    %add3A_350 = vector.broadcast %mul3A_349 : vector<1x16xf32> to vector<400x16xf32>
    %add3A_351 = arith.addf %add3A_106, %add3A_350 : vector<400x16xf32>
    %max3A_352 = arith.constant 0.000000e+00 : f32
    %max3A_353 = vector.broadcast %max3A_352 : f32 to vector<400x16xf32>
    %max3A_354 = arith.maximumf %add3A_351, %max3A_353 : vector<400x16xf32>
    %get3A_355 = arith.constant 0 : index
    %get3A_356 = arith.constant 0 : index
    %get3A_357 = vector.load %arg17[%get3A_355, %get3A_356] : memref<16x8xf32, #tpu.memory_space<vmem>>, vector<16x8xf32>
    %dot_general3A_358 = arith.constant dense<0.000000e+00> : vector<400x8xf32>
    %dot_general3A_359 = tpu.matmul %max3A_354, %get3A_357, %dot_general3A_358 {dimension_numbers = #tpu.dot_dimension_numbers<[1], [0], [0], [1], [0, 0, 1, 1], [], []>, precision = #tpu.contract_precision<fp32>, transpose_lhs_hint = false} : vector<400x16xf32>, vector<16x8xf32>, vector<400x8xf32> -> vector<400x8xf32>
    %get3A_360 = arith.constant 0 : index
    %get3A_361 = arith.constant 0 : index
    %get3A_362 = vector.load %arg18[%get3A_360, %get3A_361] : memref<1x8xf32, #tpu.memory_space<vmem>>, vector<1x8xf32>
    %add3A_363 = vector.broadcast %get3A_362 : vector<1x8xf32> to vector<400x8xf32>
    %add3A_364 = arith.addf %dot_general3A_359, %add3A_363 : vector<400x8xf32>
    %max3A_365 = arith.constant 0.000000e+00 : f32
    %max3A_366 = vector.broadcast %max3A_365 : f32 to vector<400x8xf32>
    %max3A_367 = arith.maximumf %add3A_364, %max3A_366 : vector<400x8xf32>
    %get3A_368 = arith.constant 0 : index
    %get3A_369 = arith.constant 0 : index
    %get3A_370 = vector.load %arg19[%get3A_368, %get3A_369] : memref<8x1xf32, #tpu.memory_space<vmem>>, vector<8x1xf32>
    %dot_general3A_371 = arith.constant dense<0.000000e+00> : vector<400x1xf32>
    %dot_general3A_372 = tpu.matmul %max3A_367, %get3A_370, %dot_general3A_371 {dimension_numbers = #tpu.dot_dimension_numbers<[1], [0], [0], [1], [0, 0, 1, 1], [], []>, precision = #tpu.contract_precision<fp32>, transpose_lhs_hint = false} : vector<400x8xf32>, vector<8x1xf32>, vector<400x1xf32> -> vector<400x1xf32>
    %get3A_373 = arith.constant 0 : index
    %get3A_374 = arith.constant 0 : index
    %get3A_375 = vector.load %arg20[%get3A_373, %get3A_374] : memref<1x1xf32, #tpu.memory_space<vmem>>, vector<1x1xf32>
    %add3A_376 = vector.broadcast %get3A_375 : vector<1x1xf32> to vector<400x1xf32>
    %add3A_377 = arith.addf %dot_general3A_372, %add3A_376 : vector<400x1xf32>
    %get3A_378 = arith.constant 0 : index
    %get3A_379 = arith.constant 0 : index
    %get3A_380 = vector.load %arg15[%get3A_378, %get3A_379] : memref<1x16xf32, #tpu.memory_space<vmem>>, vector<1x16xf32>
    %mul3A_381 = arith.constant 8.000000e+00 : f32
    %mul3A_382 = vector.broadcast %mul3A_381 : f32 to vector<1x16xf32>
    %mul3A_383 = arith.mulf %mul3A_382, %get3A_380 : vector<1x16xf32>
    %add3A_384 = vector.broadcast %mul3A_383 : vector<1x16xf32> to vector<400x16xf32>
    %add3A_385 = arith.addf %add3A_106, %add3A_384 : vector<400x16xf32>
    %max3A_386 = arith.constant 0.000000e+00 : f32
    %max3A_387 = vector.broadcast %max3A_386 : f32 to vector<400x16xf32>
    %max3A_388 = arith.maximumf %add3A_385, %max3A_387 : vector<400x16xf32>
    %get3A_389 = arith.constant 0 : index
    %get3A_390 = arith.constant 0 : index
    %get3A_391 = vector.load %arg17[%get3A_389, %get3A_390] : memref<16x8xf32, #tpu.memory_space<vmem>>, vector<16x8xf32>
    %dot_general3A_392 = arith.constant dense<0.000000e+00> : vector<400x8xf32>
    %dot_general3A_393 = tpu.matmul %max3A_388, %get3A_391, %dot_general3A_392 {dimension_numbers = #tpu.dot_dimension_numbers<[1], [0], [0], [1], [0, 0, 1, 1], [], []>, precision = #tpu.contract_precision<fp32>, transpose_lhs_hint = false} : vector<400x16xf32>, vector<16x8xf32>, vector<400x8xf32> -> vector<400x8xf32>
    %get3A_394 = arith.constant 0 : index
    %get3A_395 = arith.constant 0 : index
    %get3A_396 = vector.load %arg18[%get3A_394, %get3A_395] : memref<1x8xf32, #tpu.memory_space<vmem>>, vector<1x8xf32>
    %add3A_397 = vector.broadcast %get3A_396 : vector<1x8xf32> to vector<400x8xf32>
    %add3A_398 = arith.addf %dot_general3A_393, %add3A_397 : vector<400x8xf32>
    %max3A_399 = arith.constant 0.000000e+00 : f32
    %max3A_400 = vector.broadcast %max3A_399 : f32 to vector<400x8xf32>
    %max3A_401 = arith.maximumf %add3A_398, %max3A_400 : vector<400x8xf32>
    %get3A_402 = arith.constant 0 : index
    %get3A_403 = arith.constant 0 : index
    %get3A_404 = vector.load %arg19[%get3A_402, %get3A_403] : memref<8x1xf32, #tpu.memory_space<vmem>>, vector<8x1xf32>
    %dot_general3A_405 = arith.constant dense<0.000000e+00> : vector<400x1xf32>
    %dot_general3A_406 = tpu.matmul %max3A_401, %get3A_404, %dot_general3A_405 {dimension_numbers = #tpu.dot_dimension_numbers<[1], [0], [0], [1], [0, 0, 1, 1], [], []>, precision = #tpu.contract_precision<fp32>, transpose_lhs_hint = false} : vector<400x8xf32>, vector<8x1xf32>, vector<400x1xf32> -> vector<400x1xf32>
    %get3A_407 = arith.constant 0 : index
    %get3A_408 = arith.constant 0 : index
    %get3A_409 = vector.load %arg20[%get3A_407, %get3A_408] : memref<1x1xf32, #tpu.memory_space<vmem>>, vector<1x1xf32>
    %add3A_410 = vector.broadcast %get3A_409 : vector<1x1xf32> to vector<400x1xf32>
    %add3A_411 = arith.addf %dot_general3A_406, %add3A_410 : vector<400x1xf32>
    %get3A_412 = arith.constant 0 : index
    %get3A_413 = arith.constant 0 : index
    %get3A_414 = vector.load %arg15[%get3A_412, %get3A_413] : memref<1x16xf32, #tpu.memory_space<vmem>>, vector<1x16xf32>
    %mul3A_415 = arith.constant 9.000000e+00 : f32
    %mul3A_416 = vector.broadcast %mul3A_415 : f32 to vector<1x16xf32>
    %mul3A_417 = arith.mulf %mul3A_416, %get3A_414 : vector<1x16xf32>
    %add3A_418 = vector.broadcast %mul3A_417 : vector<1x16xf32> to vector<400x16xf32>
    %add3A_419 = arith.addf %add3A_106, %add3A_418 : vector<400x16xf32>
    %max3A_420 = arith.constant 0.000000e+00 : f32
    %max3A_421 = vector.broadcast %max3A_420 : f32 to vector<400x16xf32>
    %max3A_422 = arith.maximumf %add3A_419, %max3A_421 : vector<400x16xf32>
    %get3A_423 = arith.constant 0 : index
    %get3A_424 = arith.constant 0 : index
    %get3A_425 = vector.load %arg17[%get3A_423, %get3A_424] : memref<16x8xf32, #tpu.memory_space<vmem>>, vector<16x8xf32>
    %dot_general3A_426 = arith.constant dense<0.000000e+00> : vector<400x8xf32>
    %dot_general3A_427 = tpu.matmul %max3A_422, %get3A_425, %dot_general3A_426 {dimension_numbers = #tpu.dot_dimension_numbers<[1], [0], [0], [1], [0, 0, 1, 1], [], []>, precision = #tpu.contract_precision<fp32>, transpose_lhs_hint = false} : vector<400x16xf32>, vector<16x8xf32>, vector<400x8xf32> -> vector<400x8xf32>
    %get3A_428 = arith.constant 0 : index
    %get3A_429 = arith.constant 0 : index
    %get3A_430 = vector.load %arg18[%get3A_428, %get3A_429] : memref<1x8xf32, #tpu.memory_space<vmem>>, vector<1x8xf32>
    %add3A_431 = vector.broadcast %get3A_430 : vector<1x8xf32> to vector<400x8xf32>
    %add3A_432 = arith.addf %dot_general3A_427, %add3A_431 : vector<400x8xf32>
    %max3A_433 = arith.constant 0.000000e+00 : f32
    %max3A_434 = vector.broadcast %max3A_433 : f32 to vector<400x8xf32>
    %max3A_435 = arith.maximumf %add3A_432, %max3A_434 : vector<400x8xf32>
    %get3A_436 = arith.constant 0 : index
    %get3A_437 = arith.constant 0 : index
    %get3A_438 = vector.load %arg19[%get3A_436, %get3A_437] : memref<8x1xf32, #tpu.memory_space<vmem>>, vector<8x1xf32>
    %dot_general3A_439 = arith.constant dense<0.000000e+00> : vector<400x1xf32>
    %dot_general3A_440 = tpu.matmul %max3A_435, %get3A_438, %dot_general3A_439 {dimension_numbers = #tpu.dot_dimension_numbers<[1], [0], [0], [1], [0, 0, 1, 1], [], []>, precision = #tpu.contract_precision<fp32>, transpose_lhs_hint = false} : vector<400x8xf32>, vector<8x1xf32>, vector<400x1xf32> -> vector<400x1xf32>
    %get3A_441 = arith.constant 0 : index
    %get3A_442 = arith.constant 0 : index
    %get3A_443 = vector.load %arg20[%get3A_441, %get3A_442] : memref<1x1xf32, #tpu.memory_space<vmem>>, vector<1x1xf32>
    %add3A_444 = vector.broadcast %get3A_443 : vector<1x1xf32> to vector<400x1xf32>
    %add3A_445 = arith.addf %dot_general3A_440, %add3A_444 : vector<400x1xf32>
    %get3A_446 = arith.constant 0 : index
    %get3A_447 = arith.constant 0 : index
    %get3A_448 = vector.load %arg15[%get3A_446, %get3A_447] : memref<1x16xf32, #tpu.memory_space<vmem>>, vector<1x16xf32>
    %mul3A_449 = arith.constant 1.000000e+01 : f32
    %mul3A_450 = vector.broadcast %mul3A_449 : f32 to vector<1x16xf32>
    %mul3A_451 = arith.mulf %mul3A_450, %get3A_448 : vector<1x16xf32>
    %add3A_452 = vector.broadcast %mul3A_451 : vector<1x16xf32> to vector<400x16xf32>
    %add3A_453 = arith.addf %add3A_106, %add3A_452 : vector<400x16xf32>
    %max3A_454 = arith.constant 0.000000e+00 : f32
    %max3A_455 = vector.broadcast %max3A_454 : f32 to vector<400x16xf32>
    %max3A_456 = arith.maximumf %add3A_453, %max3A_455 : vector<400x16xf32>
    %get3A_457 = arith.constant 0 : index
    %get3A_458 = arith.constant 0 : index
    %get3A_459 = vector.load %arg17[%get3A_457, %get3A_458] : memref<16x8xf32, #tpu.memory_space<vmem>>, vector<16x8xf32>
    %dot_general3A_460 = arith.constant dense<0.000000e+00> : vector<400x8xf32>
    %dot_general3A_461 = tpu.matmul %max3A_456, %get3A_459, %dot_general3A_460 {dimension_numbers = #tpu.dot_dimension_numbers<[1], [0], [0], [1], [0, 0, 1, 1], [], []>, precision = #tpu.contract_precision<fp32>, transpose_lhs_hint = false} : vector<400x16xf32>, vector<16x8xf32>, vector<400x8xf32> -> vector<400x8xf32>
    %get3A_462 = arith.constant 0 : index
    %get3A_463 = arith.constant 0 : index
    %get3A_464 = vector.load %arg18[%get3A_462, %get3A_463] : memref<1x8xf32, #tpu.memory_space<vmem>>, vector<1x8xf32>
    %add3A_465 = vector.broadcast %get3A_464 : vector<1x8xf32> to vector<400x8xf32>
    %add3A_466 = arith.addf %dot_general3A_461, %add3A_465 : vector<400x8xf32>
    %max3A_467 = arith.constant 0.000000e+00 : f32
    %max3A_468 = vector.broadcast %max3A_467 : f32 to vector<400x8xf32>
    %max3A_469 = arith.maximumf %add3A_466, %max3A_468 : vector<400x8xf32>
    %get3A_470 = arith.constant 0 : index
    %get3A_471 = arith.constant 0 : index
    %get3A_472 = vector.load %arg19[%get3A_470, %get3A_471] : memref<8x1xf32, #tpu.memory_space<vmem>>, vector<8x1xf32>
    %dot_general3A_473 = arith.constant dense<0.000000e+00> : vector<400x1xf32>
    %dot_general3A_474 = tpu.matmul %max3A_469, %get3A_472, %dot_general3A_473 {dimension_numbers = #tpu.dot_dimension_numbers<[1], [0], [0], [1], [0, 0, 1, 1], [], []>, precision = #tpu.contract_precision<fp32>, transpose_lhs_hint = false} : vector<400x8xf32>, vector<8x1xf32>, vector<400x1xf32> -> vector<400x1xf32>
    %get3A_475 = arith.constant 0 : index
    %get3A_476 = arith.constant 0 : index
    %get3A_477 = vector.load %arg20[%get3A_475, %get3A_476] : memref<1x1xf32, #tpu.memory_space<vmem>>, vector<1x1xf32>
    %add3A_478 = vector.broadcast %get3A_477 : vector<1x1xf32> to vector<400x1xf32>
    %add3A_479 = arith.addf %dot_general3A_474, %add3A_478 : vector<400x1xf32>
    %get3A_480 = arith.constant 0 : index
    %get3A_481 = arith.constant 0 : index
    %get3A_482 = vector.load %arg15[%get3A_480, %get3A_481] : memref<1x16xf32, #tpu.memory_space<vmem>>, vector<1x16xf32>
    %mul3A_483 = arith.constant 1.100000e+01 : f32
    %mul3A_484 = vector.broadcast %mul3A_483 : f32 to vector<1x16xf32>
    %mul3A_485 = arith.mulf %mul3A_484, %get3A_482 : vector<1x16xf32>
    %add3A_486 = vector.broadcast %mul3A_485 : vector<1x16xf32> to vector<400x16xf32>
    %add3A_487 = arith.addf %add3A_106, %add3A_486 : vector<400x16xf32>
    %max3A_488 = arith.constant 0.000000e+00 : f32
    %max3A_489 = vector.broadcast %max3A_488 : f32 to vector<400x16xf32>
    %max3A_490 = arith.maximumf %add3A_487, %max3A_489 : vector<400x16xf32>
    %get3A_491 = arith.constant 0 : index
    %get3A_492 = arith.constant 0 : index
    %get3A_493 = vector.load %arg17[%get3A_491, %get3A_492] : memref<16x8xf32, #tpu.memory_space<vmem>>, vector<16x8xf32>
    %dot_general3A_494 = arith.constant dense<0.000000e+00> : vector<400x8xf32>
    %dot_general3A_495 = tpu.matmul %max3A_490, %get3A_493, %dot_general3A_494 {dimension_numbers = #tpu.dot_dimension_numbers<[1], [0], [0], [1], [0, 0, 1, 1], [], []>, precision = #tpu.contract_precision<fp32>, transpose_lhs_hint = false} : vector<400x16xf32>, vector<16x8xf32>, vector<400x8xf32> -> vector<400x8xf32>
    %get3A_496 = arith.constant 0 : index
    %get3A_497 = arith.constant 0 : index
    %get3A_498 = vector.load %arg18[%get3A_496, %get3A_497] : memref<1x8xf32, #tpu.memory_space<vmem>>, vector<1x8xf32>
    %add3A_499 = vector.broadcast %get3A_498 : vector<1x8xf32> to vector<400x8xf32>
    %add3A_500 = arith.addf %dot_general3A_495, %add3A_499 : vector<400x8xf32>
    %max3A_501 = arith.constant 0.000000e+00 : f32
    %max3A_502 = vector.broadcast %max3A_501 : f32 to vector<400x8xf32>
    %max3A_503 = arith.maximumf %add3A_500, %max3A_502 : vector<400x8xf32>
    %get3A_504 = arith.constant 0 : index
    %get3A_505 = arith.constant 0 : index
    %get3A_506 = vector.load %arg19[%get3A_504, %get3A_505] : memref<8x1xf32, #tpu.memory_space<vmem>>, vector<8x1xf32>
    %dot_general3A_507 = arith.constant dense<0.000000e+00> : vector<400x1xf32>
    %dot_general3A_508 = tpu.matmul %max3A_503, %get3A_506, %dot_general3A_507 {dimension_numbers = #tpu.dot_dimension_numbers<[1], [0], [0], [1], [0, 0, 1, 1], [], []>, precision = #tpu.contract_precision<fp32>, transpose_lhs_hint = false} : vector<400x8xf32>, vector<8x1xf32>, vector<400x1xf32> -> vector<400x1xf32>
    %get3A_509 = arith.constant 0 : index
    %get3A_510 = arith.constant 0 : index
    %get3A_511 = vector.load %arg20[%get3A_509, %get3A_510] : memref<1x1xf32, #tpu.memory_space<vmem>>, vector<1x1xf32>
    %add3A_512 = vector.broadcast %get3A_511 : vector<1x1xf32> to vector<400x1xf32>
    %add3A_513 = arith.addf %dot_general3A_508, %add3A_512 : vector<400x1xf32>
    %get3A_514 = arith.constant 0 : index
    %get3A_515 = arith.constant 0 : index
    %get3A_516 = vector.load %arg15[%get3A_514, %get3A_515] : memref<1x16xf32, #tpu.memory_space<vmem>>, vector<1x16xf32>
    %mul3A_517 = arith.constant 1.200000e+01 : f32
    %mul3A_518 = vector.broadcast %mul3A_517 : f32 to vector<1x16xf32>
    %mul3A_519 = arith.mulf %mul3A_518, %get3A_516 : vector<1x16xf32>
    %add3A_520 = vector.broadcast %mul3A_519 : vector<1x16xf32> to vector<400x16xf32>
    %add3A_521 = arith.addf %add3A_106, %add3A_520 : vector<400x16xf32>
    %max3A_522 = arith.constant 0.000000e+00 : f32
    %max3A_523 = vector.broadcast %max3A_522 : f32 to vector<400x16xf32>
    %max3A_524 = arith.maximumf %add3A_521, %max3A_523 : vector<400x16xf32>
    %get3A_525 = arith.constant 0 : index
    %get3A_526 = arith.constant 0 : index
    %get3A_527 = vector.load %arg17[%get3A_525, %get3A_526] : memref<16x8xf32, #tpu.memory_space<vmem>>, vector<16x8xf32>
    %dot_general3A_528 = arith.constant dense<0.000000e+00> : vector<400x8xf32>
    %dot_general3A_529 = tpu.matmul %max3A_524, %get3A_527, %dot_general3A_528 {dimension_numbers = #tpu.dot_dimension_numbers<[1], [0], [0], [1], [0, 0, 1, 1], [], []>, precision = #tpu.contract_precision<fp32>, transpose_lhs_hint = false} : vector<400x16xf32>, vector<16x8xf32>, vector<400x8xf32> -> vector<400x8xf32>
    %get3A_530 = arith.constant 0 : index
    %get3A_531 = arith.constant 0 : index
    %get3A_532 = vector.load %arg18[%get3A_530, %get3A_531] : memref<1x8xf32, #tpu.memory_space<vmem>>, vector<1x8xf32>
    %add3A_533 = vector.broadcast %get3A_532 : vector<1x8xf32> to vector<400x8xf32>
    %add3A_534 = arith.addf %dot_general3A_529, %add3A_533 : vector<400x8xf32>
    %max3A_535 = arith.constant 0.000000e+00 : f32
    %max3A_536 = vector.broadcast %max3A_535 : f32 to vector<400x8xf32>
    %max3A_537 = arith.maximumf %add3A_534, %max3A_536 : vector<400x8xf32>
    %get3A_538 = arith.constant 0 : index
    %get3A_539 = arith.constant 0 : index
    %get3A_540 = vector.load %arg19[%get3A_538, %get3A_539] : memref<8x1xf32, #tpu.memory_space<vmem>>, vector<8x1xf32>
    %dot_general3A_541 = arith.constant dense<0.000000e+00> : vector<400x1xf32>
    %dot_general3A_542 = tpu.matmul %max3A_537, %get3A_540, %dot_general3A_541 {dimension_numbers = #tpu.dot_dimension_numbers<[1], [0], [0], [1], [0, 0, 1, 1], [], []>, precision = #tpu.contract_precision<fp32>, transpose_lhs_hint = false} : vector<400x8xf32>, vector<8x1xf32>, vector<400x1xf32> -> vector<400x1xf32>
    %get3A_543 = arith.constant 0 : index
    %get3A_544 = arith.constant 0 : index
    %get3A_545 = vector.load %arg20[%get3A_543, %get3A_544] : memref<1x1xf32, #tpu.memory_space<vmem>>, vector<1x1xf32>
    %add3A_546 = vector.broadcast %get3A_545 : vector<1x1xf32> to vector<400x1xf32>
    %add3A_547 = arith.addf %dot_general3A_542, %add3A_546 : vector<400x1xf32>
    %get3A_548 = arith.constant 0 : index
    %get3A_549 = arith.constant 0 : index
    %get3A_550 = vector.load %arg15[%get3A_548, %get3A_549] : memref<1x16xf32, #tpu.memory_space<vmem>>, vector<1x16xf32>
    %mul3A_551 = arith.constant 1.300000e+01 : f32
    %mul3A_552 = vector.broadcast %mul3A_551 : f32 to vector<1x16xf32>
    %mul3A_553 = arith.mulf %mul3A_552, %get3A_550 : vector<1x16xf32>
    %add3A_554 = vector.broadcast %mul3A_553 : vector<1x16xf32> to vector<400x16xf32>
    %add3A_555 = arith.addf %add3A_106, %add3A_554 : vector<400x16xf32>
    %max3A_556 = arith.constant 0.000000e+00 : f32
    %max3A_557 = vector.broadcast %max3A_556 : f32 to vector<400x16xf32>
    %max3A_558 = arith.maximumf %add3A_555, %max3A_557 : vector<400x16xf32>
    %get3A_559 = arith.constant 0 : index
    %get3A_560 = arith.constant 0 : index
    %get3A_561 = vector.load %arg17[%get3A_559, %get3A_560] : memref<16x8xf32, #tpu.memory_space<vmem>>, vector<16x8xf32>
    %dot_general3A_562 = arith.constant dense<0.000000e+00> : vector<400x8xf32>
    %dot_general3A_563 = tpu.matmul %max3A_558, %get3A_561, %dot_general3A_562 {dimension_numbers = #tpu.dot_dimension_numbers<[1], [0], [0], [1], [0, 0, 1, 1], [], []>, precision = #tpu.contract_precision<fp32>, transpose_lhs_hint = false} : vector<400x16xf32>, vector<16x8xf32>, vector<400x8xf32> -> vector<400x8xf32>
    %get3A_564 = arith.constant 0 : index
    %get3A_565 = arith.constant 0 : index
    %get3A_566 = vector.load %arg18[%get3A_564, %get3A_565] : memref<1x8xf32, #tpu.memory_space<vmem>>, vector<1x8xf32>
    %add3A_567 = vector.broadcast %get3A_566 : vector<1x8xf32> to vector<400x8xf32>
    %add3A_568 = arith.addf %dot_general3A_563, %add3A_567 : vector<400x8xf32>
    %max3A_569 = arith.constant 0.000000e+00 : f32
    %max3A_570 = vector.broadcast %max3A_569 : f32 to vector<400x8xf32>
    %max3A_571 = arith.maximumf %add3A_568, %max3A_570 : vector<400x8xf32>
    %get3A_572 = arith.constant 0 : index
    %get3A_573 = arith.constant 0 : index
    %get3A_574 = vector.load %arg19[%get3A_572, %get3A_573] : memref<8x1xf32, #tpu.memory_space<vmem>>, vector<8x1xf32>
    %dot_general3A_575 = arith.constant dense<0.000000e+00> : vector<400x1xf32>
    %dot_general3A_576 = tpu.matmul %max3A_571, %get3A_574, %dot_general3A_575 {dimension_numbers = #tpu.dot_dimension_numbers<[1], [0], [0], [1], [0, 0, 1, 1], [], []>, precision = #tpu.contract_precision<fp32>, transpose_lhs_hint = false} : vector<400x8xf32>, vector<8x1xf32>, vector<400x1xf32> -> vector<400x1xf32>
    %get3A_577 = arith.constant 0 : index
    %get3A_578 = arith.constant 0 : index
    %get3A_579 = vector.load %arg20[%get3A_577, %get3A_578] : memref<1x1xf32, #tpu.memory_space<vmem>>, vector<1x1xf32>
    %add3A_580 = vector.broadcast %get3A_579 : vector<1x1xf32> to vector<400x1xf32>
    %add3A_581 = arith.addf %dot_general3A_576, %add3A_580 : vector<400x1xf32>
    %get3A_582 = arith.constant 0 : index
    %get3A_583 = arith.constant 0 : index
    %get3A_584 = vector.load %arg15[%get3A_582, %get3A_583] : memref<1x16xf32, #tpu.memory_space<vmem>>, vector<1x16xf32>
    %mul3A_585 = arith.constant 1.400000e+01 : f32
    %mul3A_586 = vector.broadcast %mul3A_585 : f32 to vector<1x16xf32>
    %mul3A_587 = arith.mulf %mul3A_586, %get3A_584 : vector<1x16xf32>
    %add3A_588 = vector.broadcast %mul3A_587 : vector<1x16xf32> to vector<400x16xf32>
    %add3A_589 = arith.addf %add3A_106, %add3A_588 : vector<400x16xf32>
    %max3A_590 = arith.constant 0.000000e+00 : f32
    %max3A_591 = vector.broadcast %max3A_590 : f32 to vector<400x16xf32>
    %max3A_592 = arith.maximumf %add3A_589, %max3A_591 : vector<400x16xf32>
    %get3A_593 = arith.constant 0 : index
    %get3A_594 = arith.constant 0 : index
    %get3A_595 = vector.load %arg17[%get3A_593, %get3A_594] : memref<16x8xf32, #tpu.memory_space<vmem>>, vector<16x8xf32>
    %dot_general3A_596 = arith.constant dense<0.000000e+00> : vector<400x8xf32>
    %dot_general3A_597 = tpu.matmul %max3A_592, %get3A_595, %dot_general3A_596 {dimension_numbers = #tpu.dot_dimension_numbers<[1], [0], [0], [1], [0, 0, 1, 1], [], []>, precision = #tpu.contract_precision<fp32>, transpose_lhs_hint = false} : vector<400x16xf32>, vector<16x8xf32>, vector<400x8xf32> -> vector<400x8xf32>
    %get3A_598 = arith.constant 0 : index
    %get3A_599 = arith.constant 0 : index
    %get3A_600 = vector.load %arg18[%get3A_598, %get3A_599] : memref<1x8xf32, #tpu.memory_space<vmem>>, vector<1x8xf32>
    %add3A_601 = vector.broadcast %get3A_600 : vector<1x8xf32> to vector<400x8xf32>
    %add3A_602 = arith.addf %dot_general3A_597, %add3A_601 : vector<400x8xf32>
    %max3A_603 = arith.constant 0.000000e+00 : f32
    %max3A_604 = vector.broadcast %max3A_603 : f32 to vector<400x8xf32>
    %max3A_605 = arith.maximumf %add3A_602, %max3A_604 : vector<400x8xf32>
    %get3A_606 = arith.constant 0 : index
    %get3A_607 = arith.constant 0 : index
    %get3A_608 = vector.load %arg19[%get3A_606, %get3A_607] : memref<8x1xf32, #tpu.memory_space<vmem>>, vector<8x1xf32>
    %dot_general3A_609 = arith.constant dense<0.000000e+00> : vector<400x1xf32>
    %dot_general3A_610 = tpu.matmul %max3A_605, %get3A_608, %dot_general3A_609 {dimension_numbers = #tpu.dot_dimension_numbers<[1], [0], [0], [1], [0, 0, 1, 1], [], []>, precision = #tpu.contract_precision<fp32>, transpose_lhs_hint = false} : vector<400x8xf32>, vector<8x1xf32>, vector<400x1xf32> -> vector<400x1xf32>
    %get3A_611 = arith.constant 0 : index
    %get3A_612 = arith.constant 0 : index
    %get3A_613 = vector.load %arg20[%get3A_611, %get3A_612] : memref<1x1xf32, #tpu.memory_space<vmem>>, vector<1x1xf32>
    %add3A_614 = vector.broadcast %get3A_613 : vector<1x1xf32> to vector<400x1xf32>
    %add3A_615 = arith.addf %dot_general3A_610, %add3A_614 : vector<400x1xf32>
    %get3A_616 = arith.constant 0 : index
    %get3A_617 = arith.constant 0 : index
    %get3A_618 = vector.load %arg15[%get3A_616, %get3A_617] : memref<1x16xf32, #tpu.memory_space<vmem>>, vector<1x16xf32>
    %mul3A_619 = arith.constant 1.500000e+01 : f32
    %mul3A_620 = vector.broadcast %mul3A_619 : f32 to vector<1x16xf32>
    %mul3A_621 = arith.mulf %mul3A_620, %get3A_618 : vector<1x16xf32>
    %add3A_622 = vector.broadcast %mul3A_621 : vector<1x16xf32> to vector<400x16xf32>
    %add3A_623 = arith.addf %add3A_106, %add3A_622 : vector<400x16xf32>
    %max3A_624 = arith.constant 0.000000e+00 : f32
    %max3A_625 = vector.broadcast %max3A_624 : f32 to vector<400x16xf32>
    %max3A_626 = arith.maximumf %add3A_623, %max3A_625 : vector<400x16xf32>
    %get3A_627 = arith.constant 0 : index
    %get3A_628 = arith.constant 0 : index
    %get3A_629 = vector.load %arg17[%get3A_627, %get3A_628] : memref<16x8xf32, #tpu.memory_space<vmem>>, vector<16x8xf32>
    %dot_general3A_630 = arith.constant dense<0.000000e+00> : vector<400x8xf32>
    %dot_general3A_631 = tpu.matmul %max3A_626, %get3A_629, %dot_general3A_630 {dimension_numbers = #tpu.dot_dimension_numbers<[1], [0], [0], [1], [0, 0, 1, 1], [], []>, precision = #tpu.contract_precision<fp32>, transpose_lhs_hint = false} : vector<400x16xf32>, vector<16x8xf32>, vector<400x8xf32> -> vector<400x8xf32>
    %get3A_632 = arith.constant 0 : index
    %get3A_633 = arith.constant 0 : index
    %get3A_634 = vector.load %arg18[%get3A_632, %get3A_633] : memref<1x8xf32, #tpu.memory_space<vmem>>, vector<1x8xf32>
    %add3A_635 = vector.broadcast %get3A_634 : vector<1x8xf32> to vector<400x8xf32>
    %add3A_636 = arith.addf %dot_general3A_631, %add3A_635 : vector<400x8xf32>
    %max3A_637 = arith.constant 0.000000e+00 : f32
    %max3A_638 = vector.broadcast %max3A_637 : f32 to vector<400x8xf32>
    %max3A_639 = arith.maximumf %add3A_636, %max3A_638 : vector<400x8xf32>
    %get3A_640 = arith.constant 0 : index
    %get3A_641 = arith.constant 0 : index
    %get3A_642 = vector.load %arg19[%get3A_640, %get3A_641] : memref<8x1xf32, #tpu.memory_space<vmem>>, vector<8x1xf32>
    %dot_general3A_643 = arith.constant dense<0.000000e+00> : vector<400x1xf32>
    %dot_general3A_644 = tpu.matmul %max3A_639, %get3A_642, %dot_general3A_643 {dimension_numbers = #tpu.dot_dimension_numbers<[1], [0], [0], [1], [0, 0, 1, 1], [], []>, precision = #tpu.contract_precision<fp32>, transpose_lhs_hint = false} : vector<400x8xf32>, vector<8x1xf32>, vector<400x1xf32> -> vector<400x1xf32>
    %get3A_645 = arith.constant 0 : index
    %get3A_646 = arith.constant 0 : index
    %get3A_647 = vector.load %arg20[%get3A_645, %get3A_646] : memref<1x1xf32, #tpu.memory_space<vmem>>, vector<1x1xf32>
    %add3A_648 = vector.broadcast %get3A_647 : vector<1x1xf32> to vector<400x1xf32>
    %add3A_649 = arith.addf %dot_general3A_644, %add3A_648 : vector<400x1xf32>
    %get3A_650 = arith.constant 0 : index
    %get3A_651 = arith.constant 0 : index
    %get3A_652 = vector.load %arg15[%get3A_650, %get3A_651] : memref<1x16xf32, #tpu.memory_space<vmem>>, vector<1x16xf32>
    %mul3A_653 = arith.constant 1.600000e+01 : f32
    %mul3A_654 = vector.broadcast %mul3A_653 : f32 to vector<1x16xf32>
    %mul3A_655 = arith.mulf %mul3A_654, %get3A_652 : vector<1x16xf32>
    %add3A_656 = vector.broadcast %mul3A_655 : vector<1x16xf32> to vector<400x16xf32>
    %add3A_657 = arith.addf %add3A_106, %add3A_656 : vector<400x16xf32>
    %max3A_658 = arith.constant 0.000000e+00 : f32
    %max3A_659 = vector.broadcast %max3A_658 : f32 to vector<400x16xf32>
    %max3A_660 = arith.maximumf %add3A_657, %max3A_659 : vector<400x16xf32>
    %get3A_661 = arith.constant 0 : index
    %get3A_662 = arith.constant 0 : index
    %get3A_663 = vector.load %arg17[%get3A_661, %get3A_662] : memref<16x8xf32, #tpu.memory_space<vmem>>, vector<16x8xf32>
    %dot_general3A_664 = arith.constant dense<0.000000e+00> : vector<400x8xf32>
    %dot_general3A_665 = tpu.matmul %max3A_660, %get3A_663, %dot_general3A_664 {dimension_numbers = #tpu.dot_dimension_numbers<[1], [0], [0], [1], [0, 0, 1, 1], [], []>, precision = #tpu.contract_precision<fp32>, transpose_lhs_hint = false} : vector<400x16xf32>, vector<16x8xf32>, vector<400x8xf32> -> vector<400x8xf32>
    %get3A_666 = arith.constant 0 : index
    %get3A_667 = arith.constant 0 : index
    %get3A_668 = vector.load %arg18[%get3A_666, %get3A_667] : memref<1x8xf32, #tpu.memory_space<vmem>>, vector<1x8xf32>
    %add3A_669 = vector.broadcast %get3A_668 : vector<1x8xf32> to vector<400x8xf32>
    %add3A_670 = arith.addf %dot_general3A_665, %add3A_669 : vector<400x8xf32>
    %max3A_671 = arith.constant 0.000000e+00 : f32
    %max3A_672 = vector.broadcast %max3A_671 : f32 to vector<400x8xf32>
    %max3A_673 = arith.maximumf %add3A_670, %max3A_672 : vector<400x8xf32>
    %get3A_674 = arith.constant 0 : index
    %get3A_675 = arith.constant 0 : index
    %get3A_676 = vector.load %arg19[%get3A_674, %get3A_675] : memref<8x1xf32, #tpu.memory_space<vmem>>, vector<8x1xf32>
    %dot_general3A_677 = arith.constant dense<0.000000e+00> : vector<400x1xf32>
    %dot_general3A_678 = tpu.matmul %max3A_673, %get3A_676, %dot_general3A_677 {dimension_numbers = #tpu.dot_dimension_numbers<[1], [0], [0], [1], [0, 0, 1, 1], [], []>, precision = #tpu.contract_precision<fp32>, transpose_lhs_hint = false} : vector<400x8xf32>, vector<8x1xf32>, vector<400x1xf32> -> vector<400x1xf32>
    %get3A_679 = arith.constant 0 : index
    %get3A_680 = arith.constant 0 : index
    %get3A_681 = vector.load %arg20[%get3A_679, %get3A_680] : memref<1x1xf32, #tpu.memory_space<vmem>>, vector<1x1xf32>
    %add3A_682 = vector.broadcast %get3A_681 : vector<1x1xf32> to vector<400x1xf32>
    %add3A_683 = arith.addf %dot_general3A_678, %add3A_682 : vector<400x1xf32>
    %get3A_684 = arith.constant 0 : index
    %get3A_685 = arith.constant 0 : index
    %get3A_686 = vector.load %arg15[%get3A_684, %get3A_685] : memref<1x16xf32, #tpu.memory_space<vmem>>, vector<1x16xf32>
    %mul3A_687 = arith.constant 1.700000e+01 : f32
    %mul3A_688 = vector.broadcast %mul3A_687 : f32 to vector<1x16xf32>
    %mul3A_689 = arith.mulf %mul3A_688, %get3A_686 : vector<1x16xf32>
    %add3A_690 = vector.broadcast %mul3A_689 : vector<1x16xf32> to vector<400x16xf32>
    %add3A_691 = arith.addf %add3A_106, %add3A_690 : vector<400x16xf32>
    %max3A_692 = arith.constant 0.000000e+00 : f32
    %max3A_693 = vector.broadcast %max3A_692 : f32 to vector<400x16xf32>
    %max3A_694 = arith.maximumf %add3A_691, %max3A_693 : vector<400x16xf32>
    %get3A_695 = arith.constant 0 : index
    %get3A_696 = arith.constant 0 : index
    %get3A_697 = vector.load %arg17[%get3A_695, %get3A_696] : memref<16x8xf32, #tpu.memory_space<vmem>>, vector<16x8xf32>
    %dot_general3A_698 = arith.constant dense<0.000000e+00> : vector<400x8xf32>
    %dot_general3A_699 = tpu.matmul %max3A_694, %get3A_697, %dot_general3A_698 {dimension_numbers = #tpu.dot_dimension_numbers<[1], [0], [0], [1], [0, 0, 1, 1], [], []>, precision = #tpu.contract_precision<fp32>, transpose_lhs_hint = false} : vector<400x16xf32>, vector<16x8xf32>, vector<400x8xf32> -> vector<400x8xf32>
    %get3A_700 = arith.constant 0 : index
    %get3A_701 = arith.constant 0 : index
    %get3A_702 = vector.load %arg18[%get3A_700, %get3A_701] : memref<1x8xf32, #tpu.memory_space<vmem>>, vector<1x8xf32>
    %add3A_703 = vector.broadcast %get3A_702 : vector<1x8xf32> to vector<400x8xf32>
    %add3A_704 = arith.addf %dot_general3A_699, %add3A_703 : vector<400x8xf32>
    %max3A_705 = arith.constant 0.000000e+00 : f32
    %max3A_706 = vector.broadcast %max3A_705 : f32 to vector<400x8xf32>
    %max3A_707 = arith.maximumf %add3A_704, %max3A_706 : vector<400x8xf32>
    %get3A_708 = arith.constant 0 : index
    %get3A_709 = arith.constant 0 : index
    %get3A_710 = vector.load %arg19[%get3A_708, %get3A_709] : memref<8x1xf32, #tpu.memory_space<vmem>>, vector<8x1xf32>
    %dot_general3A_711 = arith.constant dense<0.000000e+00> : vector<400x1xf32>
    %dot_general3A_712 = tpu.matmul %max3A_707, %get3A_710, %dot_general3A_711 {dimension_numbers = #tpu.dot_dimension_numbers<[1], [0], [0], [1], [0, 0, 1, 1], [], []>, precision = #tpu.contract_precision<fp32>, transpose_lhs_hint = false} : vector<400x8xf32>, vector<8x1xf32>, vector<400x1xf32> -> vector<400x1xf32>
    %get3A_713 = arith.constant 0 : index
    %get3A_714 = arith.constant 0 : index
    %get3A_715 = vector.load %arg20[%get3A_713, %get3A_714] : memref<1x1xf32, #tpu.memory_space<vmem>>, vector<1x1xf32>
    %add3A_716 = vector.broadcast %get3A_715 : vector<1x1xf32> to vector<400x1xf32>
    %add3A_717 = arith.addf %dot_general3A_712, %add3A_716 : vector<400x1xf32>
    %get3A_718 = arith.constant 0 : index
    %get3A_719 = arith.constant 0 : index
    %get3A_720 = vector.load %arg15[%get3A_718, %get3A_719] : memref<1x16xf32, #tpu.memory_space<vmem>>, vector<1x16xf32>
    %mul3A_721 = arith.constant 1.800000e+01 : f32
    %mul3A_722 = vector.broadcast %mul3A_721 : f32 to vector<1x16xf32>
    %mul3A_723 = arith.mulf %mul3A_722, %get3A_720 : vector<1x16xf32>
    %add3A_724 = vector.broadcast %mul3A_723 : vector<1x16xf32> to vector<400x16xf32>
    %add3A_725 = arith.addf %add3A_106, %add3A_724 : vector<400x16xf32>
    %max3A_726 = arith.constant 0.000000e+00 : f32
    %max3A_727 = vector.broadcast %max3A_726 : f32 to vector<400x16xf32>
    %max3A_728 = arith.maximumf %add3A_725, %max3A_727 : vector<400x16xf32>
    %get3A_729 = arith.constant 0 : index
    %get3A_730 = arith.constant 0 : index
    %get3A_731 = vector.load %arg17[%get3A_729, %get3A_730] : memref<16x8xf32, #tpu.memory_space<vmem>>, vector<16x8xf32>
    %dot_general3A_732 = arith.constant dense<0.000000e+00> : vector<400x8xf32>
    %dot_general3A_733 = tpu.matmul %max3A_728, %get3A_731, %dot_general3A_732 {dimension_numbers = #tpu.dot_dimension_numbers<[1], [0], [0], [1], [0, 0, 1, 1], [], []>, precision = #tpu.contract_precision<fp32>, transpose_lhs_hint = false} : vector<400x16xf32>, vector<16x8xf32>, vector<400x8xf32> -> vector<400x8xf32>
    %get3A_734 = arith.constant 0 : index
    %get3A_735 = arith.constant 0 : index
    %get3A_736 = vector.load %arg18[%get3A_734, %get3A_735] : memref<1x8xf32, #tpu.memory_space<vmem>>, vector<1x8xf32>
    %add3A_737 = vector.broadcast %get3A_736 : vector<1x8xf32> to vector<400x8xf32>
    %add3A_738 = arith.addf %dot_general3A_733, %add3A_737 : vector<400x8xf32>
    %max3A_739 = arith.constant 0.000000e+00 : f32
    %max3A_740 = vector.broadcast %max3A_739 : f32 to vector<400x8xf32>
    %max3A_741 = arith.maximumf %add3A_738, %max3A_740 : vector<400x8xf32>
    %get3A_742 = arith.constant 0 : index
    %get3A_743 = arith.constant 0 : index
    %get3A_744 = vector.load %arg19[%get3A_742, %get3A_743] : memref<8x1xf32, #tpu.memory_space<vmem>>, vector<8x1xf32>
    %dot_general3A_745 = arith.constant dense<0.000000e+00> : vector<400x1xf32>
    %dot_general3A_746 = tpu.matmul %max3A_741, %get3A_744, %dot_general3A_745 {dimension_numbers = #tpu.dot_dimension_numbers<[1], [0], [0], [1], [0, 0, 1, 1], [], []>, precision = #tpu.contract_precision<fp32>, transpose_lhs_hint = false} : vector<400x8xf32>, vector<8x1xf32>, vector<400x1xf32> -> vector<400x1xf32>
    %get3A_747 = arith.constant 0 : index
    %get3A_748 = arith.constant 0 : index
    %get3A_749 = vector.load %arg20[%get3A_747, %get3A_748] : memref<1x1xf32, #tpu.memory_space<vmem>>, vector<1x1xf32>
    %add3A_750 = vector.broadcast %get3A_749 : vector<1x1xf32> to vector<400x1xf32>
    %add3A_751 = arith.addf %dot_general3A_746, %add3A_750 : vector<400x1xf32>
    %get3A_752 = arith.constant 0 : index
    %get3A_753 = arith.constant 0 : index
    %get3A_754 = vector.load %arg15[%get3A_752, %get3A_753] : memref<1x16xf32, #tpu.memory_space<vmem>>, vector<1x16xf32>
    %mul3A_755 = arith.constant 1.900000e+01 : f32
    %mul3A_756 = vector.broadcast %mul3A_755 : f32 to vector<1x16xf32>
    %mul3A_757 = arith.mulf %mul3A_756, %get3A_754 : vector<1x16xf32>
    %add3A_758 = vector.broadcast %mul3A_757 : vector<1x16xf32> to vector<400x16xf32>
    %add3A_759 = arith.addf %add3A_106, %add3A_758 : vector<400x16xf32>
    %max3A_760 = arith.constant 0.000000e+00 : f32
    %max3A_761 = vector.broadcast %max3A_760 : f32 to vector<400x16xf32>
    %max3A_762 = arith.maximumf %add3A_759, %max3A_761 : vector<400x16xf32>
    %get3A_763 = arith.constant 0 : index
    %get3A_764 = arith.constant 0 : index
    %get3A_765 = vector.load %arg17[%get3A_763, %get3A_764] : memref<16x8xf32, #tpu.memory_space<vmem>>, vector<16x8xf32>
    %dot_general3A_766 = arith.constant dense<0.000000e+00> : vector<400x8xf32>
    %dot_general3A_767 = tpu.matmul %max3A_762, %get3A_765, %dot_general3A_766 {dimension_numbers = #tpu.dot_dimension_numbers<[1], [0], [0], [1], [0, 0, 1, 1], [], []>, precision = #tpu.contract_precision<fp32>, transpose_lhs_hint = false} : vector<400x16xf32>, vector<16x8xf32>, vector<400x8xf32> -> vector<400x8xf32>
    %get3A_768 = arith.constant 0 : index
    %get3A_769 = arith.constant 0 : index
    %get3A_770 = vector.load %arg18[%get3A_768, %get3A_769] : memref<1x8xf32, #tpu.memory_space<vmem>>, vector<1x8xf32>
    %add3A_771 = vector.broadcast %get3A_770 : vector<1x8xf32> to vector<400x8xf32>
    %add3A_772 = arith.addf %dot_general3A_767, %add3A_771 : vector<400x8xf32>
    %max3A_773 = arith.constant 0.000000e+00 : f32
    %max3A_774 = vector.broadcast %max3A_773 : f32 to vector<400x8xf32>
    %max3A_775 = arith.maximumf %add3A_772, %max3A_774 : vector<400x8xf32>
    %get3A_776 = arith.constant 0 : index
    %get3A_777 = arith.constant 0 : index
    %get3A_778 = vector.load %arg19[%get3A_776, %get3A_777] : memref<8x1xf32, #tpu.memory_space<vmem>>, vector<8x1xf32>
    %dot_general3A_779 = arith.constant dense<0.000000e+00> : vector<400x1xf32>
    %dot_general3A_780 = tpu.matmul %max3A_775, %get3A_778, %dot_general3A_779 {dimension_numbers = #tpu.dot_dimension_numbers<[1], [0], [0], [1], [0, 0, 1, 1], [], []>, precision = #tpu.contract_precision<fp32>, transpose_lhs_hint = false} : vector<400x8xf32>, vector<8x1xf32>, vector<400x1xf32> -> vector<400x1xf32>
    %get3A_781 = arith.constant 0 : index
    %get3A_782 = arith.constant 0 : index
    %get3A_783 = vector.load %arg20[%get3A_781, %get3A_782] : memref<1x1xf32, #tpu.memory_space<vmem>>, vector<1x1xf32>
    %add3A_784 = vector.broadcast %get3A_783 : vector<1x1xf32> to vector<400x1xf32>
    %add3A_785 = arith.addf %dot_general3A_780, %add3A_784 : vector<400x1xf32>
    %get3A_786 = arith.constant 0 : index
    %get3A_787 = arith.constant 0 : index
    %get3A_788 = vector.load %arg15[%get3A_786, %get3A_787] : memref<1x16xf32, #tpu.memory_space<vmem>>, vector<1x16xf32>
    %mul3A_789 = arith.constant 2.000000e+01 : f32
    %mul3A_790 = vector.broadcast %mul3A_789 : f32 to vector<1x16xf32>
    %mul3A_791 = arith.mulf %mul3A_790, %get3A_788 : vector<1x16xf32>
    %add3A_792 = vector.broadcast %mul3A_791 : vector<1x16xf32> to vector<400x16xf32>
    %add3A_793 = arith.addf %add3A_106, %add3A_792 : vector<400x16xf32>
    %max3A_794 = arith.constant 0.000000e+00 : f32
    %max3A_795 = vector.broadcast %max3A_794 : f32 to vector<400x16xf32>
    %max3A_796 = arith.maximumf %add3A_793, %max3A_795 : vector<400x16xf32>
    %get3A_797 = arith.constant 0 : index
    %get3A_798 = arith.constant 0 : index
    %get3A_799 = vector.load %arg17[%get3A_797, %get3A_798] : memref<16x8xf32, #tpu.memory_space<vmem>>, vector<16x8xf32>
    %dot_general3A_800 = arith.constant dense<0.000000e+00> : vector<400x8xf32>
    %dot_general3A_801 = tpu.matmul %max3A_796, %get3A_799, %dot_general3A_800 {dimension_numbers = #tpu.dot_dimension_numbers<[1], [0], [0], [1], [0, 0, 1, 1], [], []>, precision = #tpu.contract_precision<fp32>, transpose_lhs_hint = false} : vector<400x16xf32>, vector<16x8xf32>, vector<400x8xf32> -> vector<400x8xf32>
    %get3A_802 = arith.constant 0 : index
    %get3A_803 = arith.constant 0 : index
    %get3A_804 = vector.load %arg18[%get3A_802, %get3A_803] : memref<1x8xf32, #tpu.memory_space<vmem>>, vector<1x8xf32>
    %add3A_805 = vector.broadcast %get3A_804 : vector<1x8xf32> to vector<400x8xf32>
    %add3A_806 = arith.addf %dot_general3A_801, %add3A_805 : vector<400x8xf32>
    %max3A_807 = arith.constant 0.000000e+00 : f32
    %max3A_808 = vector.broadcast %max3A_807 : f32 to vector<400x8xf32>
    %max3A_809 = arith.maximumf %add3A_806, %max3A_808 : vector<400x8xf32>
    %get3A_810 = arith.constant 0 : index
    %get3A_811 = arith.constant 0 : index
    %get3A_812 = vector.load %arg19[%get3A_810, %get3A_811] : memref<8x1xf32, #tpu.memory_space<vmem>>, vector<8x1xf32>
    %dot_general3A_813 = arith.constant dense<0.000000e+00> : vector<400x1xf32>
    %dot_general3A_814 = tpu.matmul %max3A_809, %get3A_812, %dot_general3A_813 {dimension_numbers = #tpu.dot_dimension_numbers<[1], [0], [0], [1], [0, 0, 1, 1], [], []>, precision = #tpu.contract_precision<fp32>, transpose_lhs_hint = false} : vector<400x8xf32>, vector<8x1xf32>, vector<400x1xf32> -> vector<400x1xf32>
    %get3A_815 = arith.constant 0 : index
    %get3A_816 = arith.constant 0 : index
    %get3A_817 = vector.load %arg20[%get3A_815, %get3A_816] : memref<1x1xf32, #tpu.memory_space<vmem>>, vector<1x1xf32>
    %add3A_818 = vector.broadcast %get3A_817 : vector<1x1xf32> to vector<400x1xf32>
    %add3A_819 = arith.addf %dot_general3A_814, %add3A_818 : vector<400x1xf32>
    %get3A_820 = arith.constant 0 : index
    %get3A_821 = arith.constant 0 : index
    %get3A_822 = vector.load %arg15[%get3A_820, %get3A_821] : memref<1x16xf32, #tpu.memory_space<vmem>>, vector<1x16xf32>
    %mul3A_823 = arith.constant 2.100000e+01 : f32
    %mul3A_824 = vector.broadcast %mul3A_823 : f32 to vector<1x16xf32>
    %mul3A_825 = arith.mulf %mul3A_824, %get3A_822 : vector<1x16xf32>
    %add3A_826 = vector.broadcast %mul3A_825 : vector<1x16xf32> to vector<400x16xf32>
    %add3A_827 = arith.addf %add3A_106, %add3A_826 : vector<400x16xf32>
    %max3A_828 = arith.constant 0.000000e+00 : f32
    %max3A_829 = vector.broadcast %max3A_828 : f32 to vector<400x16xf32>
    %max3A_830 = arith.maximumf %add3A_827, %max3A_829 : vector<400x16xf32>
    %get3A_831 = arith.constant 0 : index
    %get3A_832 = arith.constant 0 : index
    %get3A_833 = vector.load %arg17[%get3A_831, %get3A_832] : memref<16x8xf32, #tpu.memory_space<vmem>>, vector<16x8xf32>
    %dot_general3A_834 = arith.constant dense<0.000000e+00> : vector<400x8xf32>
    %dot_general3A_835 = tpu.matmul %max3A_830, %get3A_833, %dot_general3A_834 {dimension_numbers = #tpu.dot_dimension_numbers<[1], [0], [0], [1], [0, 0, 1, 1], [], []>, precision = #tpu.contract_precision<fp32>, transpose_lhs_hint = false} : vector<400x16xf32>, vector<16x8xf32>, vector<400x8xf32> -> vector<400x8xf32>
    %get3A_836 = arith.constant 0 : index
    %get3A_837 = arith.constant 0 : index
    %get3A_838 = vector.load %arg18[%get3A_836, %get3A_837] : memref<1x8xf32, #tpu.memory_space<vmem>>, vector<1x8xf32>
    %add3A_839 = vector.broadcast %get3A_838 : vector<1x8xf32> to vector<400x8xf32>
    %add3A_840 = arith.addf %dot_general3A_835, %add3A_839 : vector<400x8xf32>
    %max3A_841 = arith.constant 0.000000e+00 : f32
    %max3A_842 = vector.broadcast %max3A_841 : f32 to vector<400x8xf32>
    %max3A_843 = arith.maximumf %add3A_840, %max3A_842 : vector<400x8xf32>
    %get3A_844 = arith.constant 0 : index
    %get3A_845 = arith.constant 0 : index
    %get3A_846 = vector.load %arg19[%get3A_844, %get3A_845] : memref<8x1xf32, #tpu.memory_space<vmem>>, vector<8x1xf32>
    %dot_general3A_847 = arith.constant dense<0.000000e+00> : vector<400x1xf32>
    %dot_general3A_848 = tpu.matmul %max3A_843, %get3A_846, %dot_general3A_847 {dimension_numbers = #tpu.dot_dimension_numbers<[1], [0], [0], [1], [0, 0, 1, 1], [], []>, precision = #tpu.contract_precision<fp32>, transpose_lhs_hint = false} : vector<400x8xf32>, vector<8x1xf32>, vector<400x1xf32> -> vector<400x1xf32>
    %get3A_849 = arith.constant 0 : index
    %get3A_850 = arith.constant 0 : index
    %get3A_851 = vector.load %arg20[%get3A_849, %get3A_850] : memref<1x1xf32, #tpu.memory_space<vmem>>, vector<1x1xf32>
    %add3A_852 = vector.broadcast %get3A_851 : vector<1x1xf32> to vector<400x1xf32>
    %add3A_853 = arith.addf %dot_general3A_848, %add3A_852 : vector<400x1xf32>
    %get3A_854 = arith.constant 0 : index
    %get3A_855 = arith.constant 0 : index
    %get3A_856 = vector.load %arg15[%get3A_854, %get3A_855] : memref<1x16xf32, #tpu.memory_space<vmem>>, vector<1x16xf32>
    %mul3A_857 = arith.constant 2.200000e+01 : f32
    %mul3A_858 = vector.broadcast %mul3A_857 : f32 to vector<1x16xf32>
    %mul3A_859 = arith.mulf %mul3A_858, %get3A_856 : vector<1x16xf32>
    %add3A_860 = vector.broadcast %mul3A_859 : vector<1x16xf32> to vector<400x16xf32>
    %add3A_861 = arith.addf %add3A_106, %add3A_860 : vector<400x16xf32>
    %max3A_862 = arith.constant 0.000000e+00 : f32
    %max3A_863 = vector.broadcast %max3A_862 : f32 to vector<400x16xf32>
    %max3A_864 = arith.maximumf %add3A_861, %max3A_863 : vector<400x16xf32>
    %get3A_865 = arith.constant 0 : index
    %get3A_866 = arith.constant 0 : index
    %get3A_867 = vector.load %arg17[%get3A_865, %get3A_866] : memref<16x8xf32, #tpu.memory_space<vmem>>, vector<16x8xf32>
    %dot_general3A_868 = arith.constant dense<0.000000e+00> : vector<400x8xf32>
    %dot_general3A_869 = tpu.matmul %max3A_864, %get3A_867, %dot_general3A_868 {dimension_numbers = #tpu.dot_dimension_numbers<[1], [0], [0], [1], [0, 0, 1, 1], [], []>, precision = #tpu.contract_precision<fp32>, transpose_lhs_hint = false} : vector<400x16xf32>, vector<16x8xf32>, vector<400x8xf32> -> vector<400x8xf32>
    %get3A_870 = arith.constant 0 : index
    %get3A_871 = arith.constant 0 : index
    %get3A_872 = vector.load %arg18[%get3A_870, %get3A_871] : memref<1x8xf32, #tpu.memory_space<vmem>>, vector<1x8xf32>
    %add3A_873 = vector.broadcast %get3A_872 : vector<1x8xf32> to vector<400x8xf32>
    %add3A_874 = arith.addf %dot_general3A_869, %add3A_873 : vector<400x8xf32>
    %max3A_875 = arith.constant 0.000000e+00 : f32
    %max3A_876 = vector.broadcast %max3A_875 : f32 to vector<400x8xf32>
    %max3A_877 = arith.maximumf %add3A_874, %max3A_876 : vector<400x8xf32>
    %get3A_878 = arith.constant 0 : index
    %get3A_879 = arith.constant 0 : index
    %get3A_880 = vector.load %arg19[%get3A_878, %get3A_879] : memref<8x1xf32, #tpu.memory_space<vmem>>, vector<8x1xf32>
    %dot_general3A_881 = arith.constant dense<0.000000e+00> : vector<400x1xf32>
    %dot_general3A_882 = tpu.matmul %max3A_877, %get3A_880, %dot_general3A_881 {dimension_numbers = #tpu.dot_dimension_numbers<[1], [0], [0], [1], [0, 0, 1, 1], [], []>, precision = #tpu.contract_precision<fp32>, transpose_lhs_hint = false} : vector<400x8xf32>, vector<8x1xf32>, vector<400x1xf32> -> vector<400x1xf32>
    %get3A_883 = arith.constant 0 : index
    %get3A_884 = arith.constant 0 : index
    %get3A_885 = vector.load %arg20[%get3A_883, %get3A_884] : memref<1x1xf32, #tpu.memory_space<vmem>>, vector<1x1xf32>
    %add3A_886 = vector.broadcast %get3A_885 : vector<1x1xf32> to vector<400x1xf32>
    %add3A_887 = arith.addf %dot_general3A_882, %add3A_886 : vector<400x1xf32>
    %get3A_888 = arith.constant 0 : index
    %get3A_889 = arith.constant 0 : index
    %get3A_890 = vector.load %arg15[%get3A_888, %get3A_889] : memref<1x16xf32, #tpu.memory_space<vmem>>, vector<1x16xf32>
    %mul3A_891 = arith.constant 2.300000e+01 : f32
    %mul3A_892 = vector.broadcast %mul3A_891 : f32 to vector<1x16xf32>
    %mul3A_893 = arith.mulf %mul3A_892, %get3A_890 : vector<1x16xf32>
    %add3A_894 = vector.broadcast %mul3A_893 : vector<1x16xf32> to vector<400x16xf32>
    %add3A_895 = arith.addf %add3A_106, %add3A_894 : vector<400x16xf32>
    %max3A_896 = arith.constant 0.000000e+00 : f32
    %max3A_897 = vector.broadcast %max3A_896 : f32 to vector<400x16xf32>
    %max3A_898 = arith.maximumf %add3A_895, %max3A_897 : vector<400x16xf32>
    %get3A_899 = arith.constant 0 : index
    %get3A_900 = arith.constant 0 : index
    %get3A_901 = vector.load %arg17[%get3A_899, %get3A_900] : memref<16x8xf32, #tpu.memory_space<vmem>>, vector<16x8xf32>
    %dot_general3A_902 = arith.constant dense<0.000000e+00> : vector<400x8xf32>
    %dot_general3A_903 = tpu.matmul %max3A_898, %get3A_901, %dot_general3A_902 {dimension_numbers = #tpu.dot_dimension_numbers<[1], [0], [0], [1], [0, 0, 1, 1], [], []>, precision = #tpu.contract_precision<fp32>, transpose_lhs_hint = false} : vector<400x16xf32>, vector<16x8xf32>, vector<400x8xf32> -> vector<400x8xf32>
    %get3A_904 = arith.constant 0 : index
    %get3A_905 = arith.constant 0 : index
    %get3A_906 = vector.load %arg18[%get3A_904, %get3A_905] : memref<1x8xf32, #tpu.memory_space<vmem>>, vector<1x8xf32>
    %add3A_907 = vector.broadcast %get3A_906 : vector<1x8xf32> to vector<400x8xf32>
    %add3A_908 = arith.addf %dot_general3A_903, %add3A_907 : vector<400x8xf32>
    %max3A_909 = arith.constant 0.000000e+00 : f32
    %max3A_910 = vector.broadcast %max3A_909 : f32 to vector<400x8xf32>
    %max3A_911 = arith.maximumf %add3A_908, %max3A_910 : vector<400x8xf32>
    %get3A_912 = arith.constant 0 : index
    %get3A_913 = arith.constant 0 : index
    %get3A_914 = vector.load %arg19[%get3A_912, %get3A_913] : memref<8x1xf32, #tpu.memory_space<vmem>>, vector<8x1xf32>
    %dot_general3A_915 = arith.constant dense<0.000000e+00> : vector<400x1xf32>
    %dot_general3A_916 = tpu.matmul %max3A_911, %get3A_914, %dot_general3A_915 {dimension_numbers = #tpu.dot_dimension_numbers<[1], [0], [0], [1], [0, 0, 1, 1], [], []>, precision = #tpu.contract_precision<fp32>, transpose_lhs_hint = false} : vector<400x8xf32>, vector<8x1xf32>, vector<400x1xf32> -> vector<400x1xf32>
    %get3A_917 = arith.constant 0 : index
    %get3A_918 = arith.constant 0 : index
    %get3A_919 = vector.load %arg20[%get3A_917, %get3A_918] : memref<1x1xf32, #tpu.memory_space<vmem>>, vector<1x1xf32>
    %add3A_920 = vector.broadcast %get3A_919 : vector<1x1xf32> to vector<400x1xf32>
    %add3A_921 = arith.addf %dot_general3A_916, %add3A_920 : vector<400x1xf32>
    %get3A_922 = arith.constant 0 : index
    %get3A_923 = arith.constant 0 : index
    %get3A_924 = vector.load %arg15[%get3A_922, %get3A_923] : memref<1x16xf32, #tpu.memory_space<vmem>>, vector<1x16xf32>
    %mul3A_925 = arith.constant 2.400000e+01 : f32
    %mul3A_926 = vector.broadcast %mul3A_925 : f32 to vector<1x16xf32>
    %mul3A_927 = arith.mulf %mul3A_926, %get3A_924 : vector<1x16xf32>
    %add3A_928 = vector.broadcast %mul3A_927 : vector<1x16xf32> to vector<400x16xf32>
    %add3A_929 = arith.addf %add3A_106, %add3A_928 : vector<400x16xf32>
    %max3A_930 = arith.constant 0.000000e+00 : f32
    %max3A_931 = vector.broadcast %max3A_930 : f32 to vector<400x16xf32>
    %max3A_932 = arith.maximumf %add3A_929, %max3A_931 : vector<400x16xf32>
    %get3A_933 = arith.constant 0 : index
    %get3A_934 = arith.constant 0 : index
    %get3A_935 = vector.load %arg17[%get3A_933, %get3A_934] : memref<16x8xf32, #tpu.memory_space<vmem>>, vector<16x8xf32>
    %dot_general3A_936 = arith.constant dense<0.000000e+00> : vector<400x8xf32>
    %dot_general3A_937 = tpu.matmul %max3A_932, %get3A_935, %dot_general3A_936 {dimension_numbers = #tpu.dot_dimension_numbers<[1], [0], [0], [1], [0, 0, 1, 1], [], []>, precision = #tpu.contract_precision<fp32>, transpose_lhs_hint = false} : vector<400x16xf32>, vector<16x8xf32>, vector<400x8xf32> -> vector<400x8xf32>
    %get3A_938 = arith.constant 0 : index
    %get3A_939 = arith.constant 0 : index
    %get3A_940 = vector.load %arg18[%get3A_938, %get3A_939] : memref<1x8xf32, #tpu.memory_space<vmem>>, vector<1x8xf32>
    %add3A_941 = vector.broadcast %get3A_940 : vector<1x8xf32> to vector<400x8xf32>
    %add3A_942 = arith.addf %dot_general3A_937, %add3A_941 : vector<400x8xf32>
    %max3A_943 = arith.constant 0.000000e+00 : f32
    %max3A_944 = vector.broadcast %max3A_943 : f32 to vector<400x8xf32>
    %max3A_945 = arith.maximumf %add3A_942, %max3A_944 : vector<400x8xf32>
    %get3A_946 = arith.constant 0 : index
    %get3A_947 = arith.constant 0 : index
    %get3A_948 = vector.load %arg19[%get3A_946, %get3A_947] : memref<8x1xf32, #tpu.memory_space<vmem>>, vector<8x1xf32>
    %dot_general3A_949 = arith.constant dense<0.000000e+00> : vector<400x1xf32>
    %dot_general3A_950 = tpu.matmul %max3A_945, %get3A_948, %dot_general3A_949 {dimension_numbers = #tpu.dot_dimension_numbers<[1], [0], [0], [1], [0, 0, 1, 1], [], []>, precision = #tpu.contract_precision<fp32>, transpose_lhs_hint = false} : vector<400x8xf32>, vector<8x1xf32>, vector<400x1xf32> -> vector<400x1xf32>
    %get3A_951 = arith.constant 0 : index
    %get3A_952 = arith.constant 0 : index
    %get3A_953 = vector.load %arg20[%get3A_951, %get3A_952] : memref<1x1xf32, #tpu.memory_space<vmem>>, vector<1x1xf32>
    %add3A_954 = vector.broadcast %get3A_953 : vector<1x1xf32> to vector<400x1xf32>
    %add3A_955 = arith.addf %dot_general3A_950, %add3A_954 : vector<400x1xf32>
    %get3A_956 = arith.constant 0 : index
    %get3A_957 = arith.constant 0 : index
    %get3A_958 = vector.load %arg15[%get3A_956, %get3A_957] : memref<1x16xf32, #tpu.memory_space<vmem>>, vector<1x16xf32>
    %mul3A_959 = arith.constant 2.500000e+01 : f32
    %mul3A_960 = vector.broadcast %mul3A_959 : f32 to vector<1x16xf32>
    %mul3A_961 = arith.mulf %mul3A_960, %get3A_958 : vector<1x16xf32>
    %add3A_962 = vector.broadcast %mul3A_961 : vector<1x16xf32> to vector<400x16xf32>
    %add3A_963 = arith.addf %add3A_106, %add3A_962 : vector<400x16xf32>
    %max3A_964 = arith.constant 0.000000e+00 : f32
    %max3A_965 = vector.broadcast %max3A_964 : f32 to vector<400x16xf32>
    %max3A_966 = arith.maximumf %add3A_963, %max3A_965 : vector<400x16xf32>
    %get3A_967 = arith.constant 0 : index
    %get3A_968 = arith.constant 0 : index
    %get3A_969 = vector.load %arg17[%get3A_967, %get3A_968] : memref<16x8xf32, #tpu.memory_space<vmem>>, vector<16x8xf32>
    %dot_general3A_970 = arith.constant dense<0.000000e+00> : vector<400x8xf32>
    %dot_general3A_971 = tpu.matmul %max3A_966, %get3A_969, %dot_general3A_970 {dimension_numbers = #tpu.dot_dimension_numbers<[1], [0], [0], [1], [0, 0, 1, 1], [], []>, precision = #tpu.contract_precision<fp32>, transpose_lhs_hint = false} : vector<400x16xf32>, vector<16x8xf32>, vector<400x8xf32> -> vector<400x8xf32>
    %get3A_972 = arith.constant 0 : index
    %get3A_973 = arith.constant 0 : index
    %get3A_974 = vector.load %arg18[%get3A_972, %get3A_973] : memref<1x8xf32, #tpu.memory_space<vmem>>, vector<1x8xf32>
    %add3A_975 = vector.broadcast %get3A_974 : vector<1x8xf32> to vector<400x8xf32>
    %add3A_976 = arith.addf %dot_general3A_971, %add3A_975 : vector<400x8xf32>
    %max3A_977 = arith.constant 0.000000e+00 : f32
    %max3A_978 = vector.broadcast %max3A_977 : f32 to vector<400x8xf32>
    %max3A_979 = arith.maximumf %add3A_976, %max3A_978 : vector<400x8xf32>
    %get3A_980 = arith.constant 0 : index
    %get3A_981 = arith.constant 0 : index
    %get3A_982 = vector.load %arg19[%get3A_980, %get3A_981] : memref<8x1xf32, #tpu.memory_space<vmem>>, vector<8x1xf32>
    %dot_general3A_983 = arith.constant dense<0.000000e+00> : vector<400x1xf32>
    %dot_general3A_984 = tpu.matmul %max3A_979, %get3A_982, %dot_general3A_983 {dimension_numbers = #tpu.dot_dimension_numbers<[1], [0], [0], [1], [0, 0, 1, 1], [], []>, precision = #tpu.contract_precision<fp32>, transpose_lhs_hint = false} : vector<400x8xf32>, vector<8x1xf32>, vector<400x1xf32> -> vector<400x1xf32>
    %get3A_985 = arith.constant 0 : index
    %get3A_986 = arith.constant 0 : index
    %get3A_987 = vector.load %arg20[%get3A_985, %get3A_986] : memref<1x1xf32, #tpu.memory_space<vmem>>, vector<1x1xf32>
    %add3A_988 = vector.broadcast %get3A_987 : vector<1x1xf32> to vector<400x1xf32>
    %add3A_989 = arith.addf %dot_general3A_984, %add3A_988 : vector<400x1xf32>
    %get3A_990 = arith.constant 0 : index
    %get3A_991 = arith.constant 0 : index
    %get3A_992 = vector.load %arg15[%get3A_990, %get3A_991] : memref<1x16xf32, #tpu.memory_space<vmem>>, vector<1x16xf32>
    %mul3A_993 = arith.constant 2.600000e+01 : f32
    %mul3A_994 = vector.broadcast %mul3A_993 : f32 to vector<1x16xf32>
    %mul3A_995 = arith.mulf %mul3A_994, %get3A_992 : vector<1x16xf32>
    %add3A_996 = vector.broadcast %mul3A_995 : vector<1x16xf32> to vector<400x16xf32>
    %add3A_997 = arith.addf %add3A_106, %add3A_996 : vector<400x16xf32>
    %max3A_998 = arith.constant 0.000000e+00 : f32
    %max3A_999 = vector.broadcast %max3A_998 : f32 to vector<400x16xf32>
    %max3A_1000 = arith.maximumf %add3A_997, %max3A_999 : vector<400x16xf32>
    %get3A_1001 = arith.constant 0 : index
    %get3A_1002 = arith.constant 0 : index
    %get3A_1003 = vector.load %arg17[%get3A_1001, %get3A_1002] : memref<16x8xf32, #tpu.memory_space<vmem>>, vector<16x8xf32>
    %dot_general3A_1004 = arith.constant dense<0.000000e+00> : vector<400x8xf32>
    %dot_general3A_1005 = tpu.matmul %max3A_1000, %get3A_1003, %dot_general3A_1004 {dimension_numbers = #tpu.dot_dimension_numbers<[1], [0], [0], [1], [0, 0, 1, 1], [], []>, precision = #tpu.contract_precision<fp32>, transpose_lhs_hint = false} : vector<400x16xf32>, vector<16x8xf32>, vector<400x8xf32> -> vector<400x8xf32>
    %get3A_1006 = arith.constant 0 : index
    %get3A_1007 = arith.constant 0 : index
    %get3A_1008 = vector.load %arg18[%get3A_1006, %get3A_1007] : memref<1x8xf32, #tpu.memory_space<vmem>>, vector<1x8xf32>
    %add3A_1009 = vector.broadcast %get3A_1008 : vector<1x8xf32> to vector<400x8xf32>
    %add3A_1010 = arith.addf %dot_general3A_1005, %add3A_1009 : vector<400x8xf32>
    %max3A_1011 = arith.constant 0.000000e+00 : f32
    %max3A_1012 = vector.broadcast %max3A_1011 : f32 to vector<400x8xf32>
    %max3A_1013 = arith.maximumf %add3A_1010, %max3A_1012 : vector<400x8xf32>
    %get3A_1014 = arith.constant 0 : index
    %get3A_1015 = arith.constant 0 : index
    %get3A_1016 = vector.load %arg19[%get3A_1014, %get3A_1015] : memref<8x1xf32, #tpu.memory_space<vmem>>, vector<8x1xf32>
    %dot_general3A_1017 = arith.constant dense<0.000000e+00> : vector<400x1xf32>
    %dot_general3A_1018 = tpu.matmul %max3A_1013, %get3A_1016, %dot_general3A_1017 {dimension_numbers = #tpu.dot_dimension_numbers<[1], [0], [0], [1], [0, 0, 1, 1], [], []>, precision = #tpu.contract_precision<fp32>, transpose_lhs_hint = false} : vector<400x8xf32>, vector<8x1xf32>, vector<400x1xf32> -> vector<400x1xf32>
    %get3A_1019 = arith.constant 0 : index
    %get3A_1020 = arith.constant 0 : index
    %get3A_1021 = vector.load %arg20[%get3A_1019, %get3A_1020] : memref<1x1xf32, #tpu.memory_space<vmem>>, vector<1x1xf32>
    %add3A_1022 = vector.broadcast %get3A_1021 : vector<1x1xf32> to vector<400x1xf32>
    %add3A_1023 = arith.addf %dot_general3A_1018, %add3A_1022 : vector<400x1xf32>
    %get3A_1024 = arith.constant 0 : index
    %get3A_1025 = arith.constant 0 : index
    %get3A_1026 = vector.load %arg15[%get3A_1024, %get3A_1025] : memref<1x16xf32, #tpu.memory_space<vmem>>, vector<1x16xf32>
    %mul3A_1027 = arith.constant 2.700000e+01 : f32
    %mul3A_1028 = vector.broadcast %mul3A_1027 : f32 to vector<1x16xf32>
    %mul3A_1029 = arith.mulf %mul3A_1028, %get3A_1026 : vector<1x16xf32>
    %add3A_1030 = vector.broadcast %mul3A_1029 : vector<1x16xf32> to vector<400x16xf32>
    %add3A_1031 = arith.addf %add3A_106, %add3A_1030 : vector<400x16xf32>
    %max3A_1032 = arith.constant 0.000000e+00 : f32
    %max3A_1033 = vector.broadcast %max3A_1032 : f32 to vector<400x16xf32>
    %max3A_1034 = arith.maximumf %add3A_1031, %max3A_1033 : vector<400x16xf32>
    %get3A_1035 = arith.constant 0 : index
    %get3A_1036 = arith.constant 0 : index
    %get3A_1037 = vector.load %arg17[%get3A_1035, %get3A_1036] : memref<16x8xf32, #tpu.memory_space<vmem>>, vector<16x8xf32>
    %dot_general3A_1038 = arith.constant dense<0.000000e+00> : vector<400x8xf32>
    %dot_general3A_1039 = tpu.matmul %max3A_1034, %get3A_1037, %dot_general3A_1038 {dimension_numbers = #tpu.dot_dimension_numbers<[1], [0], [0], [1], [0, 0, 1, 1], [], []>, precision = #tpu.contract_precision<fp32>, transpose_lhs_hint = false} : vector<400x16xf32>, vector<16x8xf32>, vector<400x8xf32> -> vector<400x8xf32>
    %get3A_1040 = arith.constant 0 : index
    %get3A_1041 = arith.constant 0 : index
    %get3A_1042 = vector.load %arg18[%get3A_1040, %get3A_1041] : memref<1x8xf32, #tpu.memory_space<vmem>>, vector<1x8xf32>
    %add3A_1043 = vector.broadcast %get3A_1042 : vector<1x8xf32> to vector<400x8xf32>
    %add3A_1044 = arith.addf %dot_general3A_1039, %add3A_1043 : vector<400x8xf32>
    %max3A_1045 = arith.constant 0.000000e+00 : f32
    %max3A_1046 = vector.broadcast %max3A_1045 : f32 to vector<400x8xf32>
    %max3A_1047 = arith.maximumf %add3A_1044, %max3A_1046 : vector<400x8xf32>
    %get3A_1048 = arith.constant 0 : index
    %get3A_1049 = arith.constant 0 : index
    %get3A_1050 = vector.load %arg19[%get3A_1048, %get3A_1049] : memref<8x1xf32, #tpu.memory_space<vmem>>, vector<8x1xf32>
    %dot_general3A_1051 = arith.constant dense<0.000000e+00> : vector<400x1xf32>
    %dot_general3A_1052 = tpu.matmul %max3A_1047, %get3A_1050, %dot_general3A_1051 {dimension_numbers = #tpu.dot_dimension_numbers<[1], [0], [0], [1], [0, 0, 1, 1], [], []>, precision = #tpu.contract_precision<fp32>, transpose_lhs_hint = false} : vector<400x8xf32>, vector<8x1xf32>, vector<400x1xf32> -> vector<400x1xf32>
    %get3A_1053 = arith.constant 0 : index
    %get3A_1054 = arith.constant 0 : index
    %get3A_1055 = vector.load %arg20[%get3A_1053, %get3A_1054] : memref<1x1xf32, #tpu.memory_space<vmem>>, vector<1x1xf32>
    %add3A_1056 = vector.broadcast %get3A_1055 : vector<1x1xf32> to vector<400x1xf32>
    %add3A_1057 = arith.addf %dot_general3A_1052, %add3A_1056 : vector<400x1xf32>
    %get3A_1058 = arith.constant 0 : index
    %get3A_1059 = arith.constant 0 : index
    %get3A_1060 = vector.load %arg15[%get3A_1058, %get3A_1059] : memref<1x16xf32, #tpu.memory_space<vmem>>, vector<1x16xf32>
    %mul3A_1061 = arith.constant 2.800000e+01 : f32
    %mul3A_1062 = vector.broadcast %mul3A_1061 : f32 to vector<1x16xf32>
    %mul3A_1063 = arith.mulf %mul3A_1062, %get3A_1060 : vector<1x16xf32>
    %add3A_1064 = vector.broadcast %mul3A_1063 : vector<1x16xf32> to vector<400x16xf32>
    %add3A_1065 = arith.addf %add3A_106, %add3A_1064 : vector<400x16xf32>
    %max3A_1066 = arith.constant 0.000000e+00 : f32
    %max3A_1067 = vector.broadcast %max3A_1066 : f32 to vector<400x16xf32>
    %max3A_1068 = arith.maximumf %add3A_1065, %max3A_1067 : vector<400x16xf32>
    %get3A_1069 = arith.constant 0 : index
    %get3A_1070 = arith.constant 0 : index
    %get3A_1071 = vector.load %arg17[%get3A_1069, %get3A_1070] : memref<16x8xf32, #tpu.memory_space<vmem>>, vector<16x8xf32>
    %dot_general3A_1072 = arith.constant dense<0.000000e+00> : vector<400x8xf32>
    %dot_general3A_1073 = tpu.matmul %max3A_1068, %get3A_1071, %dot_general3A_1072 {dimension_numbers = #tpu.dot_dimension_numbers<[1], [0], [0], [1], [0, 0, 1, 1], [], []>, precision = #tpu.contract_precision<fp32>, transpose_lhs_hint = false} : vector<400x16xf32>, vector<16x8xf32>, vector<400x8xf32> -> vector<400x8xf32>
    %get3A_1074 = arith.constant 0 : index
    %get3A_1075 = arith.constant 0 : index
    %get3A_1076 = vector.load %arg18[%get3A_1074, %get3A_1075] : memref<1x8xf32, #tpu.memory_space<vmem>>, vector<1x8xf32>
    %add3A_1077 = vector.broadcast %get3A_1076 : vector<1x8xf32> to vector<400x8xf32>
    %add3A_1078 = arith.addf %dot_general3A_1073, %add3A_1077 : vector<400x8xf32>
    %max3A_1079 = arith.constant 0.000000e+00 : f32
    %max3A_1080 = vector.broadcast %max3A_1079 : f32 to vector<400x8xf32>
    %max3A_1081 = arith.maximumf %add3A_1078, %max3A_1080 : vector<400x8xf32>
    %get3A_1082 = arith.constant 0 : index
    %get3A_1083 = arith.constant 0 : index
    %get3A_1084 = vector.load %arg19[%get3A_1082, %get3A_1083] : memref<8x1xf32, #tpu.memory_space<vmem>>, vector<8x1xf32>
    %dot_general3A_1085 = arith.constant dense<0.000000e+00> : vector<400x1xf32>
    %dot_general3A_1086 = tpu.matmul %max3A_1081, %get3A_1084, %dot_general3A_1085 {dimension_numbers = #tpu.dot_dimension_numbers<[1], [0], [0], [1], [0, 0, 1, 1], [], []>, precision = #tpu.contract_precision<fp32>, transpose_lhs_hint = false} : vector<400x8xf32>, vector<8x1xf32>, vector<400x1xf32> -> vector<400x1xf32>
    %get3A_1087 = arith.constant 0 : index
    %get3A_1088 = arith.constant 0 : index
    %get3A_1089 = vector.load %arg20[%get3A_1087, %get3A_1088] : memref<1x1xf32, #tpu.memory_space<vmem>>, vector<1x1xf32>
    %add3A_1090 = vector.broadcast %get3A_1089 : vector<1x1xf32> to vector<400x1xf32>
    %add3A_1091 = arith.addf %dot_general3A_1086, %add3A_1090 : vector<400x1xf32>
    %get3A_1092 = arith.constant 0 : index
    %get3A_1093 = arith.constant 0 : index
    %get3A_1094 = vector.load %arg15[%get3A_1092, %get3A_1093] : memref<1x16xf32, #tpu.memory_space<vmem>>, vector<1x16xf32>
    %mul3A_1095 = arith.constant 2.900000e+01 : f32
    %mul3A_1096 = vector.broadcast %mul3A_1095 : f32 to vector<1x16xf32>
    %mul3A_1097 = arith.mulf %mul3A_1096, %get3A_1094 : vector<1x16xf32>
    %add3A_1098 = vector.broadcast %mul3A_1097 : vector<1x16xf32> to vector<400x16xf32>
    %add3A_1099 = arith.addf %add3A_106, %add3A_1098 : vector<400x16xf32>
    %max3A_1100 = arith.constant 0.000000e+00 : f32
    %max3A_1101 = vector.broadcast %max3A_1100 : f32 to vector<400x16xf32>
    %max3A_1102 = arith.maximumf %add3A_1099, %max3A_1101 : vector<400x16xf32>
    %get3A_1103 = arith.constant 0 : index
    %get3A_1104 = arith.constant 0 : index
    %get3A_1105 = vector.load %arg17[%get3A_1103, %get3A_1104] : memref<16x8xf32, #tpu.memory_space<vmem>>, vector<16x8xf32>
    %dot_general3A_1106 = arith.constant dense<0.000000e+00> : vector<400x8xf32>
    %dot_general3A_1107 = tpu.matmul %max3A_1102, %get3A_1105, %dot_general3A_1106 {dimension_numbers = #tpu.dot_dimension_numbers<[1], [0], [0], [1], [0, 0, 1, 1], [], []>, precision = #tpu.contract_precision<fp32>, transpose_lhs_hint = false} : vector<400x16xf32>, vector<16x8xf32>, vector<400x8xf32> -> vector<400x8xf32>
    %get3A_1108 = arith.constant 0 : index
    %get3A_1109 = arith.constant 0 : index
    %get3A_1110 = vector.load %arg18[%get3A_1108, %get3A_1109] : memref<1x8xf32, #tpu.memory_space<vmem>>, vector<1x8xf32>
    %add3A_1111 = vector.broadcast %get3A_1110 : vector<1x8xf32> to vector<400x8xf32>
    %add3A_1112 = arith.addf %dot_general3A_1107, %add3A_1111 : vector<400x8xf32>
    %max3A_1113 = arith.constant 0.000000e+00 : f32
    %max3A_1114 = vector.broadcast %max3A_1113 : f32 to vector<400x8xf32>
    %max3A_1115 = arith.maximumf %add3A_1112, %max3A_1114 : vector<400x8xf32>
    %get3A_1116 = arith.constant 0 : index
    %get3A_1117 = arith.constant 0 : index
    %get3A_1118 = vector.load %arg19[%get3A_1116, %get3A_1117] : memref<8x1xf32, #tpu.memory_space<vmem>>, vector<8x1xf32>
    %dot_general3A_1119 = arith.constant dense<0.000000e+00> : vector<400x1xf32>
    %dot_general3A_1120 = tpu.matmul %max3A_1115, %get3A_1118, %dot_general3A_1119 {dimension_numbers = #tpu.dot_dimension_numbers<[1], [0], [0], [1], [0, 0, 1, 1], [], []>, precision = #tpu.contract_precision<fp32>, transpose_lhs_hint = false} : vector<400x8xf32>, vector<8x1xf32>, vector<400x1xf32> -> vector<400x1xf32>
    %get3A_1121 = arith.constant 0 : index
    %get3A_1122 = arith.constant 0 : index
    %get3A_1123 = vector.load %arg20[%get3A_1121, %get3A_1122] : memref<1x1xf32, #tpu.memory_space<vmem>>, vector<1x1xf32>
    %add3A_1124 = vector.broadcast %get3A_1123 : vector<1x1xf32> to vector<400x1xf32>
    %add3A_1125 = arith.addf %dot_general3A_1120, %add3A_1124 : vector<400x1xf32>
    %get3A_1126 = arith.constant 0 : index
    %get3A_1127 = arith.constant 0 : index
    %get3A_1128 = vector.load %arg15[%get3A_1126, %get3A_1127] : memref<1x16xf32, #tpu.memory_space<vmem>>, vector<1x16xf32>
    %mul3A_1129 = arith.constant 3.000000e+01 : f32
    %mul3A_1130 = vector.broadcast %mul3A_1129 : f32 to vector<1x16xf32>
    %mul3A_1131 = arith.mulf %mul3A_1130, %get3A_1128 : vector<1x16xf32>
    %add3A_1132 = vector.broadcast %mul3A_1131 : vector<1x16xf32> to vector<400x16xf32>
    %add3A_1133 = arith.addf %add3A_106, %add3A_1132 : vector<400x16xf32>
    %max3A_1134 = arith.constant 0.000000e+00 : f32
    %max3A_1135 = vector.broadcast %max3A_1134 : f32 to vector<400x16xf32>
    %max3A_1136 = arith.maximumf %add3A_1133, %max3A_1135 : vector<400x16xf32>
    %get3A_1137 = arith.constant 0 : index
    %get3A_1138 = arith.constant 0 : index
    %get3A_1139 = vector.load %arg17[%get3A_1137, %get3A_1138] : memref<16x8xf32, #tpu.memory_space<vmem>>, vector<16x8xf32>
    %dot_general3A_1140 = arith.constant dense<0.000000e+00> : vector<400x8xf32>
    %dot_general3A_1141 = tpu.matmul %max3A_1136, %get3A_1139, %dot_general3A_1140 {dimension_numbers = #tpu.dot_dimension_numbers<[1], [0], [0], [1], [0, 0, 1, 1], [], []>, precision = #tpu.contract_precision<fp32>, transpose_lhs_hint = false} : vector<400x16xf32>, vector<16x8xf32>, vector<400x8xf32> -> vector<400x8xf32>
    %get3A_1142 = arith.constant 0 : index
    %get3A_1143 = arith.constant 0 : index
    %get3A_1144 = vector.load %arg18[%get3A_1142, %get3A_1143] : memref<1x8xf32, #tpu.memory_space<vmem>>, vector<1x8xf32>
    %add3A_1145 = vector.broadcast %get3A_1144 : vector<1x8xf32> to vector<400x8xf32>
    %add3A_1146 = arith.addf %dot_general3A_1141, %add3A_1145 : vector<400x8xf32>
    %max3A_1147 = arith.constant 0.000000e+00 : f32
    %max3A_1148 = vector.broadcast %max3A_1147 : f32 to vector<400x8xf32>
    %max3A_1149 = arith.maximumf %add3A_1146, %max3A_1148 : vector<400x8xf32>
    %get3A_1150 = arith.constant 0 : index
    %get3A_1151 = arith.constant 0 : index
    %get3A_1152 = vector.load %arg19[%get3A_1150, %get3A_1151] : memref<8x1xf32, #tpu.memory_space<vmem>>, vector<8x1xf32>
    %dot_general3A_1153 = arith.constant dense<0.000000e+00> : vector<400x1xf32>
    %dot_general3A_1154 = tpu.matmul %max3A_1149, %get3A_1152, %dot_general3A_1153 {dimension_numbers = #tpu.dot_dimension_numbers<[1], [0], [0], [1], [0, 0, 1, 1], [], []>, precision = #tpu.contract_precision<fp32>, transpose_lhs_hint = false} : vector<400x8xf32>, vector<8x1xf32>, vector<400x1xf32> -> vector<400x1xf32>
    %get3A_1155 = arith.constant 0 : index
    %get3A_1156 = arith.constant 0 : index
    %get3A_1157 = vector.load %arg20[%get3A_1155, %get3A_1156] : memref<1x1xf32, #tpu.memory_space<vmem>>, vector<1x1xf32>
    %add3A_1158 = vector.broadcast %get3A_1157 : vector<1x1xf32> to vector<400x1xf32>
    %add3A_1159 = arith.addf %dot_general3A_1154, %add3A_1158 : vector<400x1xf32>
    %get3A_1160 = arith.constant 0 : index
    %get3A_1161 = arith.constant 0 : index
    %get3A_1162 = vector.load %arg15[%get3A_1160, %get3A_1161] : memref<1x16xf32, #tpu.memory_space<vmem>>, vector<1x16xf32>
    %mul3A_1163 = arith.constant 3.100000e+01 : f32
    %mul3A_1164 = vector.broadcast %mul3A_1163 : f32 to vector<1x16xf32>
    %mul3A_1165 = arith.mulf %mul3A_1164, %get3A_1162 : vector<1x16xf32>
    %add3A_1166 = vector.broadcast %mul3A_1165 : vector<1x16xf32> to vector<400x16xf32>
    %add3A_1167 = arith.addf %add3A_106, %add3A_1166 : vector<400x16xf32>
    %max3A_1168 = arith.constant 0.000000e+00 : f32
    %max3A_1169 = vector.broadcast %max3A_1168 : f32 to vector<400x16xf32>
    %max3A_1170 = arith.maximumf %add3A_1167, %max3A_1169 : vector<400x16xf32>
    %get3A_1171 = arith.constant 0 : index
    %get3A_1172 = arith.constant 0 : index
    %get3A_1173 = vector.load %arg17[%get3A_1171, %get3A_1172] : memref<16x8xf32, #tpu.memory_space<vmem>>, vector<16x8xf32>
    %dot_general3A_1174 = arith.constant dense<0.000000e+00> : vector<400x8xf32>
    %dot_general3A_1175 = tpu.matmul %max3A_1170, %get3A_1173, %dot_general3A_1174 {dimension_numbers = #tpu.dot_dimension_numbers<[1], [0], [0], [1], [0, 0, 1, 1], [], []>, precision = #tpu.contract_precision<fp32>, transpose_lhs_hint = false} : vector<400x16xf32>, vector<16x8xf32>, vector<400x8xf32> -> vector<400x8xf32>
    %get3A_1176 = arith.constant 0 : index
    %get3A_1177 = arith.constant 0 : index
    %get3A_1178 = vector.load %arg18[%get3A_1176, %get3A_1177] : memref<1x8xf32, #tpu.memory_space<vmem>>, vector<1x8xf32>
    %add3A_1179 = vector.broadcast %get3A_1178 : vector<1x8xf32> to vector<400x8xf32>
    %add3A_1180 = arith.addf %dot_general3A_1175, %add3A_1179 : vector<400x8xf32>
    %max3A_1181 = arith.constant 0.000000e+00 : f32
    %max3A_1182 = vector.broadcast %max3A_1181 : f32 to vector<400x8xf32>
    %max3A_1183 = arith.maximumf %add3A_1180, %max3A_1182 : vector<400x8xf32>
    %get3A_1184 = arith.constant 0 : index
    %get3A_1185 = arith.constant 0 : index
    %get3A_1186 = vector.load %arg19[%get3A_1184, %get3A_1185] : memref<8x1xf32, #tpu.memory_space<vmem>>, vector<8x1xf32>
    %dot_general3A_1187 = arith.constant dense<0.000000e+00> : vector<400x1xf32>
    %dot_general3A_1188 = tpu.matmul %max3A_1183, %get3A_1186, %dot_general3A_1187 {dimension_numbers = #tpu.dot_dimension_numbers<[1], [0], [0], [1], [0, 0, 1, 1], [], []>, precision = #tpu.contract_precision<fp32>, transpose_lhs_hint = false} : vector<400x8xf32>, vector<8x1xf32>, vector<400x1xf32> -> vector<400x1xf32>
    %get3A_1189 = arith.constant 0 : index
    %get3A_1190 = arith.constant 0 : index
    %get3A_1191 = vector.load %arg20[%get3A_1189, %get3A_1190] : memref<1x1xf32, #tpu.memory_space<vmem>>, vector<1x1xf32>
    %add3A_1192 = vector.broadcast %get3A_1191 : vector<1x1xf32> to vector<400x1xf32>
    %add3A_1193 = arith.addf %dot_general3A_1188, %add3A_1192 : vector<400x1xf32>
    %get3A_1194 = arith.constant 0 : index
    %get3A_1195 = arith.constant 0 : index
    %get3A_1196 = vector.load %arg15[%get3A_1194, %get3A_1195] : memref<1x16xf32, #tpu.memory_space<vmem>>, vector<1x16xf32>
    %mul3A_1197 = arith.constant 3.200000e+01 : f32
    %mul3A_1198 = vector.broadcast %mul3A_1197 : f32 to vector<1x16xf32>
    %mul3A_1199 = arith.mulf %mul3A_1198, %get3A_1196 : vector<1x16xf32>
    %add3A_1200 = vector.broadcast %mul3A_1199 : vector<1x16xf32> to vector<400x16xf32>
    %add3A_1201 = arith.addf %add3A_106, %add3A_1200 : vector<400x16xf32>
    %max3A_1202 = arith.constant 0.000000e+00 : f32
    %max3A_1203 = vector.broadcast %max3A_1202 : f32 to vector<400x16xf32>
    %max3A_1204 = arith.maximumf %add3A_1201, %max3A_1203 : vector<400x16xf32>
    %get3A_1205 = arith.constant 0 : index
    %get3A_1206 = arith.constant 0 : index
    %get3A_1207 = vector.load %arg17[%get3A_1205, %get3A_1206] : memref<16x8xf32, #tpu.memory_space<vmem>>, vector<16x8xf32>
    %dot_general3A_1208 = arith.constant dense<0.000000e+00> : vector<400x8xf32>
    %dot_general3A_1209 = tpu.matmul %max3A_1204, %get3A_1207, %dot_general3A_1208 {dimension_numbers = #tpu.dot_dimension_numbers<[1], [0], [0], [1], [0, 0, 1, 1], [], []>, precision = #tpu.contract_precision<fp32>, transpose_lhs_hint = false} : vector<400x16xf32>, vector<16x8xf32>, vector<400x8xf32> -> vector<400x8xf32>
    %get3A_1210 = arith.constant 0 : index
    %get3A_1211 = arith.constant 0 : index
    %get3A_1212 = vector.load %arg18[%get3A_1210, %get3A_1211] : memref<1x8xf32, #tpu.memory_space<vmem>>, vector<1x8xf32>
    %add3A_1213 = vector.broadcast %get3A_1212 : vector<1x8xf32> to vector<400x8xf32>
    %add3A_1214 = arith.addf %dot_general3A_1209, %add3A_1213 : vector<400x8xf32>
    %max3A_1215 = arith.constant 0.000000e+00 : f32
    %max3A_1216 = vector.broadcast %max3A_1215 : f32 to vector<400x8xf32>
    %max3A_1217 = arith.maximumf %add3A_1214, %max3A_1216 : vector<400x8xf32>
    %get3A_1218 = arith.constant 0 : index
    %get3A_1219 = arith.constant 0 : index
    %get3A_1220 = vector.load %arg19[%get3A_1218, %get3A_1219] : memref<8x1xf32, #tpu.memory_space<vmem>>, vector<8x1xf32>
    %dot_general3A_1221 = arith.constant dense<0.000000e+00> : vector<400x1xf32>
    %dot_general3A_1222 = tpu.matmul %max3A_1217, %get3A_1220, %dot_general3A_1221 {dimension_numbers = #tpu.dot_dimension_numbers<[1], [0], [0], [1], [0, 0, 1, 1], [], []>, precision = #tpu.contract_precision<fp32>, transpose_lhs_hint = false} : vector<400x8xf32>, vector<8x1xf32>, vector<400x1xf32> -> vector<400x1xf32>
    %get3A_1223 = arith.constant 0 : index
    %get3A_1224 = arith.constant 0 : index
    %get3A_1225 = vector.load %arg20[%get3A_1223, %get3A_1224] : memref<1x1xf32, #tpu.memory_space<vmem>>, vector<1x1xf32>
    %add3A_1226 = vector.broadcast %get3A_1225 : vector<1x1xf32> to vector<400x1xf32>
    %add3A_1227 = arith.addf %dot_general3A_1222, %add3A_1226 : vector<400x1xf32>
    %get3A_1228 = arith.constant 0 : index
    %get3A_1229 = arith.constant 0 : index
    %get3A_1230 = vector.load %arg15[%get3A_1228, %get3A_1229] : memref<1x16xf32, #tpu.memory_space<vmem>>, vector<1x16xf32>
    %mul3A_1231 = arith.constant 3.300000e+01 : f32
    %mul3A_1232 = vector.broadcast %mul3A_1231 : f32 to vector<1x16xf32>
    %mul3A_1233 = arith.mulf %mul3A_1232, %get3A_1230 : vector<1x16xf32>
    %add3A_1234 = vector.broadcast %mul3A_1233 : vector<1x16xf32> to vector<400x16xf32>
    %add3A_1235 = arith.addf %add3A_106, %add3A_1234 : vector<400x16xf32>
    %max3A_1236 = arith.constant 0.000000e+00 : f32
    %max3A_1237 = vector.broadcast %max3A_1236 : f32 to vector<400x16xf32>
    %max3A_1238 = arith.maximumf %add3A_1235, %max3A_1237 : vector<400x16xf32>
    %get3A_1239 = arith.constant 0 : index
    %get3A_1240 = arith.constant 0 : index
    %get3A_1241 = vector.load %arg17[%get3A_1239, %get3A_1240] : memref<16x8xf32, #tpu.memory_space<vmem>>, vector<16x8xf32>
    %dot_general3A_1242 = arith.constant dense<0.000000e+00> : vector<400x8xf32>
    %dot_general3A_1243 = tpu.matmul %max3A_1238, %get3A_1241, %dot_general3A_1242 {dimension_numbers = #tpu.dot_dimension_numbers<[1], [0], [0], [1], [0, 0, 1, 1], [], []>, precision = #tpu.contract_precision<fp32>, transpose_lhs_hint = false} : vector<400x16xf32>, vector<16x8xf32>, vector<400x8xf32> -> vector<400x8xf32>
    %get3A_1244 = arith.constant 0 : index
    %get3A_1245 = arith.constant 0 : index
    %get3A_1246 = vector.load %arg18[%get3A_1244, %get3A_1245] : memref<1x8xf32, #tpu.memory_space<vmem>>, vector<1x8xf32>
    %add3A_1247 = vector.broadcast %get3A_1246 : vector<1x8xf32> to vector<400x8xf32>
    %add3A_1248 = arith.addf %dot_general3A_1243, %add3A_1247 : vector<400x8xf32>
    %max3A_1249 = arith.constant 0.000000e+00 : f32
    %max3A_1250 = vector.broadcast %max3A_1249 : f32 to vector<400x8xf32>
    %max3A_1251 = arith.maximumf %add3A_1248, %max3A_1250 : vector<400x8xf32>
    %get3A_1252 = arith.constant 0 : index
    %get3A_1253 = arith.constant 0 : index
    %get3A_1254 = vector.load %arg19[%get3A_1252, %get3A_1253] : memref<8x1xf32, #tpu.memory_space<vmem>>, vector<8x1xf32>
    %dot_general3A_1255 = arith.constant dense<0.000000e+00> : vector<400x1xf32>
    %dot_general3A_1256 = tpu.matmul %max3A_1251, %get3A_1254, %dot_general3A_1255 {dimension_numbers = #tpu.dot_dimension_numbers<[1], [0], [0], [1], [0, 0, 1, 1], [], []>, precision = #tpu.contract_precision<fp32>, transpose_lhs_hint = false} : vector<400x8xf32>, vector<8x1xf32>, vector<400x1xf32> -> vector<400x1xf32>
    %get3A_1257 = arith.constant 0 : index
    %get3A_1258 = arith.constant 0 : index
    %get3A_1259 = vector.load %arg20[%get3A_1257, %get3A_1258] : memref<1x1xf32, #tpu.memory_space<vmem>>, vector<1x1xf32>
    %add3A_1260 = vector.broadcast %get3A_1259 : vector<1x1xf32> to vector<400x1xf32>
    %add3A_1261 = arith.addf %dot_general3A_1256, %add3A_1260 : vector<400x1xf32>
    %get3A_1262 = arith.constant 0 : index
    %get3A_1263 = arith.constant 0 : index
    %get3A_1264 = vector.load %arg15[%get3A_1262, %get3A_1263] : memref<1x16xf32, #tpu.memory_space<vmem>>, vector<1x16xf32>
    %mul3A_1265 = arith.constant 3.400000e+01 : f32
    %mul3A_1266 = vector.broadcast %mul3A_1265 : f32 to vector<1x16xf32>
    %mul3A_1267 = arith.mulf %mul3A_1266, %get3A_1264 : vector<1x16xf32>
    %add3A_1268 = vector.broadcast %mul3A_1267 : vector<1x16xf32> to vector<400x16xf32>
    %add3A_1269 = arith.addf %add3A_106, %add3A_1268 : vector<400x16xf32>
    %max3A_1270 = arith.constant 0.000000e+00 : f32
    %max3A_1271 = vector.broadcast %max3A_1270 : f32 to vector<400x16xf32>
    %max3A_1272 = arith.maximumf %add3A_1269, %max3A_1271 : vector<400x16xf32>
    %get3A_1273 = arith.constant 0 : index
    %get3A_1274 = arith.constant 0 : index
    %get3A_1275 = vector.load %arg17[%get3A_1273, %get3A_1274] : memref<16x8xf32, #tpu.memory_space<vmem>>, vector<16x8xf32>
    %dot_general3A_1276 = arith.constant dense<0.000000e+00> : vector<400x8xf32>
    %dot_general3A_1277 = tpu.matmul %max3A_1272, %get3A_1275, %dot_general3A_1276 {dimension_numbers = #tpu.dot_dimension_numbers<[1], [0], [0], [1], [0, 0, 1, 1], [], []>, precision = #tpu.contract_precision<fp32>, transpose_lhs_hint = false} : vector<400x16xf32>, vector<16x8xf32>, vector<400x8xf32> -> vector<400x8xf32>
    %get3A_1278 = arith.constant 0 : index
    %get3A_1279 = arith.constant 0 : index
    %get3A_1280 = vector.load %arg18[%get3A_1278, %get3A_1279] : memref<1x8xf32, #tpu.memory_space<vmem>>, vector<1x8xf32>
    %add3A_1281 = vector.broadcast %get3A_1280 : vector<1x8xf32> to vector<400x8xf32>
    %add3A_1282 = arith.addf %dot_general3A_1277, %add3A_1281 : vector<400x8xf32>
    %max3A_1283 = arith.constant 0.000000e+00 : f32
    %max3A_1284 = vector.broadcast %max3A_1283 : f32 to vector<400x8xf32>
    %max3A_1285 = arith.maximumf %add3A_1282, %max3A_1284 : vector<400x8xf32>
    %get3A_1286 = arith.constant 0 : index
    %get3A_1287 = arith.constant 0 : index
    %get3A_1288 = vector.load %arg19[%get3A_1286, %get3A_1287] : memref<8x1xf32, #tpu.memory_space<vmem>>, vector<8x1xf32>
    %dot_general3A_1289 = arith.constant dense<0.000000e+00> : vector<400x1xf32>
    %dot_general3A_1290 = tpu.matmul %max3A_1285, %get3A_1288, %dot_general3A_1289 {dimension_numbers = #tpu.dot_dimension_numbers<[1], [0], [0], [1], [0, 0, 1, 1], [], []>, precision = #tpu.contract_precision<fp32>, transpose_lhs_hint = false} : vector<400x8xf32>, vector<8x1xf32>, vector<400x1xf32> -> vector<400x1xf32>
    %get3A_1291 = arith.constant 0 : index
    %get3A_1292 = arith.constant 0 : index
    %get3A_1293 = vector.load %arg20[%get3A_1291, %get3A_1292] : memref<1x1xf32, #tpu.memory_space<vmem>>, vector<1x1xf32>
    %add3A_1294 = vector.broadcast %get3A_1293 : vector<1x1xf32> to vector<400x1xf32>
    %add3A_1295 = arith.addf %dot_general3A_1290, %add3A_1294 : vector<400x1xf32>
    %get3A_1296 = arith.constant 0 : index
    %get3A_1297 = arith.constant 0 : index
    %get3A_1298 = vector.load %arg15[%get3A_1296, %get3A_1297] : memref<1x16xf32, #tpu.memory_space<vmem>>, vector<1x16xf32>
    %mul3A_1299 = arith.constant 3.500000e+01 : f32
    %mul3A_1300 = vector.broadcast %mul3A_1299 : f32 to vector<1x16xf32>
    %mul3A_1301 = arith.mulf %mul3A_1300, %get3A_1298 : vector<1x16xf32>
    %add3A_1302 = vector.broadcast %mul3A_1301 : vector<1x16xf32> to vector<400x16xf32>
    %add3A_1303 = arith.addf %add3A_106, %add3A_1302 : vector<400x16xf32>
    %max3A_1304 = arith.constant 0.000000e+00 : f32
    %max3A_1305 = vector.broadcast %max3A_1304 : f32 to vector<400x16xf32>
    %max3A_1306 = arith.maximumf %add3A_1303, %max3A_1305 : vector<400x16xf32>
    %get3A_1307 = arith.constant 0 : index
    %get3A_1308 = arith.constant 0 : index
    %get3A_1309 = vector.load %arg17[%get3A_1307, %get3A_1308] : memref<16x8xf32, #tpu.memory_space<vmem>>, vector<16x8xf32>
    %dot_general3A_1310 = arith.constant dense<0.000000e+00> : vector<400x8xf32>
    %dot_general3A_1311 = tpu.matmul %max3A_1306, %get3A_1309, %dot_general3A_1310 {dimension_numbers = #tpu.dot_dimension_numbers<[1], [0], [0], [1], [0, 0, 1, 1], [], []>, precision = #tpu.contract_precision<fp32>, transpose_lhs_hint = false} : vector<400x16xf32>, vector<16x8xf32>, vector<400x8xf32> -> vector<400x8xf32>
    %get3A_1312 = arith.constant 0 : index
    %get3A_1313 = arith.constant 0 : index
    %get3A_1314 = vector.load %arg18[%get3A_1312, %get3A_1313] : memref<1x8xf32, #tpu.memory_space<vmem>>, vector<1x8xf32>
    %add3A_1315 = vector.broadcast %get3A_1314 : vector<1x8xf32> to vector<400x8xf32>
    %add3A_1316 = arith.addf %dot_general3A_1311, %add3A_1315 : vector<400x8xf32>
    %max3A_1317 = arith.constant 0.000000e+00 : f32
    %max3A_1318 = vector.broadcast %max3A_1317 : f32 to vector<400x8xf32>
    %max3A_1319 = arith.maximumf %add3A_1316, %max3A_1318 : vector<400x8xf32>
    %get3A_1320 = arith.constant 0 : index
    %get3A_1321 = arith.constant 0 : index
    %get3A_1322 = vector.load %arg19[%get3A_1320, %get3A_1321] : memref<8x1xf32, #tpu.memory_space<vmem>>, vector<8x1xf32>
    %dot_general3A_1323 = arith.constant dense<0.000000e+00> : vector<400x1xf32>
    %dot_general3A_1324 = tpu.matmul %max3A_1319, %get3A_1322, %dot_general3A_1323 {dimension_numbers = #tpu.dot_dimension_numbers<[1], [0], [0], [1], [0, 0, 1, 1], [], []>, precision = #tpu.contract_precision<fp32>, transpose_lhs_hint = false} : vector<400x8xf32>, vector<8x1xf32>, vector<400x1xf32> -> vector<400x1xf32>
    %get3A_1325 = arith.constant 0 : index
    %get3A_1326 = arith.constant 0 : index
    %get3A_1327 = vector.load %arg20[%get3A_1325, %get3A_1326] : memref<1x1xf32, #tpu.memory_space<vmem>>, vector<1x1xf32>
    %add3A_1328 = vector.broadcast %get3A_1327 : vector<1x1xf32> to vector<400x1xf32>
    %add3A_1329 = arith.addf %dot_general3A_1324, %add3A_1328 : vector<400x1xf32>
    %get3A_1330 = arith.constant 0 : index
    %get3A_1331 = arith.constant 0 : index
    %get3A_1332 = vector.load %arg15[%get3A_1330, %get3A_1331] : memref<1x16xf32, #tpu.memory_space<vmem>>, vector<1x16xf32>
    %mul3A_1333 = arith.constant 3.600000e+01 : f32
    %mul3A_1334 = vector.broadcast %mul3A_1333 : f32 to vector<1x16xf32>
    %mul3A_1335 = arith.mulf %mul3A_1334, %get3A_1332 : vector<1x16xf32>
    %add3A_1336 = vector.broadcast %mul3A_1335 : vector<1x16xf32> to vector<400x16xf32>
    %add3A_1337 = arith.addf %add3A_106, %add3A_1336 : vector<400x16xf32>
    %max3A_1338 = arith.constant 0.000000e+00 : f32
    %max3A_1339 = vector.broadcast %max3A_1338 : f32 to vector<400x16xf32>
    %max3A_1340 = arith.maximumf %add3A_1337, %max3A_1339 : vector<400x16xf32>
    %get3A_1341 = arith.constant 0 : index
    %get3A_1342 = arith.constant 0 : index
    %get3A_1343 = vector.load %arg17[%get3A_1341, %get3A_1342] : memref<16x8xf32, #tpu.memory_space<vmem>>, vector<16x8xf32>
    %dot_general3A_1344 = arith.constant dense<0.000000e+00> : vector<400x8xf32>
    %dot_general3A_1345 = tpu.matmul %max3A_1340, %get3A_1343, %dot_general3A_1344 {dimension_numbers = #tpu.dot_dimension_numbers<[1], [0], [0], [1], [0, 0, 1, 1], [], []>, precision = #tpu.contract_precision<fp32>, transpose_lhs_hint = false} : vector<400x16xf32>, vector<16x8xf32>, vector<400x8xf32> -> vector<400x8xf32>
    %get3A_1346 = arith.constant 0 : index
    %get3A_1347 = arith.constant 0 : index
    %get3A_1348 = vector.load %arg18[%get3A_1346, %get3A_1347] : memref<1x8xf32, #tpu.memory_space<vmem>>, vector<1x8xf32>
    %add3A_1349 = vector.broadcast %get3A_1348 : vector<1x8xf32> to vector<400x8xf32>
    %add3A_1350 = arith.addf %dot_general3A_1345, %add3A_1349 : vector<400x8xf32>
    %max3A_1351 = arith.constant 0.000000e+00 : f32
    %max3A_1352 = vector.broadcast %max3A_1351 : f32 to vector<400x8xf32>
    %max3A_1353 = arith.maximumf %add3A_1350, %max3A_1352 : vector<400x8xf32>
    %get3A_1354 = arith.constant 0 : index
    %get3A_1355 = arith.constant 0 : index
    %get3A_1356 = vector.load %arg19[%get3A_1354, %get3A_1355] : memref<8x1xf32, #tpu.memory_space<vmem>>, vector<8x1xf32>
    %dot_general3A_1357 = arith.constant dense<0.000000e+00> : vector<400x1xf32>
    %dot_general3A_1358 = tpu.matmul %max3A_1353, %get3A_1356, %dot_general3A_1357 {dimension_numbers = #tpu.dot_dimension_numbers<[1], [0], [0], [1], [0, 0, 1, 1], [], []>, precision = #tpu.contract_precision<fp32>, transpose_lhs_hint = false} : vector<400x8xf32>, vector<8x1xf32>, vector<400x1xf32> -> vector<400x1xf32>
    %get3A_1359 = arith.constant 0 : index
    %get3A_1360 = arith.constant 0 : index
    %get3A_1361 = vector.load %arg20[%get3A_1359, %get3A_1360] : memref<1x1xf32, #tpu.memory_space<vmem>>, vector<1x1xf32>
    %add3A_1362 = vector.broadcast %get3A_1361 : vector<1x1xf32> to vector<400x1xf32>
    %add3A_1363 = arith.addf %dot_general3A_1358, %add3A_1362 : vector<400x1xf32>
    %get3A_1364 = arith.constant 0 : index
    %get3A_1365 = arith.constant 0 : index
    %get3A_1366 = vector.load %arg15[%get3A_1364, %get3A_1365] : memref<1x16xf32, #tpu.memory_space<vmem>>, vector<1x16xf32>
    %mul3A_1367 = arith.constant 3.700000e+01 : f32
    %mul3A_1368 = vector.broadcast %mul3A_1367 : f32 to vector<1x16xf32>
    %mul3A_1369 = arith.mulf %mul3A_1368, %get3A_1366 : vector<1x16xf32>
    %add3A_1370 = vector.broadcast %mul3A_1369 : vector<1x16xf32> to vector<400x16xf32>
    %add3A_1371 = arith.addf %add3A_106, %add3A_1370 : vector<400x16xf32>
    %max3A_1372 = arith.constant 0.000000e+00 : f32
    %max3A_1373 = vector.broadcast %max3A_1372 : f32 to vector<400x16xf32>
    %max3A_1374 = arith.maximumf %add3A_1371, %max3A_1373 : vector<400x16xf32>
    %get3A_1375 = arith.constant 0 : index
    %get3A_1376 = arith.constant 0 : index
    %get3A_1377 = vector.load %arg17[%get3A_1375, %get3A_1376] : memref<16x8xf32, #tpu.memory_space<vmem>>, vector<16x8xf32>
    %dot_general3A_1378 = arith.constant dense<0.000000e+00> : vector<400x8xf32>
    %dot_general3A_1379 = tpu.matmul %max3A_1374, %get3A_1377, %dot_general3A_1378 {dimension_numbers = #tpu.dot_dimension_numbers<[1], [0], [0], [1], [0, 0, 1, 1], [], []>, precision = #tpu.contract_precision<fp32>, transpose_lhs_hint = false} : vector<400x16xf32>, vector<16x8xf32>, vector<400x8xf32> -> vector<400x8xf32>
    %get3A_1380 = arith.constant 0 : index
    %get3A_1381 = arith.constant 0 : index
    %get3A_1382 = vector.load %arg18[%get3A_1380, %get3A_1381] : memref<1x8xf32, #tpu.memory_space<vmem>>, vector<1x8xf32>
    %add3A_1383 = vector.broadcast %get3A_1382 : vector<1x8xf32> to vector<400x8xf32>
    %add3A_1384 = arith.addf %dot_general3A_1379, %add3A_1383 : vector<400x8xf32>
    %max3A_1385 = arith.constant 0.000000e+00 : f32
    %max3A_1386 = vector.broadcast %max3A_1385 : f32 to vector<400x8xf32>
    %max3A_1387 = arith.maximumf %add3A_1384, %max3A_1386 : vector<400x8xf32>
    %get3A_1388 = arith.constant 0 : index
    %get3A_1389 = arith.constant 0 : index
    %get3A_1390 = vector.load %arg19[%get3A_1388, %get3A_1389] : memref<8x1xf32, #tpu.memory_space<vmem>>, vector<8x1xf32>
    %dot_general3A_1391 = arith.constant dense<0.000000e+00> : vector<400x1xf32>
    %dot_general3A_1392 = tpu.matmul %max3A_1387, %get3A_1390, %dot_general3A_1391 {dimension_numbers = #tpu.dot_dimension_numbers<[1], [0], [0], [1], [0, 0, 1, 1], [], []>, precision = #tpu.contract_precision<fp32>, transpose_lhs_hint = false} : vector<400x8xf32>, vector<8x1xf32>, vector<400x1xf32> -> vector<400x1xf32>
    %get3A_1393 = arith.constant 0 : index
    %get3A_1394 = arith.constant 0 : index
    %get3A_1395 = vector.load %arg20[%get3A_1393, %get3A_1394] : memref<1x1xf32, #tpu.memory_space<vmem>>, vector<1x1xf32>
    %add3A_1396 = vector.broadcast %get3A_1395 : vector<1x1xf32> to vector<400x1xf32>
    %add3A_1397 = arith.addf %dot_general3A_1392, %add3A_1396 : vector<400x1xf32>
    %get3A_1398 = arith.constant 0 : index
    %get3A_1399 = arith.constant 0 : index
    %get3A_1400 = vector.load %arg15[%get3A_1398, %get3A_1399] : memref<1x16xf32, #tpu.memory_space<vmem>>, vector<1x16xf32>
    %mul3A_1401 = arith.constant 3.800000e+01 : f32
    %mul3A_1402 = vector.broadcast %mul3A_1401 : f32 to vector<1x16xf32>
    %mul3A_1403 = arith.mulf %mul3A_1402, %get3A_1400 : vector<1x16xf32>
    %add3A_1404 = vector.broadcast %mul3A_1403 : vector<1x16xf32> to vector<400x16xf32>
    %add3A_1405 = arith.addf %add3A_106, %add3A_1404 : vector<400x16xf32>
    %max3A_1406 = arith.constant 0.000000e+00 : f32
    %max3A_1407 = vector.broadcast %max3A_1406 : f32 to vector<400x16xf32>
    %max3A_1408 = arith.maximumf %add3A_1405, %max3A_1407 : vector<400x16xf32>
    %get3A_1409 = arith.constant 0 : index
    %get3A_1410 = arith.constant 0 : index
    %get3A_1411 = vector.load %arg17[%get3A_1409, %get3A_1410] : memref<16x8xf32, #tpu.memory_space<vmem>>, vector<16x8xf32>
    %dot_general3A_1412 = arith.constant dense<0.000000e+00> : vector<400x8xf32>
    %dot_general3A_1413 = tpu.matmul %max3A_1408, %get3A_1411, %dot_general3A_1412 {dimension_numbers = #tpu.dot_dimension_numbers<[1], [0], [0], [1], [0, 0, 1, 1], [], []>, precision = #tpu.contract_precision<fp32>, transpose_lhs_hint = false} : vector<400x16xf32>, vector<16x8xf32>, vector<400x8xf32> -> vector<400x8xf32>
    %get3A_1414 = arith.constant 0 : index
    %get3A_1415 = arith.constant 0 : index
    %get3A_1416 = vector.load %arg18[%get3A_1414, %get3A_1415] : memref<1x8xf32, #tpu.memory_space<vmem>>, vector<1x8xf32>
    %add3A_1417 = vector.broadcast %get3A_1416 : vector<1x8xf32> to vector<400x8xf32>
    %add3A_1418 = arith.addf %dot_general3A_1413, %add3A_1417 : vector<400x8xf32>
    %max3A_1419 = arith.constant 0.000000e+00 : f32
    %max3A_1420 = vector.broadcast %max3A_1419 : f32 to vector<400x8xf32>
    %max3A_1421 = arith.maximumf %add3A_1418, %max3A_1420 : vector<400x8xf32>
    %get3A_1422 = arith.constant 0 : index
    %get3A_1423 = arith.constant 0 : index
    %get3A_1424 = vector.load %arg19[%get3A_1422, %get3A_1423] : memref<8x1xf32, #tpu.memory_space<vmem>>, vector<8x1xf32>
    %dot_general3A_1425 = arith.constant dense<0.000000e+00> : vector<400x1xf32>
    %dot_general3A_1426 = tpu.matmul %max3A_1421, %get3A_1424, %dot_general3A_1425 {dimension_numbers = #tpu.dot_dimension_numbers<[1], [0], [0], [1], [0, 0, 1, 1], [], []>, precision = #tpu.contract_precision<fp32>, transpose_lhs_hint = false} : vector<400x8xf32>, vector<8x1xf32>, vector<400x1xf32> -> vector<400x1xf32>
    %get3A_1427 = arith.constant 0 : index
    %get3A_1428 = arith.constant 0 : index
    %get3A_1429 = vector.load %arg20[%get3A_1427, %get3A_1428] : memref<1x1xf32, #tpu.memory_space<vmem>>, vector<1x1xf32>
    %add3A_1430 = vector.broadcast %get3A_1429 : vector<1x1xf32> to vector<400x1xf32>
    %add3A_1431 = arith.addf %dot_general3A_1426, %add3A_1430 : vector<400x1xf32>
    %get3A_1432 = arith.constant 0 : index
    %get3A_1433 = arith.constant 0 : index
    %get3A_1434 = vector.load %arg15[%get3A_1432, %get3A_1433] : memref<1x16xf32, #tpu.memory_space<vmem>>, vector<1x16xf32>
    %mul3A_1435 = arith.constant 3.900000e+01 : f32
    %mul3A_1436 = vector.broadcast %mul3A_1435 : f32 to vector<1x16xf32>
    %mul3A_1437 = arith.mulf %mul3A_1436, %get3A_1434 : vector<1x16xf32>
    %add3A_1438 = vector.broadcast %mul3A_1437 : vector<1x16xf32> to vector<400x16xf32>
    %add3A_1439 = arith.addf %add3A_106, %add3A_1438 : vector<400x16xf32>
    %max3A_1440 = arith.constant 0.000000e+00 : f32
    %max3A_1441 = vector.broadcast %max3A_1440 : f32 to vector<400x16xf32>
    %max3A_1442 = arith.maximumf %add3A_1439, %max3A_1441 : vector<400x16xf32>
    %get3A_1443 = arith.constant 0 : index
    %get3A_1444 = arith.constant 0 : index
    %get3A_1445 = vector.load %arg17[%get3A_1443, %get3A_1444] : memref<16x8xf32, #tpu.memory_space<vmem>>, vector<16x8xf32>
    %dot_general3A_1446 = arith.constant dense<0.000000e+00> : vector<400x8xf32>
    %dot_general3A_1447 = tpu.matmul %max3A_1442, %get3A_1445, %dot_general3A_1446 {dimension_numbers = #tpu.dot_dimension_numbers<[1], [0], [0], [1], [0, 0, 1, 1], [], []>, precision = #tpu.contract_precision<fp32>, transpose_lhs_hint = false} : vector<400x16xf32>, vector<16x8xf32>, vector<400x8xf32> -> vector<400x8xf32>
    %get3A_1448 = arith.constant 0 : index
    %get3A_1449 = arith.constant 0 : index
    %get3A_1450 = vector.load %arg18[%get3A_1448, %get3A_1449] : memref<1x8xf32, #tpu.memory_space<vmem>>, vector<1x8xf32>
    %add3A_1451 = vector.broadcast %get3A_1450 : vector<1x8xf32> to vector<400x8xf32>
    %add3A_1452 = arith.addf %dot_general3A_1447, %add3A_1451 : vector<400x8xf32>
    %max3A_1453 = arith.constant 0.000000e+00 : f32
    %max3A_1454 = vector.broadcast %max3A_1453 : f32 to vector<400x8xf32>
    %max3A_1455 = arith.maximumf %add3A_1452, %max3A_1454 : vector<400x8xf32>
    %get3A_1456 = arith.constant 0 : index
    %get3A_1457 = arith.constant 0 : index
    %get3A_1458 = vector.load %arg19[%get3A_1456, %get3A_1457] : memref<8x1xf32, #tpu.memory_space<vmem>>, vector<8x1xf32>
    %dot_general3A_1459 = arith.constant dense<0.000000e+00> : vector<400x1xf32>
    %dot_general3A_1460 = tpu.matmul %max3A_1455, %get3A_1458, %dot_general3A_1459 {dimension_numbers = #tpu.dot_dimension_numbers<[1], [0], [0], [1], [0, 0, 1, 1], [], []>, precision = #tpu.contract_precision<fp32>, transpose_lhs_hint = false} : vector<400x8xf32>, vector<8x1xf32>, vector<400x1xf32> -> vector<400x1xf32>
    %get3A_1461 = arith.constant 0 : index
    %get3A_1462 = arith.constant 0 : index
    %get3A_1463 = vector.load %arg20[%get3A_1461, %get3A_1462] : memref<1x1xf32, #tpu.memory_space<vmem>>, vector<1x1xf32>
    %add3A_1464 = vector.broadcast %get3A_1463 : vector<1x1xf32> to vector<400x1xf32>
    %add3A_1465 = arith.addf %dot_general3A_1460, %add3A_1464 : vector<400x1xf32>
    %get3A_1466 = arith.constant 0 : index
    %get3A_1467 = arith.constant 0 : index
    %get3A_1468 = vector.load %arg15[%get3A_1466, %get3A_1467] : memref<1x16xf32, #tpu.memory_space<vmem>>, vector<1x16xf32>
    %mul3A_1469 = arith.constant 4.000000e+01 : f32
    %mul3A_1470 = vector.broadcast %mul3A_1469 : f32 to vector<1x16xf32>
    %mul3A_1471 = arith.mulf %mul3A_1470, %get3A_1468 : vector<1x16xf32>
    %add3A_1472 = vector.broadcast %mul3A_1471 : vector<1x16xf32> to vector<400x16xf32>
    %add3A_1473 = arith.addf %add3A_106, %add3A_1472 : vector<400x16xf32>
    %max3A_1474 = arith.constant 0.000000e+00 : f32
    %max3A_1475 = vector.broadcast %max3A_1474 : f32 to vector<400x16xf32>
    %max3A_1476 = arith.maximumf %add3A_1473, %max3A_1475 : vector<400x16xf32>
    %get3A_1477 = arith.constant 0 : index
    %get3A_1478 = arith.constant 0 : index
    %get3A_1479 = vector.load %arg17[%get3A_1477, %get3A_1478] : memref<16x8xf32, #tpu.memory_space<vmem>>, vector<16x8xf32>
    %dot_general3A_1480 = arith.constant dense<0.000000e+00> : vector<400x8xf32>
    %dot_general3A_1481 = tpu.matmul %max3A_1476, %get3A_1479, %dot_general3A_1480 {dimension_numbers = #tpu.dot_dimension_numbers<[1], [0], [0], [1], [0, 0, 1, 1], [], []>, precision = #tpu.contract_precision<fp32>, transpose_lhs_hint = false} : vector<400x16xf32>, vector<16x8xf32>, vector<400x8xf32> -> vector<400x8xf32>
    %get3A_1482 = arith.constant 0 : index
    %get3A_1483 = arith.constant 0 : index
    %get3A_1484 = vector.load %arg18[%get3A_1482, %get3A_1483] : memref<1x8xf32, #tpu.memory_space<vmem>>, vector<1x8xf32>
    %add3A_1485 = vector.broadcast %get3A_1484 : vector<1x8xf32> to vector<400x8xf32>
    %add3A_1486 = arith.addf %dot_general3A_1481, %add3A_1485 : vector<400x8xf32>
    %max3A_1487 = arith.constant 0.000000e+00 : f32
    %max3A_1488 = vector.broadcast %max3A_1487 : f32 to vector<400x8xf32>
    %max3A_1489 = arith.maximumf %add3A_1486, %max3A_1488 : vector<400x8xf32>
    %get3A_1490 = arith.constant 0 : index
    %get3A_1491 = arith.constant 0 : index
    %get3A_1492 = vector.load %arg19[%get3A_1490, %get3A_1491] : memref<8x1xf32, #tpu.memory_space<vmem>>, vector<8x1xf32>
    %dot_general3A_1493 = arith.constant dense<0.000000e+00> : vector<400x1xf32>
    %dot_general3A_1494 = tpu.matmul %max3A_1489, %get3A_1492, %dot_general3A_1493 {dimension_numbers = #tpu.dot_dimension_numbers<[1], [0], [0], [1], [0, 0, 1, 1], [], []>, precision = #tpu.contract_precision<fp32>, transpose_lhs_hint = false} : vector<400x8xf32>, vector<8x1xf32>, vector<400x1xf32> -> vector<400x1xf32>
    %get3A_1495 = arith.constant 0 : index
    %get3A_1496 = arith.constant 0 : index
    %get3A_1497 = vector.load %arg20[%get3A_1495, %get3A_1496] : memref<1x1xf32, #tpu.memory_space<vmem>>, vector<1x1xf32>
    %add3A_1498 = vector.broadcast %get3A_1497 : vector<1x1xf32> to vector<400x1xf32>
    %add3A_1499 = arith.addf %dot_general3A_1494, %add3A_1498 : vector<400x1xf32>
    %get3A_1500 = arith.constant 0 : index
    %get3A_1501 = arith.constant 0 : index
    %get3A_1502 = vector.load %arg15[%get3A_1500, %get3A_1501] : memref<1x16xf32, #tpu.memory_space<vmem>>, vector<1x16xf32>
    %mul3A_1503 = arith.constant 4.100000e+01 : f32
    %mul3A_1504 = vector.broadcast %mul3A_1503 : f32 to vector<1x16xf32>
    %mul3A_1505 = arith.mulf %mul3A_1504, %get3A_1502 : vector<1x16xf32>
    %add3A_1506 = vector.broadcast %mul3A_1505 : vector<1x16xf32> to vector<400x16xf32>
    %add3A_1507 = arith.addf %add3A_106, %add3A_1506 : vector<400x16xf32>
    %max3A_1508 = arith.constant 0.000000e+00 : f32
    %max3A_1509 = vector.broadcast %max3A_1508 : f32 to vector<400x16xf32>
    %max3A_1510 = arith.maximumf %add3A_1507, %max3A_1509 : vector<400x16xf32>
    %get3A_1511 = arith.constant 0 : index
    %get3A_1512 = arith.constant 0 : index
    %get3A_1513 = vector.load %arg17[%get3A_1511, %get3A_1512] : memref<16x8xf32, #tpu.memory_space<vmem>>, vector<16x8xf32>
    %dot_general3A_1514 = arith.constant dense<0.000000e+00> : vector<400x8xf32>
    %dot_general3A_1515 = tpu.matmul %max3A_1510, %get3A_1513, %dot_general3A_1514 {dimension_numbers = #tpu.dot_dimension_numbers<[1], [0], [0], [1], [0, 0, 1, 1], [], []>, precision = #tpu.contract_precision<fp32>, transpose_lhs_hint = false} : vector<400x16xf32>, vector<16x8xf32>, vector<400x8xf32> -> vector<400x8xf32>
    %get3A_1516 = arith.constant 0 : index
    %get3A_1517 = arith.constant 0 : index
    %get3A_1518 = vector.load %arg18[%get3A_1516, %get3A_1517] : memref<1x8xf32, #tpu.memory_space<vmem>>, vector<1x8xf32>
    %add3A_1519 = vector.broadcast %get3A_1518 : vector<1x8xf32> to vector<400x8xf32>
    %add3A_1520 = arith.addf %dot_general3A_1515, %add3A_1519 : vector<400x8xf32>
    %max3A_1521 = arith.constant 0.000000e+00 : f32
    %max3A_1522 = vector.broadcast %max3A_1521 : f32 to vector<400x8xf32>
    %max3A_1523 = arith.maximumf %add3A_1520, %max3A_1522 : vector<400x8xf32>
    %get3A_1524 = arith.constant 0 : index
    %get3A_1525 = arith.constant 0 : index
    %get3A_1526 = vector.load %arg19[%get3A_1524, %get3A_1525] : memref<8x1xf32, #tpu.memory_space<vmem>>, vector<8x1xf32>
    %dot_general3A_1527 = arith.constant dense<0.000000e+00> : vector<400x1xf32>
    %dot_general3A_1528 = tpu.matmul %max3A_1523, %get3A_1526, %dot_general3A_1527 {dimension_numbers = #tpu.dot_dimension_numbers<[1], [0], [0], [1], [0, 0, 1, 1], [], []>, precision = #tpu.contract_precision<fp32>, transpose_lhs_hint = false} : vector<400x8xf32>, vector<8x1xf32>, vector<400x1xf32> -> vector<400x1xf32>
    %get3A_1529 = arith.constant 0 : index
    %get3A_1530 = arith.constant 0 : index
    %get3A_1531 = vector.load %arg20[%get3A_1529, %get3A_1530] : memref<1x1xf32, #tpu.memory_space<vmem>>, vector<1x1xf32>
    %add3A_1532 = vector.broadcast %get3A_1531 : vector<1x1xf32> to vector<400x1xf32>
    %add3A_1533 = arith.addf %dot_general3A_1528, %add3A_1532 : vector<400x1xf32>
    %get3A_1534 = arith.constant 0 : index
    %get3A_1535 = arith.constant 0 : index
    %get3A_1536 = vector.load %arg15[%get3A_1534, %get3A_1535] : memref<1x16xf32, #tpu.memory_space<vmem>>, vector<1x16xf32>
    %mul3A_1537 = arith.constant 4.200000e+01 : f32
    %mul3A_1538 = vector.broadcast %mul3A_1537 : f32 to vector<1x16xf32>
    %mul3A_1539 = arith.mulf %mul3A_1538, %get3A_1536 : vector<1x16xf32>
    %add3A_1540 = vector.broadcast %mul3A_1539 : vector<1x16xf32> to vector<400x16xf32>
    %add3A_1541 = arith.addf %add3A_106, %add3A_1540 : vector<400x16xf32>
    %max3A_1542 = arith.constant 0.000000e+00 : f32
    %max3A_1543 = vector.broadcast %max3A_1542 : f32 to vector<400x16xf32>
    %max3A_1544 = arith.maximumf %add3A_1541, %max3A_1543 : vector<400x16xf32>
    %get3A_1545 = arith.constant 0 : index
    %get3A_1546 = arith.constant 0 : index
    %get3A_1547 = vector.load %arg17[%get3A_1545, %get3A_1546] : memref<16x8xf32, #tpu.memory_space<vmem>>, vector<16x8xf32>
    %dot_general3A_1548 = arith.constant dense<0.000000e+00> : vector<400x8xf32>
    %dot_general3A_1549 = tpu.matmul %max3A_1544, %get3A_1547, %dot_general3A_1548 {dimension_numbers = #tpu.dot_dimension_numbers<[1], [0], [0], [1], [0, 0, 1, 1], [], []>, precision = #tpu.contract_precision<fp32>, transpose_lhs_hint = false} : vector<400x16xf32>, vector<16x8xf32>, vector<400x8xf32> -> vector<400x8xf32>
    %get3A_1550 = arith.constant 0 : index
    %get3A_1551 = arith.constant 0 : index
    %get3A_1552 = vector.load %arg18[%get3A_1550, %get3A_1551] : memref<1x8xf32, #tpu.memory_space<vmem>>, vector<1x8xf32>
    %add3A_1553 = vector.broadcast %get3A_1552 : vector<1x8xf32> to vector<400x8xf32>
    %add3A_1554 = arith.addf %dot_general3A_1549, %add3A_1553 : vector<400x8xf32>
    %max3A_1555 = arith.constant 0.000000e+00 : f32
    %max3A_1556 = vector.broadcast %max3A_1555 : f32 to vector<400x8xf32>
    %max3A_1557 = arith.maximumf %add3A_1554, %max3A_1556 : vector<400x8xf32>
    %get3A_1558 = arith.constant 0 : index
    %get3A_1559 = arith.constant 0 : index
    %get3A_1560 = vector.load %arg19[%get3A_1558, %get3A_1559] : memref<8x1xf32, #tpu.memory_space<vmem>>, vector<8x1xf32>
    %dot_general3A_1561 = arith.constant dense<0.000000e+00> : vector<400x1xf32>
    %dot_general3A_1562 = tpu.matmul %max3A_1557, %get3A_1560, %dot_general3A_1561 {dimension_numbers = #tpu.dot_dimension_numbers<[1], [0], [0], [1], [0, 0, 1, 1], [], []>, precision = #tpu.contract_precision<fp32>, transpose_lhs_hint = false} : vector<400x8xf32>, vector<8x1xf32>, vector<400x1xf32> -> vector<400x1xf32>
    %get3A_1563 = arith.constant 0 : index
    %get3A_1564 = arith.constant 0 : index
    %get3A_1565 = vector.load %arg20[%get3A_1563, %get3A_1564] : memref<1x1xf32, #tpu.memory_space<vmem>>, vector<1x1xf32>
    %add3A_1566 = vector.broadcast %get3A_1565 : vector<1x1xf32> to vector<400x1xf32>
    %add3A_1567 = arith.addf %dot_general3A_1562, %add3A_1566 : vector<400x1xf32>
    %get3A_1568 = arith.constant 0 : index
    %get3A_1569 = arith.constant 0 : index
    %get3A_1570 = vector.load %arg15[%get3A_1568, %get3A_1569] : memref<1x16xf32, #tpu.memory_space<vmem>>, vector<1x16xf32>
    %mul3A_1571 = arith.constant 4.300000e+01 : f32
    %mul3A_1572 = vector.broadcast %mul3A_1571 : f32 to vector<1x16xf32>
    %mul3A_1573 = arith.mulf %mul3A_1572, %get3A_1570 : vector<1x16xf32>
    %add3A_1574 = vector.broadcast %mul3A_1573 : vector<1x16xf32> to vector<400x16xf32>
    %add3A_1575 = arith.addf %add3A_106, %add3A_1574 : vector<400x16xf32>
    %max3A_1576 = arith.constant 0.000000e+00 : f32
    %max3A_1577 = vector.broadcast %max3A_1576 : f32 to vector<400x16xf32>
    %max3A_1578 = arith.maximumf %add3A_1575, %max3A_1577 : vector<400x16xf32>
    %get3A_1579 = arith.constant 0 : index
    %get3A_1580 = arith.constant 0 : index
    %get3A_1581 = vector.load %arg17[%get3A_1579, %get3A_1580] : memref<16x8xf32, #tpu.memory_space<vmem>>, vector<16x8xf32>
    %dot_general3A_1582 = arith.constant dense<0.000000e+00> : vector<400x8xf32>
    %dot_general3A_1583 = tpu.matmul %max3A_1578, %get3A_1581, %dot_general3A_1582 {dimension_numbers = #tpu.dot_dimension_numbers<[1], [0], [0], [1], [0, 0, 1, 1], [], []>, precision = #tpu.contract_precision<fp32>, transpose_lhs_hint = false} : vector<400x16xf32>, vector<16x8xf32>, vector<400x8xf32> -> vector<400x8xf32>
    %get3A_1584 = arith.constant 0 : index
    %get3A_1585 = arith.constant 0 : index
    %get3A_1586 = vector.load %arg18[%get3A_1584, %get3A_1585] : memref<1x8xf32, #tpu.memory_space<vmem>>, vector<1x8xf32>
    %add3A_1587 = vector.broadcast %get3A_1586 : vector<1x8xf32> to vector<400x8xf32>
    %add3A_1588 = arith.addf %dot_general3A_1583, %add3A_1587 : vector<400x8xf32>
    %max3A_1589 = arith.constant 0.000000e+00 : f32
    %max3A_1590 = vector.broadcast %max3A_1589 : f32 to vector<400x8xf32>
    %max3A_1591 = arith.maximumf %add3A_1588, %max3A_1590 : vector<400x8xf32>
    %get3A_1592 = arith.constant 0 : index
    %get3A_1593 = arith.constant 0 : index
    %get3A_1594 = vector.load %arg19[%get3A_1592, %get3A_1593] : memref<8x1xf32, #tpu.memory_space<vmem>>, vector<8x1xf32>
    %dot_general3A_1595 = arith.constant dense<0.000000e+00> : vector<400x1xf32>
    %dot_general3A_1596 = tpu.matmul %max3A_1591, %get3A_1594, %dot_general3A_1595 {dimension_numbers = #tpu.dot_dimension_numbers<[1], [0], [0], [1], [0, 0, 1, 1], [], []>, precision = #tpu.contract_precision<fp32>, transpose_lhs_hint = false} : vector<400x8xf32>, vector<8x1xf32>, vector<400x1xf32> -> vector<400x1xf32>
    %get3A_1597 = arith.constant 0 : index
    %get3A_1598 = arith.constant 0 : index
    %get3A_1599 = vector.load %arg20[%get3A_1597, %get3A_1598] : memref<1x1xf32, #tpu.memory_space<vmem>>, vector<1x1xf32>
    %add3A_1600 = vector.broadcast %get3A_1599 : vector<1x1xf32> to vector<400x1xf32>
    %add3A_1601 = arith.addf %dot_general3A_1596, %add3A_1600 : vector<400x1xf32>
    %get3A_1602 = arith.constant 0 : index
    %get3A_1603 = arith.constant 0 : index
    %get3A_1604 = vector.load %arg15[%get3A_1602, %get3A_1603] : memref<1x16xf32, #tpu.memory_space<vmem>>, vector<1x16xf32>
    %mul3A_1605 = arith.constant 4.400000e+01 : f32
    %mul3A_1606 = vector.broadcast %mul3A_1605 : f32 to vector<1x16xf32>
    %mul3A_1607 = arith.mulf %mul3A_1606, %get3A_1604 : vector<1x16xf32>
    %add3A_1608 = vector.broadcast %mul3A_1607 : vector<1x16xf32> to vector<400x16xf32>
    %add3A_1609 = arith.addf %add3A_106, %add3A_1608 : vector<400x16xf32>
    %max3A_1610 = arith.constant 0.000000e+00 : f32
    %max3A_1611 = vector.broadcast %max3A_1610 : f32 to vector<400x16xf32>
    %max3A_1612 = arith.maximumf %add3A_1609, %max3A_1611 : vector<400x16xf32>
    %get3A_1613 = arith.constant 0 : index
    %get3A_1614 = arith.constant 0 : index
    %get3A_1615 = vector.load %arg17[%get3A_1613, %get3A_1614] : memref<16x8xf32, #tpu.memory_space<vmem>>, vector<16x8xf32>
    %dot_general3A_1616 = arith.constant dense<0.000000e+00> : vector<400x8xf32>
    %dot_general3A_1617 = tpu.matmul %max3A_1612, %get3A_1615, %dot_general3A_1616 {dimension_numbers = #tpu.dot_dimension_numbers<[1], [0], [0], [1], [0, 0, 1, 1], [], []>, precision = #tpu.contract_precision<fp32>, transpose_lhs_hint = false} : vector<400x16xf32>, vector<16x8xf32>, vector<400x8xf32> -> vector<400x8xf32>
    %get3A_1618 = arith.constant 0 : index
    %get3A_1619 = arith.constant 0 : index
    %get3A_1620 = vector.load %arg18[%get3A_1618, %get3A_1619] : memref<1x8xf32, #tpu.memory_space<vmem>>, vector<1x8xf32>
    %add3A_1621 = vector.broadcast %get3A_1620 : vector<1x8xf32> to vector<400x8xf32>
    %add3A_1622 = arith.addf %dot_general3A_1617, %add3A_1621 : vector<400x8xf32>
    %max3A_1623 = arith.constant 0.000000e+00 : f32
    %max3A_1624 = vector.broadcast %max3A_1623 : f32 to vector<400x8xf32>
    %max3A_1625 = arith.maximumf %add3A_1622, %max3A_1624 : vector<400x8xf32>
    %get3A_1626 = arith.constant 0 : index
    %get3A_1627 = arith.constant 0 : index
    %get3A_1628 = vector.load %arg19[%get3A_1626, %get3A_1627] : memref<8x1xf32, #tpu.memory_space<vmem>>, vector<8x1xf32>
    %dot_general3A_1629 = arith.constant dense<0.000000e+00> : vector<400x1xf32>
    %dot_general3A_1630 = tpu.matmul %max3A_1625, %get3A_1628, %dot_general3A_1629 {dimension_numbers = #tpu.dot_dimension_numbers<[1], [0], [0], [1], [0, 0, 1, 1], [], []>, precision = #tpu.contract_precision<fp32>, transpose_lhs_hint = false} : vector<400x8xf32>, vector<8x1xf32>, vector<400x1xf32> -> vector<400x1xf32>
    %get3A_1631 = arith.constant 0 : index
    %get3A_1632 = arith.constant 0 : index
    %get3A_1633 = vector.load %arg20[%get3A_1631, %get3A_1632] : memref<1x1xf32, #tpu.memory_space<vmem>>, vector<1x1xf32>
    %add3A_1634 = vector.broadcast %get3A_1633 : vector<1x1xf32> to vector<400x1xf32>
    %add3A_1635 = arith.addf %dot_general3A_1630, %add3A_1634 : vector<400x1xf32>
    %get3A_1636 = arith.constant 0 : index
    %get3A_1637 = arith.constant 0 : index
    %get3A_1638 = vector.load %arg15[%get3A_1636, %get3A_1637] : memref<1x16xf32, #tpu.memory_space<vmem>>, vector<1x16xf32>
    %mul3A_1639 = arith.constant 4.500000e+01 : f32
    %mul3A_1640 = vector.broadcast %mul3A_1639 : f32 to vector<1x16xf32>
    %mul3A_1641 = arith.mulf %mul3A_1640, %get3A_1638 : vector<1x16xf32>
    %add3A_1642 = vector.broadcast %mul3A_1641 : vector<1x16xf32> to vector<400x16xf32>
    %add3A_1643 = arith.addf %add3A_106, %add3A_1642 : vector<400x16xf32>
    %max3A_1644 = arith.constant 0.000000e+00 : f32
    %max3A_1645 = vector.broadcast %max3A_1644 : f32 to vector<400x16xf32>
    %max3A_1646 = arith.maximumf %add3A_1643, %max3A_1645 : vector<400x16xf32>
    %get3A_1647 = arith.constant 0 : index
    %get3A_1648 = arith.constant 0 : index
    %get3A_1649 = vector.load %arg17[%get3A_1647, %get3A_1648] : memref<16x8xf32, #tpu.memory_space<vmem>>, vector<16x8xf32>
    %dot_general3A_1650 = arith.constant dense<0.000000e+00> : vector<400x8xf32>
    %dot_general3A_1651 = tpu.matmul %max3A_1646, %get3A_1649, %dot_general3A_1650 {dimension_numbers = #tpu.dot_dimension_numbers<[1], [0], [0], [1], [0, 0, 1, 1], [], []>, precision = #tpu.contract_precision<fp32>, transpose_lhs_hint = false} : vector<400x16xf32>, vector<16x8xf32>, vector<400x8xf32> -> vector<400x8xf32>
    %get3A_1652 = arith.constant 0 : index
    %get3A_1653 = arith.constant 0 : index
    %get3A_1654 = vector.load %arg18[%get3A_1652, %get3A_1653] : memref<1x8xf32, #tpu.memory_space<vmem>>, vector<1x8xf32>
    %add3A_1655 = vector.broadcast %get3A_1654 : vector<1x8xf32> to vector<400x8xf32>
    %add3A_1656 = arith.addf %dot_general3A_1651, %add3A_1655 : vector<400x8xf32>
    %max3A_1657 = arith.constant 0.000000e+00 : f32
    %max3A_1658 = vector.broadcast %max3A_1657 : f32 to vector<400x8xf32>
    %max3A_1659 = arith.maximumf %add3A_1656, %max3A_1658 : vector<400x8xf32>
    %get3A_1660 = arith.constant 0 : index
    %get3A_1661 = arith.constant 0 : index
    %get3A_1662 = vector.load %arg19[%get3A_1660, %get3A_1661] : memref<8x1xf32, #tpu.memory_space<vmem>>, vector<8x1xf32>
    %dot_general3A_1663 = arith.constant dense<0.000000e+00> : vector<400x1xf32>
    %dot_general3A_1664 = tpu.matmul %max3A_1659, %get3A_1662, %dot_general3A_1663 {dimension_numbers = #tpu.dot_dimension_numbers<[1], [0], [0], [1], [0, 0, 1, 1], [], []>, precision = #tpu.contract_precision<fp32>, transpose_lhs_hint = false} : vector<400x8xf32>, vector<8x1xf32>, vector<400x1xf32> -> vector<400x1xf32>
    %get3A_1665 = arith.constant 0 : index
    %get3A_1666 = arith.constant 0 : index
    %get3A_1667 = vector.load %arg20[%get3A_1665, %get3A_1666] : memref<1x1xf32, #tpu.memory_space<vmem>>, vector<1x1xf32>
    %add3A_1668 = vector.broadcast %get3A_1667 : vector<1x1xf32> to vector<400x1xf32>
    %add3A_1669 = arith.addf %dot_general3A_1664, %add3A_1668 : vector<400x1xf32>
    %get3A_1670 = arith.constant 0 : index
    %get3A_1671 = arith.constant 0 : index
    %get3A_1672 = vector.load %arg15[%get3A_1670, %get3A_1671] : memref<1x16xf32, #tpu.memory_space<vmem>>, vector<1x16xf32>
    %mul3A_1673 = arith.constant 4.600000e+01 : f32
    %mul3A_1674 = vector.broadcast %mul3A_1673 : f32 to vector<1x16xf32>
    %mul3A_1675 = arith.mulf %mul3A_1674, %get3A_1672 : vector<1x16xf32>
    %add3A_1676 = vector.broadcast %mul3A_1675 : vector<1x16xf32> to vector<400x16xf32>
    %add3A_1677 = arith.addf %add3A_106, %add3A_1676 : vector<400x16xf32>
    %max3A_1678 = arith.constant 0.000000e+00 : f32
    %max3A_1679 = vector.broadcast %max3A_1678 : f32 to vector<400x16xf32>
    %max3A_1680 = arith.maximumf %add3A_1677, %max3A_1679 : vector<400x16xf32>
    %get3A_1681 = arith.constant 0 : index
    %get3A_1682 = arith.constant 0 : index
    %get3A_1683 = vector.load %arg17[%get3A_1681, %get3A_1682] : memref<16x8xf32, #tpu.memory_space<vmem>>, vector<16x8xf32>
    %dot_general3A_1684 = arith.constant dense<0.000000e+00> : vector<400x8xf32>
    %dot_general3A_1685 = tpu.matmul %max3A_1680, %get3A_1683, %dot_general3A_1684 {dimension_numbers = #tpu.dot_dimension_numbers<[1], [0], [0], [1], [0, 0, 1, 1], [], []>, precision = #tpu.contract_precision<fp32>, transpose_lhs_hint = false} : vector<400x16xf32>, vector<16x8xf32>, vector<400x8xf32> -> vector<400x8xf32>
    %get3A_1686 = arith.constant 0 : index
    %get3A_1687 = arith.constant 0 : index
    %get3A_1688 = vector.load %arg18[%get3A_1686, %get3A_1687] : memref<1x8xf32, #tpu.memory_space<vmem>>, vector<1x8xf32>
    %add3A_1689 = vector.broadcast %get3A_1688 : vector<1x8xf32> to vector<400x8xf32>
    %add3A_1690 = arith.addf %dot_general3A_1685, %add3A_1689 : vector<400x8xf32>
    %max3A_1691 = arith.constant 0.000000e+00 : f32
    %max3A_1692 = vector.broadcast %max3A_1691 : f32 to vector<400x8xf32>
    %max3A_1693 = arith.maximumf %add3A_1690, %max3A_1692 : vector<400x8xf32>
    %get3A_1694 = arith.constant 0 : index
    %get3A_1695 = arith.constant 0 : index
    %get3A_1696 = vector.load %arg19[%get3A_1694, %get3A_1695] : memref<8x1xf32, #tpu.memory_space<vmem>>, vector<8x1xf32>
    %dot_general3A_1697 = arith.constant dense<0.000000e+00> : vector<400x1xf32>
    %dot_general3A_1698 = tpu.matmul %max3A_1693, %get3A_1696, %dot_general3A_1697 {dimension_numbers = #tpu.dot_dimension_numbers<[1], [0], [0], [1], [0, 0, 1, 1], [], []>, precision = #tpu.contract_precision<fp32>, transpose_lhs_hint = false} : vector<400x8xf32>, vector<8x1xf32>, vector<400x1xf32> -> vector<400x1xf32>
    %get3A_1699 = arith.constant 0 : index
    %get3A_1700 = arith.constant 0 : index
    %get3A_1701 = vector.load %arg20[%get3A_1699, %get3A_1700] : memref<1x1xf32, #tpu.memory_space<vmem>>, vector<1x1xf32>
    %add3A_1702 = vector.broadcast %get3A_1701 : vector<1x1xf32> to vector<400x1xf32>
    %add3A_1703 = arith.addf %dot_general3A_1698, %add3A_1702 : vector<400x1xf32>
    %get3A_1704 = arith.constant 0 : index
    %get3A_1705 = arith.constant 0 : index
    %get3A_1706 = vector.load %arg15[%get3A_1704, %get3A_1705] : memref<1x16xf32, #tpu.memory_space<vmem>>, vector<1x16xf32>
    %mul3A_1707 = arith.constant 4.700000e+01 : f32
    %mul3A_1708 = vector.broadcast %mul3A_1707 : f32 to vector<1x16xf32>
    %mul3A_1709 = arith.mulf %mul3A_1708, %get3A_1706 : vector<1x16xf32>
    %add3A_1710 = vector.broadcast %mul3A_1709 : vector<1x16xf32> to vector<400x16xf32>
    %add3A_1711 = arith.addf %add3A_106, %add3A_1710 : vector<400x16xf32>
    %max3A_1712 = arith.constant 0.000000e+00 : f32
    %max3A_1713 = vector.broadcast %max3A_1712 : f32 to vector<400x16xf32>
    %max3A_1714 = arith.maximumf %add3A_1711, %max3A_1713 : vector<400x16xf32>
    %get3A_1715 = arith.constant 0 : index
    %get3A_1716 = arith.constant 0 : index
    %get3A_1717 = vector.load %arg17[%get3A_1715, %get3A_1716] : memref<16x8xf32, #tpu.memory_space<vmem>>, vector<16x8xf32>
    %dot_general3A_1718 = arith.constant dense<0.000000e+00> : vector<400x8xf32>
    %dot_general3A_1719 = tpu.matmul %max3A_1714, %get3A_1717, %dot_general3A_1718 {dimension_numbers = #tpu.dot_dimension_numbers<[1], [0], [0], [1], [0, 0, 1, 1], [], []>, precision = #tpu.contract_precision<fp32>, transpose_lhs_hint = false} : vector<400x16xf32>, vector<16x8xf32>, vector<400x8xf32> -> vector<400x8xf32>
    %get3A_1720 = arith.constant 0 : index
    %get3A_1721 = arith.constant 0 : index
    %get3A_1722 = vector.load %arg18[%get3A_1720, %get3A_1721] : memref<1x8xf32, #tpu.memory_space<vmem>>, vector<1x8xf32>
    %add3A_1723 = vector.broadcast %get3A_1722 : vector<1x8xf32> to vector<400x8xf32>
    %add3A_1724 = arith.addf %dot_general3A_1719, %add3A_1723 : vector<400x8xf32>
    %max3A_1725 = arith.constant 0.000000e+00 : f32
    %max3A_1726 = vector.broadcast %max3A_1725 : f32 to vector<400x8xf32>
    %max3A_1727 = arith.maximumf %add3A_1724, %max3A_1726 : vector<400x8xf32>
    %get3A_1728 = arith.constant 0 : index
    %get3A_1729 = arith.constant 0 : index
    %get3A_1730 = vector.load %arg19[%get3A_1728, %get3A_1729] : memref<8x1xf32, #tpu.memory_space<vmem>>, vector<8x1xf32>
    %dot_general3A_1731 = arith.constant dense<0.000000e+00> : vector<400x1xf32>
    %dot_general3A_1732 = tpu.matmul %max3A_1727, %get3A_1730, %dot_general3A_1731 {dimension_numbers = #tpu.dot_dimension_numbers<[1], [0], [0], [1], [0, 0, 1, 1], [], []>, precision = #tpu.contract_precision<fp32>, transpose_lhs_hint = false} : vector<400x8xf32>, vector<8x1xf32>, vector<400x1xf32> -> vector<400x1xf32>
    %get3A_1733 = arith.constant 0 : index
    %get3A_1734 = arith.constant 0 : index
    %get3A_1735 = vector.load %arg20[%get3A_1733, %get3A_1734] : memref<1x1xf32, #tpu.memory_space<vmem>>, vector<1x1xf32>
    %add3A_1736 = vector.broadcast %get3A_1735 : vector<1x1xf32> to vector<400x1xf32>
    %add3A_1737 = arith.addf %dot_general3A_1732, %add3A_1736 : vector<400x1xf32>
    %get3A_1738 = arith.constant 0 : index
    %get3A_1739 = arith.constant 0 : index
    %get3A_1740 = vector.load %arg15[%get3A_1738, %get3A_1739] : memref<1x16xf32, #tpu.memory_space<vmem>>, vector<1x16xf32>
    %mul3A_1741 = arith.constant 4.800000e+01 : f32
    %mul3A_1742 = vector.broadcast %mul3A_1741 : f32 to vector<1x16xf32>
    %mul3A_1743 = arith.mulf %mul3A_1742, %get3A_1740 : vector<1x16xf32>
    %add3A_1744 = vector.broadcast %mul3A_1743 : vector<1x16xf32> to vector<400x16xf32>
    %add3A_1745 = arith.addf %add3A_106, %add3A_1744 : vector<400x16xf32>
    %max3A_1746 = arith.constant 0.000000e+00 : f32
    %max3A_1747 = vector.broadcast %max3A_1746 : f32 to vector<400x16xf32>
    %max3A_1748 = arith.maximumf %add3A_1745, %max3A_1747 : vector<400x16xf32>
    %get3A_1749 = arith.constant 0 : index
    %get3A_1750 = arith.constant 0 : index
    %get3A_1751 = vector.load %arg17[%get3A_1749, %get3A_1750] : memref<16x8xf32, #tpu.memory_space<vmem>>, vector<16x8xf32>
    %dot_general3A_1752 = arith.constant dense<0.000000e+00> : vector<400x8xf32>
    %dot_general3A_1753 = tpu.matmul %max3A_1748, %get3A_1751, %dot_general3A_1752 {dimension_numbers = #tpu.dot_dimension_numbers<[1], [0], [0], [1], [0, 0, 1, 1], [], []>, precision = #tpu.contract_precision<fp32>, transpose_lhs_hint = false} : vector<400x16xf32>, vector<16x8xf32>, vector<400x8xf32> -> vector<400x8xf32>
    %get3A_1754 = arith.constant 0 : index
    %get3A_1755 = arith.constant 0 : index
    %get3A_1756 = vector.load %arg18[%get3A_1754, %get3A_1755] : memref<1x8xf32, #tpu.memory_space<vmem>>, vector<1x8xf32>
    %add3A_1757 = vector.broadcast %get3A_1756 : vector<1x8xf32> to vector<400x8xf32>
    %add3A_1758 = arith.addf %dot_general3A_1753, %add3A_1757 : vector<400x8xf32>
    %max3A_1759 = arith.constant 0.000000e+00 : f32
    %max3A_1760 = vector.broadcast %max3A_1759 : f32 to vector<400x8xf32>
    %max3A_1761 = arith.maximumf %add3A_1758, %max3A_1760 : vector<400x8xf32>
    %get3A_1762 = arith.constant 0 : index
    %get3A_1763 = arith.constant 0 : index
    %get3A_1764 = vector.load %arg19[%get3A_1762, %get3A_1763] : memref<8x1xf32, #tpu.memory_space<vmem>>, vector<8x1xf32>
    %dot_general3A_1765 = arith.constant dense<0.000000e+00> : vector<400x1xf32>
    %dot_general3A_1766 = tpu.matmul %max3A_1761, %get3A_1764, %dot_general3A_1765 {dimension_numbers = #tpu.dot_dimension_numbers<[1], [0], [0], [1], [0, 0, 1, 1], [], []>, precision = #tpu.contract_precision<fp32>, transpose_lhs_hint = false} : vector<400x8xf32>, vector<8x1xf32>, vector<400x1xf32> -> vector<400x1xf32>
    %get3A_1767 = arith.constant 0 : index
    %get3A_1768 = arith.constant 0 : index
    %get3A_1769 = vector.load %arg20[%get3A_1767, %get3A_1768] : memref<1x1xf32, #tpu.memory_space<vmem>>, vector<1x1xf32>
    %add3A_1770 = vector.broadcast %get3A_1769 : vector<1x1xf32> to vector<400x1xf32>
    %add3A_1771 = arith.addf %dot_general3A_1766, %add3A_1770 : vector<400x1xf32>
    %get3A_1772 = arith.constant 0 : index
    %get3A_1773 = arith.constant 0 : index
    %get3A_1774 = vector.load %arg15[%get3A_1772, %get3A_1773] : memref<1x16xf32, #tpu.memory_space<vmem>>, vector<1x16xf32>
    %mul3A_1775 = arith.constant 4.900000e+01 : f32
    %mul3A_1776 = vector.broadcast %mul3A_1775 : f32 to vector<1x16xf32>
    %mul3A_1777 = arith.mulf %mul3A_1776, %get3A_1774 : vector<1x16xf32>
    %add3A_1778 = vector.broadcast %mul3A_1777 : vector<1x16xf32> to vector<400x16xf32>
    %add3A_1779 = arith.addf %add3A_106, %add3A_1778 : vector<400x16xf32>
    %max3A_1780 = arith.constant 0.000000e+00 : f32
    %max3A_1781 = vector.broadcast %max3A_1780 : f32 to vector<400x16xf32>
    %max3A_1782 = arith.maximumf %add3A_1779, %max3A_1781 : vector<400x16xf32>
    %get3A_1783 = arith.constant 0 : index
    %get3A_1784 = arith.constant 0 : index
    %get3A_1785 = vector.load %arg17[%get3A_1783, %get3A_1784] : memref<16x8xf32, #tpu.memory_space<vmem>>, vector<16x8xf32>
    %dot_general3A_1786 = arith.constant dense<0.000000e+00> : vector<400x8xf32>
    %dot_general3A_1787 = tpu.matmul %max3A_1782, %get3A_1785, %dot_general3A_1786 {dimension_numbers = #tpu.dot_dimension_numbers<[1], [0], [0], [1], [0, 0, 1, 1], [], []>, precision = #tpu.contract_precision<fp32>, transpose_lhs_hint = false} : vector<400x16xf32>, vector<16x8xf32>, vector<400x8xf32> -> vector<400x8xf32>
    %get3A_1788 = arith.constant 0 : index
    %get3A_1789 = arith.constant 0 : index
    %get3A_1790 = vector.load %arg18[%get3A_1788, %get3A_1789] : memref<1x8xf32, #tpu.memory_space<vmem>>, vector<1x8xf32>
    %add3A_1791 = vector.broadcast %get3A_1790 : vector<1x8xf32> to vector<400x8xf32>
    %add3A_1792 = arith.addf %dot_general3A_1787, %add3A_1791 : vector<400x8xf32>
    %max3A_1793 = arith.constant 0.000000e+00 : f32
    %max3A_1794 = vector.broadcast %max3A_1793 : f32 to vector<400x8xf32>
    %max3A_1795 = arith.maximumf %add3A_1792, %max3A_1794 : vector<400x8xf32>
    %get3A_1796 = arith.constant 0 : index
    %get3A_1797 = arith.constant 0 : index
    %get3A_1798 = vector.load %arg19[%get3A_1796, %get3A_1797] : memref<8x1xf32, #tpu.memory_space<vmem>>, vector<8x1xf32>
    %dot_general3A_1799 = arith.constant dense<0.000000e+00> : vector<400x1xf32>
    %dot_general3A_1800 = tpu.matmul %max3A_1795, %get3A_1798, %dot_general3A_1799 {dimension_numbers = #tpu.dot_dimension_numbers<[1], [0], [0], [1], [0, 0, 1, 1], [], []>, precision = #tpu.contract_precision<fp32>, transpose_lhs_hint = false} : vector<400x8xf32>, vector<8x1xf32>, vector<400x1xf32> -> vector<400x1xf32>
    %get3A_1801 = arith.constant 0 : index
    %get3A_1802 = arith.constant 0 : index
    %get3A_1803 = vector.load %arg20[%get3A_1801, %get3A_1802] : memref<1x1xf32, #tpu.memory_space<vmem>>, vector<1x1xf32>
    %add3A_1804 = vector.broadcast %get3A_1803 : vector<1x1xf32> to vector<400x1xf32>
    %add3A_1805 = arith.addf %dot_general3A_1800, %add3A_1804 : vector<400x1xf32>
    %concatenate3A = tpu.concatenate %add3A_139, %add3A_173, %add3A_207, %add3A_241, %add3A_275, %add3A_309, %add3A_343, %add3A_377, %add3A_411, %add3A_445, %add3A_479, %add3A_513, %add3A_547, %add3A_581, %add3A_615, %add3A_649, %add3A_683, %add3A_717, %add3A_751, %add3A_785, %add3A_819, %add3A_853, %add3A_887, %add3A_921, %add3A_955, %add3A_989, %add3A_1023, %add3A_1057, %add3A_1091, %add3A_1125, %add3A_1159, %add3A_1193, %add3A_1227, %add3A_1261, %add3A_1295, %add3A_1329, %add3A_1363, %add3A_1397, %add3A_1431, %add3A_1465, %add3A_1499, %add3A_1533, %add3A_1567, %add3A_1601, %add3A_1635, %add3A_1669, %add3A_1703, %add3A_1737, %add3A_1771, %add3A_1805 in 1 : vector<400x1xf32>, vector<400x1xf32>, vector<400x1xf32>, vector<400x1xf32>, vector<400x1xf32>, vector<400x1xf32>, vector<400x1xf32>, vector<400x1xf32>, vector<400x1xf32>, vector<400x1xf32>, vector<400x1xf32>, vector<400x1xf32>, vector<400x1xf32>, vector<400x1xf32>, vector<400x1xf32>, vector<400x1xf32>, vector<400x1xf32>, vector<400x1xf32>, vector<400x1xf32>, vector<400x1xf32>, vector<400x1xf32>, vector<400x1xf32>, vector<400x1xf32>, vector<400x1xf32>, vector<400x1xf32>, vector<400x1xf32>, vector<400x1xf32>, vector<400x1xf32>, vector<400x1xf32>, vector<400x1xf32>, vector<400x1xf32>, vector<400x1xf32>, vector<400x1xf32>, vector<400x1xf32>, vector<400x1xf32>, vector<400x1xf32>, vector<400x1xf32>, vector<400x1xf32>, vector<400x1xf32>, vector<400x1xf32>, vector<400x1xf32>, vector<400x1xf32>, vector<400x1xf32>, vector<400x1xf32>, vector<400x1xf32>, vector<400x1xf32>, vector<400x1xf32>, vector<400x1xf32>, vector<400x1xf32>, vector<400x1xf32> -> vector<400x50xf32>
    %swap3A_1806 = arith.constant 0 : index
    %swap3A_1807 = arith.constant 0 : index
    %swap3A_1808 = vector.load %arg22[%swap3A_1806, %swap3A_1807] : memref<400x50xf32, #tpu.memory_space<vmem>>, vector<400x50xf32>
    tpu.vector_store %arg22[%swap3A_1806, %swap3A_1807], %concatenate3A {strides = array<i32>} : memref<400x50xf32, #tpu.memory_space<vmem>>, vector<400x50xf32>,
    return
  }
  func.func @transform_0(%arg0: i32) -> (i32, i32) {
    %c0_i32 = arith.constant 0 : i32
    %c0_i32_0 = arith.constant 0 : i32
    %c0_i32_1 = arith.constant 0 : i32
    return %c0_i32, %c0_i32_0 : i32, i32
  }
  func.func @transform_1(%arg0: i32) -> (i32, i32) {
    %c0_i32 = arith.constant 0 : i32
    %c0_i32_0 = arith.constant 0 : i32
    %c0_i32_1 = arith.constant 0 : i32
    return %c0_i32, %c0_i32_0 : i32, i32
  }
  func.func @transform_2(%arg0: i32) -> (i32, i32) {
    %c0_i32 = arith.constant 0 : i32
    %c0_i32_0 = arith.constant 0 : i32
    %c0_i32_1 = arith.constant 0 : i32
    return %c0_i32, %c0_i32_0 : i32, i32
  }
  func.func @transform_3(%arg0: i32) -> (i32, i32) {
    %c0_i32 = arith.constant 0 : i32
    %c0_i32_0 = arith.constant 0 : i32
    %c0_i32_1 = arith.constant 0 : i32
    return %c0_i32, %c0_i32_0 : i32, i32
  }
  func.func @transform_4(%arg0: i32) -> (i32, i32) {
    %c0_i32 = arith.constant 0 : i32
    %c0_i32_0 = arith.constant 0 : i32
    %c0_i32_1 = arith.constant 0 : i32
    return %c0_i32, %c0_i32_0 : i32, i32
  }
  func.func @transform_5(%arg0: i32) -> (i32, i32) {
    %c0_i32 = arith.constant 0 : i32
    %c0_i32_0 = arith.constant 0 : i32
    %c0_i32_1 = arith.constant 0 : i32
    return %c0_i32, %c0_i32_0 : i32, i32
  }
  func.func @transform_6(%arg0: i32) -> (i32, i32) {
    %c0_i32 = arith.constant 0 : i32
    %c0_i32_0 = arith.constant 0 : i32
    %c0_i32_1 = arith.constant 0 : i32
    return %c0_i32, %c0_i32_0 : i32, i32
  }
  func.func @transform_7(%arg0: i32) -> (i32, i32) {
    %c0_i32 = arith.constant 0 : i32
    %c0_i32_0 = arith.constant 0 : i32
    %c0_i32_1 = arith.constant 0 : i32
    return %c0_i32, %c0_i32_0 : i32, i32
  }
  func.func @transform_8(%arg0: i32) -> (i32, i32) {
    %c0_i32 = arith.constant 0 : i32
    %c0_i32_0 = arith.constant 0 : i32
    %c0_i32_1 = arith.constant 0 : i32
    return %c0_i32, %c0_i32_0 : i32, i32
  }
  func.func @transform_9(%arg0: i32) -> (i32, i32) {
    %c0_i32 = arith.constant 0 : i32
    %c0_i32_0 = arith.constant 0 : i32
    %c0_i32_1 = arith.constant 0 : i32
    return %c0_i32, %c0_i32_0 : i32, i32
  }
  func.func @transform_10(%arg0: i32) -> (i32, i32) {
    %c0_i32 = arith.constant 0 : i32
    %c0_i32_0 = arith.constant 0 : i32
    %c0_i32_1 = arith.constant 0 : i32
    return %c0_i32, %c0_i32_0 : i32, i32
  }
  func.func @transform_11(%arg0: i32) -> (i32, i32) {
    %c0_i32 = arith.constant 0 : i32
    %c0_i32_0 = arith.constant 0 : i32
    %c0_i32_1 = arith.constant 0 : i32
    return %c0_i32, %c0_i32_0 : i32, i32
  }
  func.func @transform_12(%arg0: i32) -> (i32, i32) {
    %c0_i32 = arith.constant 0 : i32
    %c0_i32_0 = arith.constant 0 : i32
    %c0_i32_1 = arith.constant 0 : i32
    return %c0_i32, %c0_i32_0 : i32, i32
  }
  func.func @transform_13(%arg0: i32) -> (i32, i32) {
    %c0_i32 = arith.constant 0 : i32
    %c0_i32_0 = arith.constant 0 : i32
    %c0_i32_1 = arith.constant 0 : i32
    return %c0_i32, %c0_i32_0 : i32, i32
  }
  func.func @transform_14(%arg0: i32) -> (i32, i32) {
    %c0_i32 = arith.constant 0 : i32
    %c0_i32_0 = arith.constant 0 : i32
    %c0_i32_1 = arith.constant 0 : i32
    return %c0_i32, %c0_i32_0 : i32, i32
  }
  func.func @transform_15(%arg0: i32) -> (i32, i32) {
    %c0_i32 = arith.constant 0 : i32
    %c0_i32_0 = arith.constant 0 : i32
    %c0_i32_1 = arith.constant 0 : i32
    return %c0_i32, %c0_i32_0 : i32, i32
  }
  func.func @transform_16(%arg0: i32) -> (i32, i32) {
    %c0_i32 = arith.constant 0 : i32
    %c0_i32_0 = arith.constant 0 : i32
    %c0_i32_1 = arith.constant 0 : i32
    return %c0_i32, %c0_i32_0 : i32, i32
  }
  func.func @transform_17(%arg0: i32) -> (i32, i32) {
    %c0_i32 = arith.constant 0 : i32
    %c0_i32_0 = arith.constant 0 : i32
    %c0_i32_1 = arith.constant 0 : i32
    return %c0_i32, %c0_i32_0 : i32, i32
  }
  func.func @transform_18(%arg0: i32) -> (i32, i32) {
    %c0_i32 = arith.constant 0 : i32
    %c0_i32_0 = arith.constant 0 : i32
    %c0_i32_1 = arith.constant 0 : i32
    return %c0_i32, %c0_i32_0 : i32, i32
  }
  func.func @transform_19(%arg0: i32) -> (i32, i32) {
    %c0_i32 = arith.constant 0 : i32
    %c0_i32_0 = arith.constant 0 : i32
    %c0_i32_1 = arith.constant 0 : i32
    return %c0_i32, %c0_i32_0 : i32, i32
  }
  func.func @transform_20(%arg0: i32) -> (i32, i32) {
    %c0_i32 = arith.constant 0 : i32
    %c0_i32_0 = arith.constant 0 : i32
    %c0_i32_1 = arith.constant 0 : i32
    return %c0_i32, %c0_i32_0 : i32, i32
  }
  func.func @transform_21(%arg0: i32) -> (i32, i32) {
    %c0_i32 = arith.constant 0 : i32
    %c0_i32_0 = arith.constant 0 : i32
    %c0_i32_1 = arith.constant 0 : i32
    return %c0_i32, %c0_i32_0 : i32, i32
  }
}

module attributes {stable_mosaic.version = 14 : i64} {
  func.func @_tc3_body(%arg0: i32, %arg1: memref<2000x16xf32, #tpu.memory_space<vmem>>, %arg2: memref<8x16xf32, #tpu.memory_space<vmem>>, %arg3: memref<16x8xf32, #tpu.memory_space<vmem>>, %arg4: memref<1x8xf32, #tpu.memory_space<vmem>>, %arg5: memref<8x1xf32, #tpu.memory_space<vmem>>, %arg6: memref<1x1xf32, #tpu.memory_space<vmem>>, %arg7: memref<2000x1xf32, #tpu.memory_space<vmem>>) attributes {dimension_semantics = [#tpu.dimension_semantics<arbitrary>], iteration_bounds = array<i64: 50>, scalar_prefetch = 0 : i64, scratch_operands = 0 : i64, tpu.core_type = #tpu.core_type<tc>, window_params = [{transform_indices = @transform_0, window_bounds = array<i64: 2000, 16>}, {transform_indices = @transform_1, window_bounds = array<i64: 8, 16>}, {pipeline_mode = #tpu.pipeline_mode<synchronous>, transform_indices = @transform_2, window_bounds = array<i64: 16, 8>}, {pipeline_mode = #tpu.pipeline_mode<synchronous>, transform_indices = @transform_3, window_bounds = array<i64: 1, 8>}, {pipeline_mode = #tpu.pipeline_mode<synchronous>, transform_indices = @transform_4, window_bounds = array<i64: 8, 1>}, {pipeline_mode = #tpu.pipeline_mode<synchronous>, transform_indices = @transform_5, window_bounds = array<i64: 1, 1>}, {transform_indices = @transform_6, window_bounds = array<i64: 2000, 1>}]} {
    %iota3A = tpu.iota {dimensions = array<i32: 0>} : vector<2000x8xi32>
    %jit3A = arith.constant 250 : i32
    %div3A = vector.broadcast %jit3A : i32 to vector<2000x8xi32>
    %div3A_0 = arith.divsi %iota3A, %div3A : vector<2000x8xi32>
    %sign3A = arith.constant 0 : i32
    %sign3A_1 = vector.broadcast %sign3A : i32 to vector<2000x8xi32>
    %sign3A_2 = arith.cmpi sgt, %iota3A, %sign3A_1 : vector<2000x8xi32>
    %sign3A_3 = arith.extui %sign3A_2 : vector<2000x8xi1> to vector<2000x8xi32>
    %sign3A_4 = arith.constant 0 : i32
    %sign3A_5 = vector.broadcast %sign3A_4 : i32 to vector<2000x8xi32>
    %sign3A_6 = arith.cmpi slt, %iota3A, %sign3A_5 : vector<2000x8xi32>
    %sign3A_7 = arith.extui %sign3A_6 : vector<2000x8xi1> to vector<2000x8xi32>
    %sign3A_8 = arith.subi %sign3A_3, %sign3A_7 : vector<2000x8xi32>
    %sign3A_9 = arith.constant 0 : i32
    %sign3A_10 = arith.cmpi sgt, %jit3A, %sign3A_9 : i32
    %sign3A_11 = arith.extui %sign3A_10 : i1 to i32
    %sign3A_12 = arith.constant 0 : i32
    %sign3A_13 = arith.cmpi slt, %jit3A, %sign3A_12 : i32
    %sign3A_14 = arith.extui %sign3A_13 : i1 to i32
    %sign3A_15 = arith.subi %sign3A_11, %sign3A_14 : i32
    %ne3A = vector.broadcast %sign3A_15 : i32 to vector<2000x8xi32>
    %ne3A_16 = arith.cmpi ne, %sign3A_8, %ne3A : vector<2000x8xi32>
    %rem3A = vector.broadcast %jit3A : i32 to vector<2000x8xi32>
    %rem3A_17 = arith.remsi %iota3A, %rem3A : vector<2000x8xi32>
    %ne3A_18 = arith.constant 0 : i32
    %ne3A_19 = vector.broadcast %ne3A_18 : i32 to vector<2000x8xi32>
    %ne3A_20 = arith.cmpi ne, %rem3A_17, %ne3A_19 : vector<2000x8xi32>
    %and3A = arith.andi %ne3A_16, %ne3A_20 : vector<2000x8xi1>
    %sub3A = arith.constant 1 : i32
    %sub3A_21 = vector.broadcast %sub3A : i32 to vector<2000x8xi32>
    %sub3A_22 = arith.subi %div3A_0, %sub3A_21 : vector<2000x8xi32>
    %select_n3A = arith.select %and3A, %sub3A_22, %div3A_0 : vector<2000x8xi1>, vector<2000x8xi32>
    %iota3A_23 = tpu.iota {dimensions = array<i32: 1>} : vector<2000x8xi32>
    %eq3A = arith.cmpi eq, %select_n3A, %iota3A_23 : vector<2000x8xi32>
    %convert_element_type3A = arith.extui %eq3A : vector<2000x8xi1> to vector<2000x8xi32>
    %convert_element_type3A_24 = arith.sitofp %convert_element_type3A : vector<2000x8xi32> to vector<2000x8xf32>
    %get3A = arith.constant 0 : index
    %get3A_25 = arith.constant 0 : index
    %get3A_26 = vector.load %arg2[%get3A, %get3A_25] : memref<8x16xf32, #tpu.memory_space<vmem>>, vector<8x16xf32>
    %dot_general3A = arith.constant dense<0.000000e+00> : vector<2000x16xf32>
    %dot_general3A_27 = tpu.matmul %convert_element_type3A_24, %get3A_26, %dot_general3A {dimension_numbers = #tpu.dot_dimension_numbers<[1], [0], [0], [1], [0, 0, 1, 1], [], []>, precision = #tpu.contract_precision<fp32>, transpose_lhs_hint = false} : vector<2000x8xf32>, vector<8x16xf32>, vector<2000x16xf32> -> vector<2000x16xf32>
    %get3A_28 = arith.constant 0 : index
    %get3A_29 = arith.constant 0 : index
    %get3A_30 = vector.load %arg1[%get3A_28, %get3A_29] : memref<2000x16xf32, #tpu.memory_space<vmem>>, vector<2000x16xf32>
    %add3A = arith.addf %get3A_30, %dot_general3A_27 : vector<2000x16xf32>
    %max3A = arith.constant 0.000000e+00 : f32
    %max3A_31 = vector.broadcast %max3A : f32 to vector<2000x16xf32>
    %max3A_32 = arith.maximumf %add3A, %max3A_31 : vector<2000x16xf32>
    %get3A_33 = arith.constant 0 : index
    %get3A_34 = arith.constant 0 : index
    %get3A_35 = vector.load %arg3[%get3A_33, %get3A_34] : memref<16x8xf32, #tpu.memory_space<vmem>>, vector<16x8xf32>
    %dot_general3A_36 = arith.constant dense<0.000000e+00> : vector<2000x8xf32>
    %dot_general3A_37 = tpu.matmul %max3A_32, %get3A_35, %dot_general3A_36 {dimension_numbers = #tpu.dot_dimension_numbers<[1], [0], [0], [1], [0, 0, 1, 1], [], []>, precision = #tpu.contract_precision<fp32>, transpose_lhs_hint = false} : vector<2000x16xf32>, vector<16x8xf32>, vector<2000x8xf32> -> vector<2000x8xf32>
    %get3A_38 = arith.constant 0 : index
    %get3A_39 = arith.constant 0 : index
    %get3A_40 = vector.load %arg4[%get3A_38, %get3A_39] : memref<1x8xf32, #tpu.memory_space<vmem>>, vector<1x8xf32>
    %add3A_41 = vector.broadcast %get3A_40 : vector<1x8xf32> to vector<2000x8xf32>
    %add3A_42 = arith.addf %dot_general3A_37, %add3A_41 : vector<2000x8xf32>
    %max3A_43 = arith.constant 0.000000e+00 : f32
    %max3A_44 = vector.broadcast %max3A_43 : f32 to vector<2000x8xf32>
    %max3A_45 = arith.maximumf %add3A_42, %max3A_44 : vector<2000x8xf32>
    %get3A_46 = arith.constant 0 : index
    %get3A_47 = arith.constant 0 : index
    %get3A_48 = vector.load %arg5[%get3A_46, %get3A_47] : memref<8x1xf32, #tpu.memory_space<vmem>>, vector<8x1xf32>
    %dot_general3A_49 = arith.constant dense<0.000000e+00> : vector<2000x1xf32>
    %dot_general3A_50 = tpu.matmul %max3A_45, %get3A_48, %dot_general3A_49 {dimension_numbers = #tpu.dot_dimension_numbers<[1], [0], [0], [1], [0, 0, 1, 1], [], []>, precision = #tpu.contract_precision<fp32>, transpose_lhs_hint = false} : vector<2000x8xf32>, vector<8x1xf32>, vector<2000x1xf32> -> vector<2000x1xf32>
    %get3A_51 = arith.constant 0 : index
    %get3A_52 = arith.constant 0 : index
    %get3A_53 = vector.load %arg6[%get3A_51, %get3A_52] : memref<1x1xf32, #tpu.memory_space<vmem>>, vector<1x1xf32>
    %add3A_54 = vector.broadcast %get3A_53 : vector<1x1xf32> to vector<2000x1xf32>
    %add3A_55 = arith.addf %dot_general3A_50, %add3A_54 : vector<2000x1xf32>
    %swap3A = arith.constant 0 : index
    %swap3A_56 = arith.constant 0 : index
    %swap3A_57 = vector.load %arg7[%swap3A, %swap3A_56] : memref<2000x1xf32, #tpu.memory_space<vmem>>, vector<2000x1xf32>
    tpu.vector_store %arg7[%swap3A, %swap3A_56], %add3A_55 {strides = array<i32>} : memref<2000x1xf32, #tpu.memory_space<vmem>>, vector<2000x1xf32>,
    return
  }
  func.func @transform_0(%arg0: i32) -> (i32, i32) {
    %c0_i32 = arith.constant 0 : i32
    %c0_i32_0 = arith.constant 0 : i32
    return %arg0, %c0_i32 : i32, i32
  }
  func.func @transform_1(%arg0: i32) -> (i32, i32) {
    %c0_i32 = arith.constant 0 : i32
    %c0_i32_0 = arith.constant 0 : i32
    return %arg0, %c0_i32 : i32, i32
  }
  func.func @transform_2(%arg0: i32) -> (i32, i32) {
    %c0_i32 = arith.constant 0 : i32
    %c0_i32_0 = arith.constant 0 : i32
    %c0_i32_1 = arith.constant 0 : i32
    return %c0_i32, %c0_i32_0 : i32, i32
  }
  func.func @transform_3(%arg0: i32) -> (i32, i32) {
    %c0_i32 = arith.constant 0 : i32
    %c0_i32_0 = arith.constant 0 : i32
    %c0_i32_1 = arith.constant 0 : i32
    return %c0_i32, %c0_i32_0 : i32, i32
  }
  func.func @transform_4(%arg0: i32) -> (i32, i32) {
    %c0_i32 = arith.constant 0 : i32
    %c0_i32_0 = arith.constant 0 : i32
    %c0_i32_1 = arith.constant 0 : i32
    return %c0_i32, %c0_i32_0 : i32, i32
  }
  func.func @transform_5(%arg0: i32) -> (i32, i32) {
    %c0_i32 = arith.constant 0 : i32
    %c0_i32_0 = arith.constant 0 : i32
    %c0_i32_1 = arith.constant 0 : i32
    return %c0_i32, %c0_i32_0 : i32, i32
  }
  func.func @transform_6(%arg0: i32) -> (i32, i32) {
    %c0_i32 = arith.constant 0 : i32
    %c0_i32_0 = arith.constant 0 : i32
    return %arg0, %c0_i32 : i32, i32
  }
}

</mosaic_0001>

<sc_bundles>
// kernel: kernel.12.cloned.1.call-start
scs
__scs_entry_jumppad:
0x0: {  	(pc) =	sbr.rel $0x88, $3  }
0x1: {  	(tag) =	ssettag $0x0;
	lr =	simm.s32 $0x1  }
0x2: {  	[smem:$0x3F79] =	sst lr;
	_ =	strace $0xD0000000  }
0x3: {  	_ = 	snop  }
0x4: {  	_ = 	snop  }
0x5: {  	_ = 	snop  }
0x6: {  	_ = 	snop  }
0x7: {  	_ = 	snop  }
__scs_overlays_trampoline_lowered:
0x8: {  	[smem:$0x3F88] =	sst s0  }
0x9: {  	[smem:$0x3F89] =	sst s1  }
0xa: {  	[smem:$0x3F8A] =	sst s2  }
0xb: {  	[smem:$0x3F8B] =	sst s3  }
0xc: {  	[smem:$0x3F8C] =	sst s4  }
0xd: {  	[smem:$0x3F8D] =	sst s5  }
0xe: {  	[smem:$0x3F8E] =	sst s6  }
0xf: {  	[smem:$0x3F8F] =	sst s7  }
0x10: {  	[smem:$0x3F90] =	sst s8  }
0x11: {  	[smem:$0x3F91] =	sst s9;
	s0 =	simm.s32 @!p0 $0x0  }
0x12: {  	s1 =	sld [smem:$0x3F77];
	s0 =	simm.s32 @p0 $0x1  }
0x13: {  	[smem:$0x3F92] =	sst s0;
	s0 =	simm.s32 @!p1 $0x0  }
0x14: {  	s2 =	sld [smem:$0x3F76];
	s0 =	simm.s32 @p1 $0x1  }
0x15: {  	[smem:$0x3F93] =	sst s0;
	s0 =	simm.s32 @!p2 $0x0  }
0x16: {  	s3 =	sld [smem:$0x3FDB];
	s0 =	simm.s32 @p2 $0x1  }
0x17: {  	s4 =	simm.s32 $0x1BF5;
	[smem:$0x3F95] =	sst s0  }
0x18: {  	s0 =	sld [smem:$0x3F78];
	_ =	swait.ge [sflag:s4], $0x0  }
0x19: {  	s7 =	sld [smem:$0x3F79]  }
0x1a: {  	s8 =	sadd.s32 $0xFFFFE003, lr  }
0x1b: {  	s9 =	sadd.s32 $0xFFFFFEF7, lr;
	s5 =	simm.s32 $0xFFFFFFFF;
	p2 =	slt.u32 s8, $0xFFFFF086  }
0x1c: {  	p1 =	slt.u32 s9, $0xF7A;
	s5 =	simm.s32 @!p2 $0x0  }
0x1d: {  	s5 =	simm.s32 @p1 $0x1;
	p0 =	seq.s32 s7, s2  }
0x1e: {  	s7 =	smul.u32 @!p0 $0xF7A, s2;
	p2 =	seq.s32 @!p0 s5, $0x0  }
0x1f: {  	s9 =	smul.u32 $0xF7A, s1;
	s8 =	simm.s32 @!p0 $0x1BF5;
	p2 =	por !p2, p0  }
0x20: {  	[sflag:s8] =	ssyncset.s32 @!p0 $0xFFFFF086;
	s6 =	sadd.s32 @!p0 s3, s7;
	s7 =	simm.s32 @!p0 $0x108  }
0x21: {  	s3 =	sadd.s32 s3, s9;
	s6 =	sadd.s32 @!p0 $0x88, s6;
	s7 =	simm.s32 @p2 $0x1082  }
0x22: {  	[simem:s7], [sflag:s8] =	dma.local @!p0 [hbm:s6], $0xF7A  }
0x23: {  	s9 =	sor.u32 $0xD0000000, s2;
	s6 =	simm.s32 $0x108;
	_ =	swait.ge @!p0 [sflag:s8], $0x0  }
0x24: {  	s3 =	sadd.s32 $0x88, s3;
	s6 =	simm.s32 @!p1 $0x1082;
	[sflag:s4] =	ssyncset.s32 $0xFFFFF086  }
0x25: {  	[simem:s6], [sflag:s4] =	dma.local [hbm:s3], $0xF7A  }
0x26: {  	[smem:$0x3F79] =	sst s1;
	(tag) =	ssettag s2;
	_ =	strace s9  }
0x27: {  	s1 =	sld [smem:$0x3F89]  }
0x28: {  	s2 =	sld [smem:$0x3F8A]  }
0x29: {  	s4 =	sld [smem:$0x3F8C]  }
0x2a: {  	p0 =	seq.s32 s5, $0x0;
	s5 =	sld [smem:$0x3F8D]  }
0x2b: {  	s6 =	sld [smem:$0x3F8E]  }
0x2c: {  	s7 =	sld [smem:$0x3F8F]  }
0x2d: {  	s3 =	simm.s32 $0x108;
	s8 =	sld [smem:$0x3F90]  }
0x2e: {  	s3 =	simm.s32 @!p0 $0x1082;
	s9 =	sld [smem:$0x3F91]  }
0x2f: {  	lr =	sadd.s32 s0, s3;
	s0 =	sld [smem:$0x3F88]  }
0x30: {  	s3 =	sld [smem:$0x3F8B]  }
0x31: {  	[smem:$0x3F94] =	sst s10  }
0x32: {  	s10 =	sld [smem:$0x3F92];
	_ =	sdelay $0x3  }
0x33: {  	p0 =	seq.s32 s10, $0x1;
	s10 =	sld [smem:$0x3F94];
	_ =	sdelay $0x3  }
0x34: {  	[smem:$0x3F94] =	sst s10  }
0x35: {  	s10 =	sld [smem:$0x3F93];
	_ =	sdelay $0x3  }
0x36: {  	p1 =	seq.s32 s10, $0x1;
	s10 =	sld [smem:$0x3F94];
	_ =	sdelay $0x3  }
0x37: {  	[smem:$0x3F94] =	sst s10  }
0x38: {  	s10 =	sld [smem:$0x3F95]  }
0x39: {  	_ = 	snop;
	(pc) =	sbr.ind lr, $3  }
0x3a: {  	_ = 	snop  }
0x3b: {  	_ = 	snop  }
0x3c: {  	p2 =	seq.s32 s10, $0x1;
	s10 =	sld [smem:$0x3F94]  }
0x3d: {  	_ =	shalt  }
0x3e: {  	_ =	shalt  }
0x3f: {  	_ =	shalt  }
0x40: {  	_ =	shalt  }
0x41: {  	_ =	shalt  }
0x42: {  	_ =	shalt  }
0x43: {  	_ =	shalt  }
0x44: {  	_ =	shalt  }
0x45: {  	_ =	shalt  }
0x46: {  	_ =	shalt  }
0x47: {  	_ =	shalt  }
0x48: {  	_ =	shalt  }
0x49: {  	_ =	shalt  }
0x4a: {  	_ =	shalt  }
0x4b: {  	_ =	shalt  }
0x4c: {  	_ =	shalt  }
0x4d: {  	_ =	shalt  }
0x4e: {  	_ =	shalt  }
0x4f: {  	_ =	shalt  }
0x50: {  	_ =	shalt  }
0x51: {  	_ =	shalt  }
0x52: {  	_ =	shalt  }
0x53: {  	_ =	shalt  }
0x54: {  	_ =	shalt  }
0x55: {  	_ =	shalt  }
0x56: {  	_ =	shalt  }
0x57: {  	_ =	shalt  }
0x58: {  	_ =	shalt  }
0x59: {  	_ =	shalt  }
0x5a: {  	_ =	shalt  }
0x5b: {  	_ =	shalt  }
0x5c: {  	_ =	shalt  }
0x5d: {  	_ =	shalt  }
0x5e: {  	_ =	shalt  }
0x5f: {  	_ =	shalt  }
0x60: {  	_ =	shalt  }
0x61: {  	_ =	shalt  }
0x62: {  	_ =	shalt  }
0x63: {  	_ =	shalt  }
0x64: {  	_ =	shalt  }
0x65: {  	_ =	shalt  }
0x66: {  	_ =	shalt  }
0x67: {  	_ =	shalt  }
0x68: {  	_ =	shalt  }
0x69: {  	_ =	shalt  }
0x6a: {  	_ =	shalt  }
0x6b: {  	_ =	shalt  }
0x6c: {  	_ =	shalt  }
0x6d: {  	_ =	shalt  }
0x6e: {  	_ =	shalt  }
0x6f: {  	_ =	shalt  }
0x70: {  	_ =	shalt  }
0x71: {  	_ =	shalt  }
0x72: {  	_ =	shalt  }
0x73: {  	_ =	shalt  }
0x74: {  	_ =	shalt  }
0x75: {  	_ =	shalt  }
0x76: {  	_ =	shalt  }
0x77: {  	_ =	shalt  }
0x78: {  	_ =	shalt  }
0x79: {  	_ =	shalt  }
0x7a: {  	_ =	shalt  }
0x7b: {  	_ =	shalt  }
0x7c: {  	_ =	shalt  }
0x7d: {  	_ =	shalt  }
0x7e: {  	_ =	shalt  }
0x7f: {  	_ =	shalt  }
0x80: {  	_ =	shalt  }
0x81: {  	_ =	shalt  }
0x82: {  	_ =	shalt  }
0x83: {  	_ =	shalt  }
0x84: {  	_ =	shalt  }
0x85: {  	_ =	shalt  }
0x86: {  	_ =	shalt  }
0x87: {  	_ =	shalt  }
.Lfunc_end0:
.L_simem_size_0:
called_computation.1_lowered:
.L_overlay_start_0:
0x88: {  	s2 =	sld [smem:$0x3FD9]  }
0x89: {  	s3 =	sld [smem:$0x3FFE];
	_ =	sdelay $0x1  }
0x8a: {  	s1 =	srdreg.scid  }
0x8b: {  	s0 =	sand.u32 $0x1, s1  }
0x8c: {  	s16 =	sshll.u32 s0, $0xA;
	s2 =	sadd.s32 s3, s2  }
0x8d: {  	s2 =	sadd.s32 s2, s16  }
0x8e: {  	[smem:$0x3FA0] =	sst s2  }
0x8f: {  	_ = 	snop  }
0x90: {  	(tm) =	ssettm $0x1  }
0x91: {  	s17 =	sld [smem:$0x3FFB];
	_ =	sdelay $0x3  }
0x92: {  	_ =	strace s17  }
0x93: {  	s2 =	sld [smem:$0x3FFC];
	_ =	sdelay $0x3  }
0x94: {  	_ =	strace s2  }
0x95: {  	s2 =	sld [smem:$0x3FFD];
	_ =	sdelay $0x3  }
0x96: {  	_ =	strace s2  }
0x97: {  	_ =	strace $0x8FFFFFFF  }
0x98: {  	s18 =	sld [smem:$0x3FDB];
	_ =	sdelay $0x1  }
0x99: {  	s19 =	simm.s32 $_scs_section_size  }
0x9a: {  	s4 =	simm.s32 $_size__tile_overlayer_lowered;
	s5 =	simm.s32 $_tile_overlayer_lowered  }
0x9b: {  	s22 =	simm.s32 $0x1BFF;
	s21 =	sshll.u32 s5, $0x1;
	s2 =	sadd.s32 s19, s18  }
0x9c: {  	s6 =	simm.s32 $0x0;
	s20 =	sshll.u32 s4, $0x1;
	s4 =	sadd.s32 s21, s2  }
0x9d: {  	[timem:s6], [sflag:s22] =	dma.local [hbm:s4], s20  }
0x9e: {  	_ =	swait.ge [sflag:s22], s20  }
0x9f: {  	s3 =	ssub.s32 $0x0, s20;
	[sflag:s22] =	ssyncset.done $0x0  }
0xa0: {  	[sflag:s22] =	ssyncadd.s32 s3;
	_ =	sdelay $0x1  }
0xa1: {  	s23 =	simm.s32 $0x1B8B  }
0xa2: {  	_ =	swait.ge [sflag:s23], $0x1  }
0xa3: {  	[sflag:s23] =	ssyncset.done $0x0  }
0xa4: {  	s25 =	simm.s32 $0x1B8E;
	s24 =	sld [smem:$0x3FFE];
	[sflag:s23] =	ssyncadd.s32 $0xFFFFFFFF  }
0xa5: {  	s26 =	simm.s32 $execute0_lowered;
	[smem:$0x3FD2] =	sst s25  }
0xa6: {  	s4 =	sshll.u32 s26, $0x1;
	_ =	strace $0x80000049;
	[dreg:$0x1] =	wrdreg $0xFFFFFFFF  }
0xa7: {  	s28 =	simm.s32 $_size_execute0_lowered;
	s2 =	sadd.s32 s2, s4;
	[dreg:$0x0] =	wrdreg $0x0  }
0xa8: {  	s4 =	sshll.u32 s28, $0x1;
	[dreg:$0x2] =	wrdreg s2  }
0xa9: {  	[dreg:$0x3] =	wrdreg s4  }
0xaa: {  	[dreg:$0x4] =	wrdreg $0xC0  }
0xab: {  	_ =	task [dreg:s6], $0x5FFFF  }
0xac: {  	[dreg:$0x1] =	wrdreg $0xFFFFFFFF  }
0xad: {  	[dreg:$0x0] =	wrdreg $0x60  }
0xae: {  	[dreg:$0x2] =	wrdreg s24  }
0xaf: {  	[dreg:$0x3] =	wrdreg $0x40000  }
0xb0: {  	[dreg:$0x4] =	wrdreg $0x9  }
0xb1: {  	_ =	task.clear_ibuf [dreg:s6], $0x5FFFF;
	_ =	strace $0x90000049  }
0xb2: {  	s29 =	simm.s32 $0x9;
	_ =	strace $0x8000004B  }
0xb3: {  	_ =	swait.ge [sflag:s29], $0x1  }
0xb4: {  	[sflag:s29] =	ssyncadd.s32 $0xFFFFFFFF  }
0xb5: {  	_ =	strace $0x9000004B  }
0xb6: {  	_ =	sfence  }
0xb7: {  	s30 =	sld [smem:$0x0];
	_ =	sdelay $0x2  }
0xb8: {  	s31 =	sshll.u32 s1, $0xD;
	s1 =	sshrl.u32 s1, $0x2  }
0xb9: {  	s3 =	sand.u32 $0x4000, s31;
	s1 =	sadd.s32 s1, s30  }
0xba: {  	s0 =	sor.u32 s3, s0;
	s1 =	sshll.u32 s1, $0x11  }
0xbb: {  	s0 =	sor.u32 s1, s0  }
0xbc: {  	s0 =	sadd.s32 $0x8F2B, s0  }
0xbd: {  	[sflag:s0] =	ssyncadd.remote.s32 $0x1  }
0xbe: {  	_ =	sfence.sel $0xFFFF  }
0xbf: {  	[dreg:$0x0] =	wrdreg $0xFFFFFFFF;
	(pc) =	sbr.abs _section_cstart, $3  }
0xc0: {  	[dreg:$0x1] =	wrdreg $0xFFFFFFFF  }
0xc1: {  	_ =	task.clear_ibuf [dreg:s6], $0x2FFFF;
	_ =	strace $0x9FFFFFFF  }
0xc2: {  	(tm) =	ssettm $0x7FFFFFFF  }
0xc3: {  	_ =	shalt  }
tec
execute0_lowered:
.L_overlay_start_1:
0x0: {  	(tag) =	ssettag $0x1  }
0x1: {  	s5 =	rddreg [dreg:$0x0]  }
0x2: {  	s0 =	srdreg.scid;
	s1 =	rddreg [dreg:$0x1]  }
0x3: {  	s8 =	stileid.u32;
	s2 =	simm.s32 $0x0;
	s11 =	simm.s32 $0x1C00  }
0x4: {  	s12 =	simm.s32 $0x80;
	s13 =	simm.s32 $0x3800;
	s14 =	simm.s32 $0x3C00  }
0x5: {  	s15 =	simm.s32 $0x1;
	s16 =	simm.s32 $0x2;
	s17 =	simm.s32 $0x3780  }
0x6: {  	s18 =	simm.s32 $0x1B00;
	s3 =	sand.u32 $0x1, s0;
	s0 =	rddreg [dreg:$0x2]  }
0x7: {  	s19 =	simm.s32 $0x1B80;
	[smem:$0x7FF] =	sst s2;
	p0 =	sne.s32 s8, $0x0  }
0x8: {  	s4 =	sshll.u32 s3, $0x4;
	_ =	strace $0x8000004A;
	s7 =	smul.u32 $0x18E70, s3  }
0x9: {  	s9 =	ssub.s32 $0x2, s3;
	s3 =	sadd.s32 $0x5C00, s5;
	s4 =	sor.u32 s8, s4  }
0xa: {  	s10 =	sshrl.u32 s9, $0x1;
	s4 =	smul.u32 $0x1880, s4;
	s7 =	sadd.s32 s7, s5  }
0xb: {  	s9 =	ssub.s32 s9, s10;
	s10 =	simm.s32 $0x3;
	s7 =	sadd.s32 $0x556E00, s7  }
0xc: {  	s8 =	smax.u32 s9, $0x1;
	s6 =	sadd.s32 s4, s5;
	s4 =	sadd.s32 $0x53DE00, s5  }
0xd: {  	s9 =	sshrl.u32 @!p0 s1, $0x3;
	s5 =	sadd.s32 $0x50CE00, s6;
	s6 =	sadd.s32 $0x36C00, s6  }
.LBB2_1:
0xe: {  	s20 =	simm.s32 @!p0 $0x1C03  }
0xf: {  	[spmem:s9], [sflag:s20] =	dma.local @!p0 [hbm:s4], $0x18E70  }
0x10: {  	s20 =	simm.s32 @!p0 $0x3  }
0x11: {  	_ =	swait.ge @!p0 [sflag:s20], $0x18E70  }
0x12: {  	[sflag:s20] =	ssyncset.done @!p0 $0x0  }
0x13: {  	[sflag:s20] =	ssyncadd.s32 @!p0 $0xFFFE7190  }
0x14: {  	s20 =	simm.s32 $0x0;
	[bflag:$0x0] =	sbarrier.arrive $0xFFFF  }
.LBB2_2:
0x15: {  	s21 =	smul.u32 $0x380, s20;
	_ =	sdelay $0x1  }
0x16: {  	s23 =	simm.s32 $0x0;
	s22 =	sadd.s32 s21, s5  }
0x17: {  	[tilespmem:s23], [sflag:$0x3] =	stream.linear.gather [hbm4b:s22+s23], $0x1C00, $0x38;
	[tilespmem:$0x10738] =	vst v63  }
0x18: {  	_ =	swait.ge [sflag:s10], $0x1C00  }
0x19: {  	[sflag:s10] =	ssyncset.done $0x0  }
0x1a: {  	s21 =	sadd.s32 s21, s6;
	[sflag:s10] =	ssyncadd.s32 $0xFFFFE400  }
0x1b: {  	[tilespmem:s11], [sflag:$0x3] =	stream.linear.gather [hbm4b:s21+s23], $0x1C00, $0x38;
	[tilespmem:$0x10738] =	vst v63  }
0x1c: {  	_ =	swait.ge [sflag:s10], $0x1C00  }
0x1d: {  	[sflag:s10] =	ssyncset.done $0x0  }
0x1e: {  	[sflag:s10] =	ssyncadd.s32 $0xFFFFE400  }
0x1f: {  	[tilespmem:s13], [sflag:$0x1] =	stream.indirect.gather [hbm4b:s3+s12], $0x8, s11, s12, $0xb8;
	[tilespmem:$0x10738] =	vst v63  }
0x20: {  	s28 =	simm.s32 $0x1C80  }
0x21: {  	[tilespmem:s14], [sflag:$0x2] =	stream.indirect.gather [hbm4b:s3+s12], $0x8, s28, s12, $0xb8;
	[tilespmem:$0x10738] =	vst v63  }
0x22: {  	_ =	swait.ge [sflag:s15], $0x400  }
0x23: {  	[sflag:s15] =	ssyncset.done $0x0  }
0x24: {  	s29 =	simm.s32 $0x0;
	[sflag:s15] =	ssyncadd.s32 $0xFFFFFC00  }
0x25: {  	[spmem:s1] =	stream.indirect.scatter.add.f32 [tilespmem:s13], [sflag:$0x3], $0x8, s29, s12, $0xb8;
	[tilespmem:$0x10738] =	vst v63  }
0x26: {  	_ =	swait.ge [sflag:s10], $0x400  }
0x27: {  	[sflag:s10] =	ssyncset.done $0x0  }
0x28: {  	s30 =	simm.s32 $0x1D00;
	[sflag:s10] =	ssyncadd.s32 $0xFFFFFC00  }
0x29: {  	[tilespmem:s13], [sflag:$0x1] =	stream.indirect.gather [hbm4b:s3+s12], $0x8, s30, s12, $0xb8;
	[tilespmem:$0x10738] =	vst v63  }
0x2a: {  	_ =	swait.ge [sflag:s16], $0x400  }
0x2b: {  	[sflag:s16] =	ssyncset.done $0x0  }
0x2c: {  	s31 =	simm.s32 $0x80;
	[sflag:s16] =	ssyncadd.s32 $0xFFFFFC00  }
0x2d: {  	[spmem:s1] =	stream.indirect.scatter.add.f32 [tilespmem:s14], [sflag:$0x3], $0x8, s31, s12, $0xb8;
	[tilespmem:$0x10738] =	vst v63  }
0x2e: {  	_ =	swait.ge [sflag:s10], $0x400  }
0x2f: {  	s22 =	simm.s32 $0x800;
	s21 =	simm.s32 $0x100;
	[sflag:s10] =	ssyncset.done $0x0  }
.LBB2_3:
0x30: {  	s23 =	sadd.s32 $0x1C80, s21  }
0x31: {  	[sflag:s10] =	ssyncadd.s32 $0xFFFFFC00;
	s24 =	smov.u32 s22;
	s25 =	sadd.s32 $0x400, s22  }
0x32: {  	[tilespmem:s14], [sflag:$0x2] =	stream.indirect.gather [hbm4b:s3+s12], $0x8, s23, s12, $0xb8;
	[tilespmem:$0x10738] =	vst v63  }
0x33: {  	p1 =	sne.s32 s22, $0x6800;
	_ =	swait.ge [sflag:s15], $0x400  }
0x34: {  	[sflag:s15] =	ssyncset.done $0x0  }
0x35: {  	[sflag:s15] =	ssyncadd.s32 $0xFFFFFC00  }
0x36: {  	[spmem:s1] =	stream.indirect.scatter.add.f32 [tilespmem:s13], [sflag:$0x3], $0x8, s21, s12, $0xb8;
	[tilespmem:$0x10738] =	vst v63  }
0x37: {  	_ =	swait.ge [sflag:s10], $0x400  }
0x38: {  	[sflag:s10] =	ssyncset.done $0x0  }
0x39: {  	s22 =	sadd.s32 $0x1D00, s21;
	[sflag:s10] =	ssyncadd.s32 $0xFFFFFC00  }
0x3a: {  	[tilespmem:s13], [sflag:$0x1] =	stream.indirect.gather [hbm4b:s3+s12], $0x8, s22, s12, $0xb8;
	[tilespmem:$0x10738] =	vst v63  }
0x3b: {  	_ =	swait.ge [sflag:s16], $0x400  }
.Ltmp0:
0x3c: {  	[sflag:s16] =	ssyncset.done $0x0;
	(pc) =	sbr.rel @p1 .LBB2_3-.Ltmp0, $4  }
0x3d: {  	s21 =	sadd.s32 $0x80, s21;
	[sflag:s16] =	ssyncadd.s32 $0xFFFFFC00  }
0x3e: {  	[spmem:s1] =	stream.indirect.scatter.add.f32 [tilespmem:s14], [sflag:$0x3], $0x8, s21, s12, $0xb8;
	[tilespmem:$0x10738] =	vst v63  }
0x3f: {  	_ =	swait.ge [sflag:s10], $0x400  }
0x40: {  	s22 =	smov.u32 s25;
	s21 =	sshra.s32 s24, $0x2;
	[sflag:s10] =	ssyncset.done $0x0  }
0x41: {  	s22 =	sadd.s32 $0x1C80, s21;
	[sflag:s10] =	ssyncadd.s32 $0xFFFFFC00  }
0x42: {  	[tilespmem:s14], [sflag:$0x2] =	stream.indirect.gather [hbm4b:s3+s12], $0x8, s22, s12, $0xb8;
	[tilespmem:$0x10738] =	vst v63  }
0x43: {  	_ =	swait.ge [sflag:s15], $0x400  }
0x44: {  	[sflag:s15] =	ssyncset.done $0x0  }
0x45: {  	[sflag:s15] =	ssyncadd.s32 $0xFFFFFC00  }
0x46: {  	[spmem:s1] =	stream.indirect.scatter.add.f32 [tilespmem:s13], [sflag:$0x3], $0x8, s21, s12, $0xb8;
	[tilespmem:$0x10738] =	vst v63  }
0x47: {  	_ =	swait.ge [sflag:s10], $0x400  }
0x48: {  	[sflag:s10] =	ssyncset.done $0x0  }
0x49: {  	s30 =	sadd.s32 $0x1D00, s21;
	[sflag:s10] =	ssyncadd.s32 $0xFFFFFC00  }
0x4a: {  	[tilespmem:s13], [sflag:$0x1] =	stream.indirect.gather [hbm4b:s3+s12], $0x8, s30, s12, $0xb8;
	[tilespmem:$0x10738] =	vst v63  }
0x4b: {  	_ =	swait.ge [sflag:s16], $0x400  }
0x4c: {  	[sflag:s16] =	ssyncset.done $0x0  }
0x4d: {  	s31 =	sadd.s32 $0x80, s21;
	[sflag:s16] =	ssyncadd.s32 $0xFFFFFC00  }
0x4e: {  	[spmem:s1] =	stream.indirect.scatter.add.f32 [tilespmem:s14], [sflag:$0x3], $0x8, s31, s12, $0xb8;
	[tilespmem:$0x10738] =	vst v63  }
0x4f: {  	_ =	swait.ge [sflag:s10], $0x400  }
0x50: {  	[sflag:s10] =	ssyncset.done $0x0  }
0x51: {  	[sflag:s10] =	ssyncadd.s32 $0xFFFFFC00  }
0x52: {  	[tilespmem:s14], [sflag:$0x2] =	stream.indirect.gather [hbm4b:s3+s12], $0x8, s17, s12, $0xb8;
	[tilespmem:$0x10738] =	vst v63  }
0x53: {  	_ =	swait.ge [sflag:s15], $0x400  }
0x54: {  	[sflag:s15] =	ssyncset.done $0x0  }
0x55: {  	[sflag:s15] =	ssyncadd.s32 $0xFFFFFC00  }
0x56: {  	[spmem:s1] =	stream.indirect.scatter.add.f32 [tilespmem:s13], [sflag:$0x3], $0x8, s18, s12, $0xb8;
	[tilespmem:$0x10738] =	vst v63  }
0x57: {  	_ =	swait.ge [sflag:s10], $0x400  }
0x58: {  	[sflag:s10] =	ssyncset.done $0x0  }
0x59: {  	[sflag:s10] =	ssyncadd.s32 $0xFFFFFC00  }
0x5a: {  	s20 =	sadd.s32 $0x1, s20;
	_ =	swait.ge [sflag:s16], $0x400  }
0x5b: {  	p1 =	sne.s32 s20, $0x7;
	[sflag:s16] =	ssyncset.done $0x0  }
.Ltmp1:
0x5c: {  	[sflag:s16] =	ssyncadd.s32 $0xFFFFFC00;
	(pc) =	sbr.rel @p1 .LBB2_2-.Ltmp1, $4  }
0x5d: {  	[spmem:s1] =	stream.indirect.scatter.add.f32 [tilespmem:s14], [sflag:$0x3], $0x8, s19, s12, $0xb8;
	[tilespmem:$0x10738] =	vst v63  }
0x5e: {  	_ =	swait.ge [sflag:s10], $0x400  }
0x5f: {  	[sflag:s10] =	ssyncset.done $0x0  }
0x60: {  	[sflag:s10] =	ssyncadd.s32 $0xFFFFFC00  }
0x61: {  	[bflag:$0x0] =	sbarrier.arrive $0xFFFF;
	s20 =	simm.s32 @!p0 $0x1C03;
	s2 =	sadd.s32 $0x1, s2  }
0x62: {  	[hbm:s7], [sflag:s20] =	dma.local @!p0 [spmem:s9], $0x18E70  }
0x63: {  	p1 =	sne.s32 s2, s8  }
.Ltmp2:
0x64: {  	_ = 	snop;
	(pc) =	sbr.rel @p1 .LBB2_1-.Ltmp2, $4  }
0x65: {  	s20 =	simm.s32 @!p0 $0x3  }
0x66: {  	_ =	swait.ge @!p0 [sflag:s20], $0x18E70  }
0x67: {  	[sflag:s20] =	ssyncset.done @!p0 $0x0  }
0x68: {  	[sflag:s20] =	ssyncadd.s32 @!p0 $0xFFFE7190  }
0x69: {  	_ =	sfence.sel $0x180000  }
0x6a: {  	[bflag:$0x0] =	sbarrier.arrive $0xFFFF  }
0x6b: {  	_ =	strace $0x9000004A  }
0x6c: {  	s0 =	sadd.s32 @!p0 $0x100000, s0;
	[bflag:$0x2] =	sbarrier.arrive $0xFFFF  }
0x6d: {  	[sflag:s0] =	ssyncadd.tile.s32 @!p0 $0x1;
	_ =	shalt  }
.Lfunc_end2:
_tile_overlayer_lowered:
.L_overlay_start_2:
0x6e: {  	(tag) =	ssettag $0x2  }
0x6f: {  	s0 =	rddreg [dreg:$0x0];
	s2 =	stileid.u32  }
0x70: {  	s1 =	rddreg [dreg:$0x1];
	p0 =	sne.s32 s2, $0x0  }
0x71: {  	s3 =	rddreg [dreg:$0x2];
	[bflag:$0x3] =	sbarrier.arrive $0xFFFF;
	s2 =	simm.s32 @!p0 $0x1C03  }
0x72: {  	[timem:s3], [sflag:s2] =	dma.local @!p0 [hbm:s0], s1  }
0x73: {  	s0 =	simm.s32 @!p0 $0x3  }
0x74: {  	_ =	swait.ge @!p0 [sflag:s0], s1  }
0x75: {  	s1 =	ssub.s32 @!p0 $0x0, s1;
	[sflag:s0] =	ssyncset.done @!p0 $0x0  }
0x76: {  	[sflag:s0] =	ssyncadd.s32 @!p0 s1  }
0x77: {  	[bflag:$0x3] =	sbarrier.arrive $0xFFFF  }
0x78: {  	_ =	shalt  }

// kernel: kernel.9.cloned.1.call-start
scs
__scs_entry_jumppad:
0x0: {  	(pc) =	sbr.rel $0x88, $3  }
0x1: {  	(tag) =	ssettag $0x0;
	lr =	simm.s32 $0x1  }
0x2: {  	[smem:$0x3F79] =	sst lr;
	_ =	strace $0xD0000000  }
0x3: {  	_ = 	snop  }
0x4: {  	_ = 	snop  }
0x5: {  	_ = 	snop  }
0x6: {  	_ = 	snop  }
0x7: {  	_ = 	snop  }
__scs_overlays_trampoline_lowered:
0x8: {  	[smem:$0x3F88] =	sst s0  }
0x9: {  	[smem:$0x3F89] =	sst s1  }
0xa: {  	[smem:$0x3F8A] =	sst s2  }
0xb: {  	[smem:$0x3F8B] =	sst s3  }
0xc: {  	[smem:$0x3F8C] =	sst s4  }
0xd: {  	[smem:$0x3F8D] =	sst s5  }
0xe: {  	[smem:$0x3F8E] =	sst s6  }
0xf: {  	[smem:$0x3F8F] =	sst s7  }
0x10: {  	[smem:$0x3F90] =	sst s8  }
0x11: {  	[smem:$0x3F91] =	sst s9;
	s0 =	simm.s32 @!p0 $0x0  }
0x12: {  	s1 =	sld [smem:$0x3F77];
	s0 =	simm.s32 @p0 $0x1  }
0x13: {  	[smem:$0x3F92] =	sst s0;
	s0 =	simm.s32 @!p1 $0x0  }
0x14: {  	s2 =	sld [smem:$0x3F76];
	s0 =	simm.s32 @p1 $0x1  }
0x15: {  	[smem:$0x3F93] =	sst s0;
	s0 =	simm.s32 @!p2 $0x0  }
0x16: {  	s3 =	sld [smem:$0x3FDB];
	s0 =	simm.s32 @p2 $0x1  }
0x17: {  	s4 =	simm.s32 $0x1BF5;
	[smem:$0x3F95] =	sst s0  }
0x18: {  	s0 =	sld [smem:$0x3F78];
	_ =	swait.ge [sflag:s4], $0x0  }
0x19: {  	s7 =	sld [smem:$0x3F79]  }
0x1a: {  	s8 =	sadd.s32 $0xFFFFE003, lr  }
0x1b: {  	s9 =	sadd.s32 $0xFFFFFEF7, lr;
	s5 =	simm.s32 $0xFFFFFFFF;
	p2 =	slt.u32 s8, $0xFFFFF086  }
0x1c: {  	p1 =	slt.u32 s9, $0xF7A;
	s5 =	simm.s32 @!p2 $0x0  }
0x1d: {  	s5 =	simm.s32 @p1 $0x1;
	p0 =	seq.s32 s7, s2  }
0x1e: {  	s7 =	smul.u32 @!p0 $0xF7A, s2;
	p2 =	seq.s32 @!p0 s5, $0x0  }
0x1f: {  	s9 =	smul.u32 $0xF7A, s1;
	s8 =	simm.s32 @!p0 $0x1BF5;
	p2 =	por !p2, p0  }
0x20: {  	[sflag:s8] =	ssyncset.s32 @!p0 $0xFFFFF086;
	s6 =	sadd.s32 @!p0 s3, s7;
	s7 =	simm.s32 @!p0 $0x108  }
0x21: {  	s3 =	sadd.s32 s3, s9;
	s6 =	sadd.s32 @!p0 $0x88, s6;
	s7 =	simm.s32 @p2 $0x1082  }
0x22: {  	[simem:s7], [sflag:s8] =	dma.local @!p0 [hbm:s6], $0xF7A  }
0x23: {  	s9 =	sor.u32 $0xD0000000, s2;
	s6 =	simm.s32 $0x108;
	_ =	swait.ge @!p0 [sflag:s8], $0x0  }
0x24: {  	s3 =	sadd.s32 $0x88, s3;
	s6 =	simm.s32 @!p1 $0x1082;
	[sflag:s4] =	ssyncset.s32 $0xFFFFF086  }
0x25: {  	[simem:s6], [sflag:s4] =	dma.local [hbm:s3], $0xF7A  }
0x26: {  	[smem:$0x3F79] =	sst s1;
	(tag) =	ssettag s2;
	_ =	strace s9  }
0x27: {  	s1 =	sld [smem:$0x3F89]  }
0x28: {  	s2 =	sld [smem:$0x3F8A]  }
0x29: {  	s4 =	sld [smem:$0x3F8C]  }
0x2a: {  	p0 =	seq.s32 s5, $0x0;
	s5 =	sld [smem:$0x3F8D]  }
0x2b: {  	s6 =	sld [smem:$0x3F8E]  }
0x2c: {  	s7 =	sld [smem:$0x3F8F]  }
0x2d: {  	s3 =	simm.s32 $0x108;
	s8 =	sld [smem:$0x3F90]  }
0x2e: {  	s3 =	simm.s32 @!p0 $0x1082;
	s9 =	sld [smem:$0x3F91]  }
0x2f: {  	lr =	sadd.s32 s0, s3;
	s0 =	sld [smem:$0x3F88]  }
0x30: {  	s3 =	sld [smem:$0x3F8B]  }
0x31: {  	[smem:$0x3F94] =	sst s10  }
0x32: {  	s10 =	sld [smem:$0x3F92];
	_ =	sdelay $0x3  }
0x33: {  	p0 =	seq.s32 s10, $0x1;
	s10 =	sld [smem:$0x3F94];
	_ =	sdelay $0x3  }
0x34: {  	[smem:$0x3F94] =	sst s10  }
0x35: {  	s10 =	sld [smem:$0x3F93];
	_ =	sdelay $0x3  }
0x36: {  	p1 =	seq.s32 s10, $0x1;
	s10 =	sld [smem:$0x3F94];
	_ =	sdelay $0x3  }
0x37: {  	[smem:$0x3F94] =	sst s10  }
0x38: {  	s10 =	sld [smem:$0x3F95]  }
0x39: {  	_ = 	snop;
	(pc) =	sbr.ind lr, $3  }
0x3a: {  	_ = 	snop  }
0x3b: {  	_ = 	snop  }
0x3c: {  	p2 =	seq.s32 s10, $0x1;
	s10 =	sld [smem:$0x3F94]  }
0x3d: {  	_ =	shalt  }
0x3e: {  	_ =	shalt  }
0x3f: {  	_ =	shalt  }
0x40: {  	_ =	shalt  }
0x41: {  	_ =	shalt  }
0x42: {  	_ =	shalt  }
0x43: {  	_ =	shalt  }
0x44: {  	_ =	shalt  }
0x45: {  	_ =	shalt  }
0x46: {  	_ =	shalt  }
0x47: {  	_ =	shalt  }
0x48: {  	_ =	shalt  }
0x49: {  	_ =	shalt  }
0x4a: {  	_ =	shalt  }
0x4b: {  	_ =	shalt  }
0x4c: {  	_ =	shalt  }
0x4d: {  	_ =	shalt  }
0x4e: {  	_ =	shalt  }
0x4f: {  	_ =	shalt  }
0x50: {  	_ =	shalt  }
0x51: {  	_ =	shalt  }
0x52: {  	_ =	shalt  }
0x53: {  	_ =	shalt  }
0x54: {  	_ =	shalt  }
0x55: {  	_ =	shalt  }
0x56: {  	_ =	shalt  }
0x57: {  	_ =	shalt  }
0x58: {  	_ =	shalt  }
0x59: {  	_ =	shalt  }
0x5a: {  	_ =	shalt  }
0x5b: {  	_ =	shalt  }
0x5c: {  	_ =	shalt  }
0x5d: {  	_ =	shalt  }
0x5e: {  	_ =	shalt  }
0x5f: {  	_ =	shalt  }
0x60: {  	_ =	shalt  }
0x61: {  	_ =	shalt  }
0x62: {  	_ =	shalt  }
0x63: {  	_ =	shalt  }
0x64: {  	_ =	shalt  }
0x65: {  	_ =	shalt  }
0x66: {  	_ =	shalt  }
0x67: {  	_ =	shalt  }
0x68: {  	_ =	shalt  }
0x69: {  	_ =	shalt  }
0x6a: {  	_ =	shalt  }
0x6b: {  	_ =	shalt  }
0x6c: {  	_ =	shalt  }
0x6d: {  	_ =	shalt  }
0x6e: {  	_ =	shalt  }
0x6f: {  	_ =	shalt  }
0x70: {  	_ =	shalt  }
0x71: {  	_ =	shalt  }
0x72: {  	_ =	shalt  }
0x73: {  	_ =	shalt  }
0x74: {  	_ =	shalt  }
0x75: {  	_ =	shalt  }
0x76: {  	_ =	shalt  }
0x77: {  	_ =	shalt  }
0x78: {  	_ =	shalt  }
0x79: {  	_ =	shalt  }
0x7a: {  	_ =	shalt  }
0x7b: {  	_ =	shalt  }
0x7c: {  	_ =	shalt  }
0x7d: {  	_ =	shalt  }
0x7e: {  	_ =	shalt  }
0x7f: {  	_ =	shalt  }
0x80: {  	_ =	shalt  }
0x81: {  	_ =	shalt  }
0x82: {  	_ =	shalt  }
0x83: {  	_ =	shalt  }
0x84: {  	_ =	shalt  }
0x85: {  	_ =	shalt  }
0x86: {  	_ =	shalt  }
0x87: {  	_ =	shalt  }
.Lfunc_end0:
.L_simem_size_0:
called_computation_lowered:
.L_overlay_start_0:
0x88: {  	s2 =	sld [smem:$0x3FD9]  }
0x89: {  	s3 =	sld [smem:$0x3FFE];
	_ =	sdelay $0x1  }
0x8a: {  	s1 =	srdreg.scid  }
0x8b: {  	s0 =	sand.u32 $0x1, s1  }
0x8c: {  	s16 =	sshll.u32 s0, $0xA;
	s2 =	sadd.s32 s3, s2  }
0x8d: {  	s2 =	sadd.s32 s2, s16  }
0x8e: {  	[smem:$0x3FA0] =	sst s2  }
0x8f: {  	_ = 	snop  }
0x90: {  	(tm) =	ssettm $0x1  }
0x91: {  	s17 =	sld [smem:$0x3FFB];
	_ =	sdelay $0x3  }
0x92: {  	_ =	strace s17  }
0x93: {  	s2 =	sld [smem:$0x3FFC];
	_ =	sdelay $0x3  }
0x94: {  	_ =	strace s2  }
0x95: {  	s2 =	sld [smem:$0x3FFD];
	_ =	sdelay $0x3  }
0x96: {  	_ =	strace s2  }
0x97: {  	_ =	strace $0x8FFFFFFF  }
0x98: {  	s18 =	sld [smem:$0x3FDB];
	_ =	sdelay $0x1  }
0x99: {  	s19 =	simm.s32 $_scs_section_size  }
0x9a: {  	s4 =	simm.s32 $_size__tile_overlayer_lowered;
	s5 =	simm.s32 $_tile_overlayer_lowered  }
0x9b: {  	s22 =	simm.s32 $0x1BFF;
	s21 =	sshll.u32 s5, $0x1;
	s2 =	sadd.s32 s19, s18  }
0x9c: {  	s6 =	simm.s32 $0x0;
	s20 =	sshll.u32 s4, $0x1;
	s4 =	sadd.s32 s21, s2  }
0x9d: {  	[timem:s6], [sflag:s22] =	dma.local [hbm:s4], s20  }
0x9e: {  	_ =	swait.ge [sflag:s22], s20  }
0x9f: {  	s3 =	ssub.s32 $0x0, s20;
	[sflag:s22] =	ssyncset.done $0x0  }
0xa0: {  	[sflag:s22] =	ssyncadd.s32 s3;
	_ =	sdelay $0x1  }
0xa1: {  	s23 =	simm.s32 $0x1B8B  }
0xa2: {  	_ =	swait.ge [sflag:s23], $0x1  }
0xa3: {  	[sflag:s23] =	ssyncset.done $0x0  }
0xa4: {  	s25 =	simm.s32 $0x1B8E;
	s24 =	sld [smem:$0x3FFE];
	[sflag:s23] =	ssyncadd.s32 $0xFFFFFFFF  }
0xa5: {  	s26 =	simm.s32 $execute0_lowered;
	[smem:$0x3FD2] =	sst s25  }
0xa6: {  	s4 =	sshll.u32 s26, $0x1;
	_ =	strace $0x80000046;
	[dreg:$0x1] =	wrdreg $0xFFFFFFFF  }
0xa7: {  	s28 =	simm.s32 $_size_execute0_lowered;
	s2 =	sadd.s32 s2, s4;
	[dreg:$0x0] =	wrdreg $0x0  }
0xa8: {  	s4 =	sshll.u32 s28, $0x1;
	[dreg:$0x2] =	wrdreg s2  }
0xa9: {  	[dreg:$0x3] =	wrdreg s4  }
0xaa: {  	[dreg:$0x4] =	wrdreg $0xC0  }
0xab: {  	_ =	task [dreg:s6], $0x5FFFF  }
0xac: {  	[dreg:$0x1] =	wrdreg $0xFFFFFFFF  }
0xad: {  	[dreg:$0x0] =	wrdreg $0x60  }
0xae: {  	[dreg:$0x2] =	wrdreg s24  }
0xaf: {  	[dreg:$0x3] =	wrdreg $0xC4800  }
0xb0: {  	[dreg:$0x4] =	wrdreg $0x9  }
0xb1: {  	_ =	task.clear_ibuf [dreg:s6], $0x5FFFF;
	_ =	strace $0x90000046  }
0xb2: {  	s29 =	simm.s32 $0x9;
	_ =	strace $0x80000048  }
0xb3: {  	_ =	swait.ge [sflag:s29], $0x1  }
0xb4: {  	[sflag:s29] =	ssyncadd.s32 $0xFFFFFFFF  }
0xb5: {  	_ =	strace $0x90000048  }
0xb6: {  	_ =	sfence  }
0xb7: {  	s30 =	sld [smem:$0x0];
	_ =	sdelay $0x2  }
0xb8: {  	s31 =	sshll.u32 s1, $0xD;
	s1 =	sshrl.u32 s1, $0x2  }
0xb9: {  	s3 =	sand.u32 $0x4000, s31;
	s1 =	sadd.s32 s1, s30  }
0xba: {  	s0 =	sor.u32 s3, s0;
	s1 =	sshll.u32 s1, $0x11  }
0xbb: {  	s0 =	sor.u32 s1, s0  }
0xbc: {  	s0 =	sadd.s32 $0x8F2B, s0  }
0xbd: {  	[sflag:s0] =	ssyncadd.remote.s32 $0x1  }
0xbe: {  	_ =	sfence.sel $0xFFFF  }
0xbf: {  	[dreg:$0x0] =	wrdreg $0xFFFFFFFF;
	(pc) =	sbr.abs _section_cstart, $3  }
0xc0: {  	[dreg:$0x1] =	wrdreg $0xFFFFFFFF  }
0xc1: {  	_ =	task.clear_ibuf [dreg:s6], $0x2FFFF;
	_ =	strace $0x9FFFFFFF  }
0xc2: {  	(tm) =	ssettm $0x7FFFFFFF  }
0xc3: {  	_ =	shalt  }
tec
execute0_lowered:
.L_overlay_start_1:
0x0: {  	(tag) =	ssettag $0x1  }
0x1: {  	s0 =	srdreg.scid  }
0x2: {  	s4 =	rddreg [dreg:$0x0];
	s6 =	stileid.u32  }
0x3: {  	s1 =	rddreg [dreg:$0x1];
	s2 =	simm.s32 $0x0;
	s10 =	simm.s32 $0xC400  }
0x4: {  	s11 =	simm.s32 $0x0;
	s3 =	sand.u32 $0x1, s0;
	s0 =	rddreg [dreg:$0x2]  }
0x5: {  	[smem:$0x7FF] =	sst s2;
	p0 =	sne.s32 s6, $0x0;
	s5 =	sshll.u32 s3, $0x4  }
0x6: {  	s8 =	ssub.s32 $0x2, s3;
	_ =	strace $0x80000047;
	s7 =	sor.u32 s6, s5  }
0x7: {  	s9 =	sshrl.u32 s8, $0x1;
	s5 =	sadd.s32 s5, s4;
	s7 =	smul.u32 $0x1880, s7  }
0x8: {  	s3 =	sadd.s32 $0x67C00, s4;
	s8 =	ssub.s32 s8, s9;
	s5 =	sadd.s32 $0x6AE00, s5  }
0x9: {  	s9 =	simm.s32 $0x80;
	s6 =	smax.u32 s8, $0x1;
	s7 =	sadd.s32 s7, s4  }
0xa: {  	v0 =	vimm.f32 $1.000000000e+00;
	s8 =	simm.s32 $0x1;
	s4 =	sadd.s32 $0x5C00, s7;
	s7 =	sshrl.u32 @!p0 s1, $0x3  }
.LBB2_1:
0xb: {  	s12 =	simm.s32 @!p0 $0x1C01  }
0xc: {  	[spmem:s7], [sflag:s12] =	dma.local @!p0 [hbm:s3], $0x31D0  }
0xd: {  	s12 =	simm.s32 @!p0 $0x1  }
0xe: {  	_ =	swait.ge @!p0 [sflag:s12], $0x31D0  }
0xf: {  	[sflag:s12] =	ssyncset.done @!p0 $0x0  }
0x10: {  	[sflag:s12] =	ssyncadd.s32 @!p0 $0xFFFFCE30  }
0x11: {  	[tilespmem:$0xC400] =	vst v0  }
0x12: {  	[tilespmem:$0xC410] =	vst v0  }
0x13: {  	[tilespmem:$0xC420] =	vst v0  }
0x14: {  	[tilespmem:$0xC430] =	vst v0  }
0x15: {  	[tilespmem:$0xC440] =	vst v0  }
0x16: {  	[tilespmem:$0xC450] =	vst v0  }
0x17: {  	[tilespmem:$0xC460] =	vst v0  }
0x18: {  	[tilespmem:$0xC470] =	vst v0  }
0x19: {  	[tilespmem:s2], [sflag:$0x1] =	stream.linear.gather [hbm4b:s4+s2], $0xC400, $0x38;
	[tilespmem:$0xDD68] =	vst v63  }
0x1a: {  	_ =	swait.ge [sflag:s8], $0xC400  }
0x1b: {  	[sflag:s8] =	ssyncset.done $0x0  }
0x1c: {  	[sflag:s8] =	ssyncadd.s32 $0xFFFF3C00  }
0x1d: {  	s31 =	simm.s32 $0x0;
	[bflag:$0x0] =	sbarrier.arrive $0xFFFF  }
0x1e: {  	[spmem:s1] =	stream.indirect.scatter.add.f32 [tilespmem:s10], [sflag:$0x1], $0x1, s31, s9, $0xb8;
	[tilespmem:$0xDD68] =	vst v63  }
0x1f: {  	_ =	swait.ge [sflag:s8], $0x80  }
0x20: {  	s12 =	simm.s32 $0x200;
	[sflag:s8] =	ssyncset.done $0x0  }
.LBB2_2:
0x21: {  	s13 =	sshra.s32 s12, $0x2;
	[sflag:s8] =	ssyncadd.s32 $0xFFFFFF80;
	p1 =	sne.s32 s12, $0x30E00  }
0x22: {  	[spmem:s1] =	stream.indirect.scatter.add.f32 [tilespmem:s10], [sflag:$0x1], $0x1, s13, s9, $0xb8;
	[tilespmem:$0xDD68] =	vst v63  }
.Ltmp0:
0x23: {  	_ = 	snop;
	(pc) =	sbr.rel @p1 .LBB2_2-.Ltmp0, $4  }
0x24: {  	_ = 	snop  }
0x25: {  	s12 =	sadd.s32 $0x200, s12  }
0x26: {  	_ =	swait.ge [sflag:s8], $0x80  }
0x27: {  	[sflag:s8] =	ssyncset.done $0x0  }
0x28: {  	[sflag:s8] =	ssyncadd.s32 $0xFFFFFF80;
	s12 =	simm.s32 @!p0 $0x1;
	s11 =	sadd.s32 $0x1, s11  }
0x29: {  	s13 =	simm.s32 @!p0 $0x20;
	s14 =	simm.s32 @!p0 $0x10;
	p1 =	sne.s32 s11, s6  }
.Ltmp1:
0x2a: {  	s15 =	simm.s32 @!p0 $0x1C01;
	[bflag:$0x0] =	sbarrier.arrive $0xFFFF;
	(pc) =	sbr.rel @p1 .LBB2_1-.Ltmp1, $4  }
0x2b: {  	[hbm:s5@s13], [sflag:s15] =	dma.strided @!p0 [spmem:s7@s14], $0x31D0, s12, $0x10   }
0x2c: {  	_ =	swait.ge @!p0 [sflag:s12], $0x31D0  }
0x2d: {  	[sflag:s12] =	ssyncset.done @!p0 $0x0  }
0x2e: {  	[sflag:s12] =	ssyncadd.s32 @!p0 $0xFFFFCE30  }
0x2f: {  	_ =	sfence.sel $0x180000  }
0x30: {  	[bflag:$0x0] =	sbarrier.arrive $0xFFFF  }
0x31: {  	_ =	strace $0x90000047  }
0x32: {  	s0 =	sadd.s32 @!p0 $0x100000, s0;
	[bflag:$0x2] =	sbarrier.arrive $0xFFFF  }
0x33: {  	[sflag:s0] =	ssyncadd.tile.s32 @!p0 $0x1;
	_ =	shalt  }
.Lfunc_end2:
_tile_overlayer_lowered:
.L_overlay_start_2:
0x34: {  	(tag) =	ssettag $0x2  }
0x35: {  	s0 =	rddreg [dreg:$0x0];
	s2 =	stileid.u32  }
0x36: {  	s1 =	rddreg [dreg:$0x1];
	p0 =	sne.s32 s2, $0x0  }
0x37: {  	s3 =	rddreg [dreg:$0x2];
	[bflag:$0x3] =	sbarrier.arrive $0xFFFF;
	s2 =	simm.s32 @!p0 $0x1C01  }
0x38: {  	[timem:s3], [sflag:s2] =	dma.local @!p0 [hbm:s0], s1  }
0x39: {  	s0 =	simm.s32 @!p0 $0x1  }
0x3a: {  	_ =	swait.ge @!p0 [sflag:s0], s1  }
0x3b: {  	s1 =	ssub.s32 @!p0 $0x0, s1;
	[sflag:s0] =	ssyncset.done @!p0 $0x0  }
0x3c: {  	[sflag:s0] =	ssyncadd.s32 @!p0 s1  }
0x3d: {  	[bflag:$0x3] =	sbarrier.arrive $0xFFFF  }
0x3e: {  	_ =	shalt  }

</sc_bundles>
